<compile_context>
chip_gen: v7x
topology: tpu7x:2x2x1
jax: 0.10.2.dev20260603
libtpu: 0.0.44.dev20260713+nightly
codegen_flags: <defaults>
</compile_context>

<pallas_src>
import functools

import jax
import jax.numpy as jnp
from jax import lax
from jax.experimental import pallas as pl
from jax.experimental.pallas import tpu as pltpu
from jax.experimental.pallas import tpu_sc as plsc

_CARD = 10000


def _sc_workers():
    try:
        info = plsc.get_sparse_core_info()
        return info.num_cores, info.num_subcores
    except Exception:
        return 2, 16


def _build(B, F, D, NC, NS):
    NW = NC * NS
    NB = B // 128
    DT = D // 8
    n_tiles = F * NB
    G = 4
    n_groups_w = n_tiles // (NW * G)
    GBLK = DT * G * 8 * 128

    mesh = plsc.VectorSubcoreMesh(core_axis_name="c", subcore_axis_name="s")

    @functools.partial(
        pl.kernel,
        mesh=mesh,
        compiler_params=pltpu.CompilerParams(use_tc_tiling_on_sc=False,
                                             needs_layout_passes=False),
        out_type=jax.ShapeDtypeStruct((F * DT * NB * 8 * 128,), jnp.float32),
        scratch_types=[
            pltpu.VMEM((4, G, 128), jnp.int32),
            pltpu.VMEM((4, G, 128, D), jnp.float32),
            pltpu.VMEM((2 * GBLK,), jnp.float32),
            pltpu.VMEM((F, D), jnp.float32),
            [pltpu.SemaphoreType.DMA] * 4,
            [pltpu.SemaphoreType.DMA] * 4,
            [pltpu.SemaphoreType.DMA] * 2,
        ],
    )
    def run(idx_hbm, table_hbm, bias_hbm, out_hbm,
            idx_v, rows_v, outb_v, bias_v, isems, gsems, ssems):
        cid = lax.axis_index("c")
        sid = lax.axis_index("s")
        wid = sid * NC + cid
        t_base = wid * n_groups_w * G

        pltpu.sync_copy(bias_hbm, bias_v)

        def fkey(g):
            t0 = t_base + g * G
            return lax.div(t0, NB), lax.rem(t0, NB)

        def prep_a(g, p):
            f, bt0 = fkey(g)
            pltpu.async_copy(idx_hbm.at[f, pl.ds(bt0, G)], idx_v.at[p],
                             isems[p])

        def prep_b(g, p):
            pltpu.make_async_copy(idx_hbm.at[0, pl.ds(0, G)], idx_v.at[p],
                                  isems[p]).wait()
            f, _ = fkey(g)
            seg = table_hbm.at[pl.ds(f * _CARD, _CARD)]
            for j in range(G):
                pltpu.async_copy(seg.at[idx_v.at[p, j]],
                                 rows_v.at[p, j], gsems[p])

        def proc(g, p, o):
            for j in range(G):
                pltpu.make_async_copy(table_hbm.at[idx_v.at[p, j]],
                                      rows_v.at[p, j], gsems[p]).wait()

            f, bt0 = fkey(g)
            b0 = bias_v[f, pl.ds(0, 16)]
            b1 = bias_v[f, pl.ds(16, 16)]
            lanes = lax.iota(jnp.int32, 16)
            c0 = (lanes >> 3) * (G * 8 * 128) + (lanes & 7) * 128 + o * GBLK
            c1 = ((lanes + 16) >> 3) * (G * 8 * 128) \
                + ((lanes + 16) & 7) * 128 + o * GBLK

            @plsc.parallel_loop(0, G * 128, unroll=4)
            def _tp(rr):
                j = rr >> 7
                r = rr & 127
                s = jnp.full((16,), j * 1024 + r, dtype=jnp.int32)
                plsc.store_scatter(outb_v, [c0 + s],
                                   rows_v[p, j, r, pl.ds(0, 16)] + b0)
                plsc.store_scatter(outb_v, [c1 + s],
                                   rows_v[p, j, r, pl.ds(16, 16)] + b1)

            base = f * (DT * NB * 8 * 128) + bt0 * 1024
            for dt in range(DT):
                pltpu.async_copy(
                    outb_v.at[pl.ds(o * GBLK + dt * (G * 8 * 128),
                                    G * 8 * 128)],
                    out_hbm.at[pl.ds(base + dt * (NB * 8 * 128),
                                     G * 8 * 128)],
                    ssems[o])

        def wait_store(o):
            for dt in range(DT):
                pltpu.make_async_copy(
                    outb_v.at[pl.ds(o * GBLK, G * 8 * 128)],
                    out_hbm.at[pl.ds(0, G * 8 * 128)], ssems[o]).wait()

        for k in range(4):
            prep_a(k, k)
        prep_b(0, 0)
        prep_b(1, 1)

        @pl.loop(0, n_groups_w // 4)
        def _main(cc):
            gq = cc * 4
            for j in range(4):
                g = gq + j
                p2 = (j + 2) % 4

                @pl.when(g + 2 < n_groups_w)
                def _():
                    prep_b(g + 2, p2)

                @pl.when(g >= 2)
                def _():
                    wait_store(j % 2)
                proc(g, j, j % 2)

                @pl.when(g + 4 < n_groups_w)
                def _():
                    prep_a(g + 4, j)

        wait_store(0)
        wait_store(1)

    return run


def kernel(inputs, table, bias):
    B, F = inputs.shape
    D = table.shape[1]
    NC, NS = _sc_workers()
    NB = B // 128
    DT = D // 8

    idx_t = inputs.astype(jnp.int32).T.reshape(F, NB, 128)

    run = _build(B, F, D, NC, NS)
    out_flat = run(idx_t, table, bias.astype(jnp.float32))
    out = (out_flat.reshape(F, DT, NB, 8, 128)
           .transpose(2, 4, 0, 1, 3).reshape(B, F, D))
    return out

# --- scband reference (transcript-rebuilt; emitter-appended) ---
"""Pipeline reference for scband-categorical-feature-tokenizer-46153718563349 (READ-ONLY COPY).

The authoritative reference and input builder live on the scoring server;
editing this copy changes nothing except your own understanding.
"""

import jax, jax.numpy as jnp
import numpy as np

CARDINALITIES = [10000] * 100
D_TOKEN = 32
BATCH = 16384


def setup_inputs(seed: int = 0) -> dict:
    key = jax.random.key(seed)
    k1, k2, k3 = jax.random.split(key, 3)
    n_features = len(CARDINALITIES)
    total_vocab = int(sum(CARDINALITIES))
    s = 1.0 / np.sqrt(D_TOKEN)
    inputs = jax.random.randint(k1, (BATCH, n_features), 0, 10000, dtype=jnp.int64 if jax.config.read('jax_enable_x64') else jnp.int32)
    table = jax.random.uniform(k2, (total_vocab, D_TOKEN), minval=-s, maxval=s, dtype=jnp.float32)
    bias = jax.random.uniform(k3, (n_features, D_TOKEN), minval=-s, maxval=s, dtype=jnp.float32)
    return {"inputs": inputs, "table": table, "bias": bias}


def reference(inputs, table, bias):
    category_offsets = jnp.asarray(np.cumsum([0] + CARDINALITIES[:-1]), dtype=inputs.dtype)
    x = inputs + category_offsets[None, :]
    tokens = jnp.take(table, x, axis=0)  # [B, F, D]
    tokens = tokens + bias[None, :, :]
    return tokens

if __name__ == "__main__":
    import jax
    _d = setup_inputs()
    print(jax.jit(kernel)(*tuple(_d.values())))

</pallas_src>

<mosaic_0001>
#map = affine_map<(d0, d1) -> (0, 0, 0)>
#map1 = affine_map<(d0, d1) -> (0, 0)>
#map2 = affine_map<(d0, d1) -> (0)>
module attributes {stable_mosaic.version = 14 : i64} {
  func.func @run(%arg0: i32, %arg1: i32, %arg2: memref<100x128x128xi32, #tpu.memory_space<hbm>>, %arg3: memref<1000000x32xf32, #tpu.memory_space<hbm>>, %arg4: memref<100x32xf32, #tpu.memory_space<hbm>>, %arg5: memref<52428800xf32, #tpu.memory_space<hbm>>, %arg6: memref<4x4x128xi32, #tpu.memory_space<vmem>>, %arg7: memref<4x4x128x32xf32, #tpu.memory_space<vmem>>, %arg8: memref<32768xf32, #tpu.memory_space<vmem>>, %arg9: memref<100x32xf32, #tpu.memory_space<vmem>>, %arg10: memref<!tpu.dma_semaphore, #tpu.memory_space<semaphore_mem>>, %arg11: memref<!tpu.dma_semaphore, #tpu.memory_space<semaphore_mem>>, %arg12: memref<!tpu.dma_semaphore, #tpu.memory_space<semaphore_mem>>, %arg13: memref<!tpu.dma_semaphore, #tpu.memory_space<semaphore_mem>>, %arg14: memref<!tpu.dma_semaphore, #tpu.memory_space<semaphore_mem>>, %arg15: memref<!tpu.dma_semaphore, #tpu.memory_space<semaphore_mem>>, %arg16: memref<!tpu.dma_semaphore, #tpu.memory_space<semaphore_mem>>, %arg17: memref<!tpu.dma_semaphore, #tpu.memory_space<semaphore_mem>>, %arg18: memref<!tpu.dma_semaphore, #tpu.memory_space<semaphore_mem>>, %arg19: memref<!tpu.dma_semaphore, #tpu.memory_space<semaphore_mem>>) attributes {dimension_semantics = [#tpu.dimension_semantics<core_parallel>, #tpu.dimension_semantics<subcore_parallel>], iteration_bounds = array<i64: 2, 16>, scalar_prefetch = 0 : i64, scratch_operands = 14 : i64, tpu.core_type = #tpu.core_type<sc_vector_subcore>, window_params = [{transform_indices = #map}, {transform_indices = #map1}, {transform_indices = #map1}, {transform_indices = #map2}]} {
    %mul3A = arith.constant 2 : i32
    %mul3A_0 = arith.muli %arg1, %mul3A : i32
    %add3A = arith.addi %mul3A_0, %arg0 : i32
    %mul3A_1 = arith.constant 100 : i32
    %mul3A_2 = arith.muli %add3A, %mul3A_1 : i32
    %mul3A_3 = arith.constant 4 : i32
    %mul3A_4 = arith.muli %mul3A_2, %mul3A_3 : i32
    "tpu.region"() ({
      %run_scoped3A = tpu.sem_alloc : memref<!tpu.dma_semaphore, #tpu.memory_space<semaphore_mem>>
      tpu.enqueue_dma source(%arg4 : memref<100x32xf32, #tpu.memory_space<hbm>>) target(%arg9 : memref<100x32xf32, #tpu.memory_space<vmem>>) target_semaphore(%run_scoped3A : memref<!tpu.dma_semaphore, #tpu.memory_space<semaphore_mem>>)
      tpu.wait_dma2 semaphore(%run_scoped3A : memref<!tpu.dma_semaphore, #tpu.memory_space<semaphore_mem>>) src(%arg4 : memref<100x32xf32, #tpu.memory_space<hbm>>) dst(%arg9 : memref<100x32xf32, #tpu.memory_space<vmem>>)
      tpu.yield
    }) : () -> ()
    %add3A_5 = arith.constant 0 : i32
    %add3A_6 = arith.addi %mul3A_4, %add3A_5 : i32
    %div3A = arith.constant 128 : i32
    %div3A_7 = arith.divsi %add3A_6, %div3A : i32
    %rem3A = arith.constant 128 : i32
    %rem3A_8 = arith.remsi %add3A_6, %rem3A : i32
    %dma_start3A = arith.constant 0 : i32
    %dma_start3A_9 = arith.constant 0 : i32
    %dma_start3A_10 = arith.constant 0 : i32
    %dma_start3A_11 = tpu.memref_slice %arg6[%dma_start3A, %dma_start3A_9, %dma_start3A_10] : memref<4x4x128xi32, #tpu.memory_space<vmem>> -> memref<1x4x128xi32, #tpu.memory_space<vmem>>
    %dma_start3A_12 = tpu.memref_squeeze %dma_start3A_11 : memref<1x4x128xi32, #tpu.memory_space<vmem>> -> memref<4x128xi32, #tpu.memory_space<vmem>>
    %dma_start3A_13 = arith.constant 0 : i32
    %dma_start3A_14 = tpu.memref_slice %arg2[%div3A_7, %rem3A_8, %dma_start3A_13] : memref<100x128x128xi32, #tpu.memory_space<hbm>> -> memref<1x4x128xi32, #tpu.memory_space<hbm>>
    %dma_start3A_15 = tpu.memref_squeeze %dma_start3A_14 : memref<1x4x128xi32, #tpu.memory_space<hbm>> -> memref<4x128xi32, #tpu.memory_space<hbm>>
    %dma_start3A_16 = arith.constant 0 : i32
    %dma_start3A_17 = arith.constant 0 : i32
    %dma_start3A_18 = tpu.memref_slice %arg6[%dma_start3A, %dma_start3A_16, %dma_start3A_17] : memref<4x4x128xi32, #tpu.memory_space<vmem>> -> memref<1x4x128xi32, #tpu.memory_space<vmem>>
    %dma_start3A_19 = tpu.memref_squeeze %dma_start3A_18 : memref<1x4x128xi32, #tpu.memory_space<vmem>> -> memref<4x128xi32, #tpu.memory_space<vmem>>
    %dma_start3A_20 = arith.constant 0 : i32
    %dma_start3A_21 = tpu.memref_slice %arg2[%div3A_7, %rem3A_8, %dma_start3A_20] : memref<100x128x128xi32, #tpu.memory_space<hbm>> -> memref<1x4x128xi32, #tpu.memory_space<hbm>>
    %dma_start3A_22 = tpu.memref_squeeze %dma_start3A_21 : memref<1x4x128xi32, #tpu.memory_space<hbm>> -> memref<4x128xi32, #tpu.memory_space<hbm>>
    tpu.enqueue_dma source(%dma_start3A_22 : memref<4x128xi32, #tpu.memory_space<hbm>>) target(%dma_start3A_19 : memref<4x128xi32, #tpu.memory_space<vmem>>) target_semaphore(%arg10 : memref<!tpu.dma_semaphore, #tpu.memory_space<semaphore_mem>>)
    %add3A_23 = arith.constant 4 : i32
    %add3A_24 = arith.addi %mul3A_4, %add3A_23 : i32
    %div3A_25 = arith.constant 128 : i32
    %div3A_26 = arith.divsi %add3A_24, %div3A_25 : i32
    %rem3A_27 = arith.constant 128 : i32
    %rem3A_28 = arith.remsi %add3A_24, %rem3A_27 : i32
    %dma_start3A_29 = arith.constant 1 : i32
    %dma_start3A_30 = arith.constant 0 : i32
    %dma_start3A_31 = arith.constant 0 : i32
    %dma_start3A_32 = tpu.memref_slice %arg6[%dma_start3A_29, %dma_start3A_30, %dma_start3A_31] : memref<4x4x128xi32, #tpu.memory_space<vmem>> -> memref<1x4x128xi32, #tpu.memory_space<vmem>>
    %dma_start3A_33 = tpu.memref_squeeze %dma_start3A_32 : memref<1x4x128xi32, #tpu.memory_space<vmem>> -> memref<4x128xi32, #tpu.memory_space<vmem>>
    %dma_start3A_34 = arith.constant 0 : i32
    %dma_start3A_35 = tpu.memref_slice %arg2[%div3A_26, %rem3A_28, %dma_start3A_34] : memref<100x128x128xi32, #tpu.memory_space<hbm>> -> memref<1x4x128xi32, #tpu.memory_space<hbm>>
    %dma_start3A_36 = tpu.memref_squeeze %dma_start3A_35 : memref<1x4x128xi32, #tpu.memory_space<hbm>> -> memref<4x128xi32, #tpu.memory_space<hbm>>
    %dma_start3A_37 = arith.constant 0 : i32
    %dma_start3A_38 = arith.constant 0 : i32
    %dma_start3A_39 = tpu.memref_slice %arg6[%dma_start3A_29, %dma_start3A_37, %dma_start3A_38] : memref<4x4x128xi32, #tpu.memory_space<vmem>> -> memref<1x4x128xi32, #tpu.memory_space<vmem>>
    %dma_start3A_40 = tpu.memref_squeeze %dma_start3A_39 : memref<1x4x128xi32, #tpu.memory_space<vmem>> -> memref<4x128xi32, #tpu.memory_space<vmem>>
    %dma_start3A_41 = arith.constant 0 : i32
    %dma_start3A_42 = tpu.memref_slice %arg2[%div3A_26, %rem3A_28, %dma_start3A_41] : memref<100x128x128xi32, #tpu.memory_space<hbm>> -> memref<1x4x128xi32, #tpu.memory_space<hbm>>
    %dma_start3A_43 = tpu.memref_squeeze %dma_start3A_42 : memref<1x4x128xi32, #tpu.memory_space<hbm>> -> memref<4x128xi32, #tpu.memory_space<hbm>>
    tpu.enqueue_dma source(%dma_start3A_43 : memref<4x128xi32, #tpu.memory_space<hbm>>) target(%dma_start3A_40 : memref<4x128xi32, #tpu.memory_space<vmem>>) target_semaphore(%arg11 : memref<!tpu.dma_semaphore, #tpu.memory_space<semaphore_mem>>)
    %add3A_44 = arith.constant 8 : i32
    %add3A_45 = arith.addi %mul3A_4, %add3A_44 : i32
    %div3A_46 = arith.constant 128 : i32
    %div3A_47 = arith.divsi %add3A_45, %div3A_46 : i32
    %rem3A_48 = arith.constant 128 : i32
    %rem3A_49 = arith.remsi %add3A_45, %rem3A_48 : i32
    %dma_start3A_50 = arith.constant 2 : i32
    %dma_start3A_51 = arith.constant 0 : i32
    %dma_start3A_52 = arith.constant 0 : i32
    %dma_start3A_53 = tpu.memref_slice %arg6[%dma_start3A_50, %dma_start3A_51, %dma_start3A_52] : memref<4x4x128xi32, #tpu.memory_space<vmem>> -> memref<1x4x128xi32, #tpu.memory_space<vmem>>
    %dma_start3A_54 = tpu.memref_squeeze %dma_start3A_53 : memref<1x4x128xi32, #tpu.memory_space<vmem>> -> memref<4x128xi32, #tpu.memory_space<vmem>>
    %dma_start3A_55 = arith.constant 0 : i32
    %dma_start3A_56 = tpu.memref_slice %arg2[%div3A_47, %rem3A_49, %dma_start3A_55] : memref<100x128x128xi32, #tpu.memory_space<hbm>> -> memref<1x4x128xi32, #tpu.memory_space<hbm>>
    %dma_start3A_57 = tpu.memref_squeeze %dma_start3A_56 : memref<1x4x128xi32, #tpu.memory_space<hbm>> -> memref<4x128xi32, #tpu.memory_space<hbm>>
    %dma_start3A_58 = arith.constant 0 : i32
    %dma_start3A_59 = arith.constant 0 : i32
    %dma_start3A_60 = tpu.memref_slice %arg6[%dma_start3A_50, %dma_start3A_58, %dma_start3A_59] : memref<4x4x128xi32, #tpu.memory_space<vmem>> -> memref<1x4x128xi32, #tpu.memory_space<vmem>>
    %dma_start3A_61 = tpu.memref_squeeze %dma_start3A_60 : memref<1x4x128xi32, #tpu.memory_space<vmem>> -> memref<4x128xi32, #tpu.memory_space<vmem>>
    %dma_start3A_62 = arith.constant 0 : i32
    %dma_start3A_63 = tpu.memref_slice %arg2[%div3A_47, %rem3A_49, %dma_start3A_62] : memref<100x128x128xi32, #tpu.memory_space<hbm>> -> memref<1x4x128xi32, #tpu.memory_space<hbm>>
    %dma_start3A_64 = tpu.memref_squeeze %dma_start3A_63 : memref<1x4x128xi32, #tpu.memory_space<hbm>> -> memref<4x128xi32, #tpu.memory_space<hbm>>
    tpu.enqueue_dma source(%dma_start3A_64 : memref<4x128xi32, #tpu.memory_space<hbm>>) target(%dma_start3A_61 : memref<4x128xi32, #tpu.memory_space<vmem>>) target_semaphore(%arg12 : memref<!tpu.dma_semaphore, #tpu.memory_space<semaphore_mem>>)
    %add3A_65 = arith.constant 12 : i32
    %add3A_66 = arith.addi %mul3A_4, %add3A_65 : i32
    %div3A_67 = arith.constant 128 : i32
    %div3A_68 = arith.divsi %add3A_66, %div3A_67 : i32
    %rem3A_69 = arith.constant 128 : i32
    %rem3A_70 = arith.remsi %add3A_66, %rem3A_69 : i32
    %dma_start3A_71 = arith.constant 3 : i32
    %dma_start3A_72 = arith.constant 0 : i32
    %dma_start3A_73 = arith.constant 0 : i32
    %dma_start3A_74 = tpu.memref_slice %arg6[%dma_start3A_71, %dma_start3A_72, %dma_start3A_73] : memref<4x4x128xi32, #tpu.memory_space<vmem>> -> memref<1x4x128xi32, #tpu.memory_space<vmem>>
    %dma_start3A_75 = tpu.memref_squeeze %dma_start3A_74 : memref<1x4x128xi32, #tpu.memory_space<vmem>> -> memref<4x128xi32, #tpu.memory_space<vmem>>
    %dma_start3A_76 = arith.constant 0 : i32
    %dma_start3A_77 = tpu.memref_slice %arg2[%div3A_68, %rem3A_70, %dma_start3A_76] : memref<100x128x128xi32, #tpu.memory_space<hbm>> -> memref<1x4x128xi32, #tpu.memory_space<hbm>>
    %dma_start3A_78 = tpu.memref_squeeze %dma_start3A_77 : memref<1x4x128xi32, #tpu.memory_space<hbm>> -> memref<4x128xi32, #tpu.memory_space<hbm>>
    %dma_start3A_79 = arith.constant 0 : i32
    %dma_start3A_80 = arith.constant 0 : i32
    %dma_start3A_81 = tpu.memref_slice %arg6[%dma_start3A_71, %dma_start3A_79, %dma_start3A_80] : memref<4x4x128xi32, #tpu.memory_space<vmem>> -> memref<1x4x128xi32, #tpu.memory_space<vmem>>
    %dma_start3A_82 = tpu.memref_squeeze %dma_start3A_81 : memref<1x4x128xi32, #tpu.memory_space<vmem>> -> memref<4x128xi32, #tpu.memory_space<vmem>>
    %dma_start3A_83 = arith.constant 0 : i32
    %dma_start3A_84 = tpu.memref_slice %arg2[%div3A_68, %rem3A_70, %dma_start3A_83] : memref<100x128x128xi32, #tpu.memory_space<hbm>> -> memref<1x4x128xi32, #tpu.memory_space<hbm>>
    %dma_start3A_85 = tpu.memref_squeeze %dma_start3A_84 : memref<1x4x128xi32, #tpu.memory_space<hbm>> -> memref<4x128xi32, #tpu.memory_space<hbm>>
    tpu.enqueue_dma source(%dma_start3A_85 : memref<4x128xi32, #tpu.memory_space<hbm>>) target(%dma_start3A_82 : memref<4x128xi32, #tpu.memory_space<vmem>>) target_semaphore(%arg13 : memref<!tpu.dma_semaphore, #tpu.memory_space<semaphore_mem>>)
    %dma_wait3A = arith.constant 0 : i32
    %dma_wait3A_86 = arith.constant 0 : i32
    %dma_wait3A_87 = arith.constant 0 : i32
    %dma_wait3A_88 = arith.constant 0 : i32
    %dma_wait3A_89 = tpu.memref_slice %arg6[%dma_wait3A_86, %dma_wait3A_87, %dma_wait3A_88] : memref<4x4x128xi32, #tpu.memory_space<vmem>> -> memref<1x4x128xi32, #tpu.memory_space<vmem>>
    %dma_wait3A_90 = tpu.memref_squeeze %dma_wait3A_89 : memref<1x4x128xi32, #tpu.memory_space<vmem>> -> memref<4x128xi32, #tpu.memory_space<vmem>>
    %dma_wait3A_91 = arith.constant 0 : i32
    %dma_wait3A_92 = arith.constant 0 : i32
    %dma_wait3A_93 = tpu.memref_slice %arg2[%dma_wait3A, %dma_wait3A_91, %dma_wait3A_92] : memref<100x128x128xi32, #tpu.memory_space<hbm>> -> memref<1x4x128xi32, #tpu.memory_space<hbm>>
    %dma_wait3A_94 = tpu.memref_squeeze %dma_wait3A_93 : memref<1x4x128xi32, #tpu.memory_space<hbm>> -> memref<4x128xi32, #tpu.memory_space<hbm>>
    %dma_wait3A_95 = arith.constant 0 : i32
    %dma_wait3A_96 = arith.constant 0 : i32
    %dma_wait3A_97 = tpu.memref_slice %arg6[%dma_wait3A_86, %dma_wait3A_95, %dma_wait3A_96] : memref<4x4x128xi32, #tpu.memory_space<vmem>> -> memref<1x4x128xi32, #tpu.memory_space<vmem>>
    %dma_wait3A_98 = tpu.memref_squeeze %dma_wait3A_97 : memref<1x4x128xi32, #tpu.memory_space<vmem>> -> memref<4x128xi32, #tpu.memory_space<vmem>>
    %dma_wait3A_99 = arith.constant 0 : i32
    %dma_wait3A_100 = arith.constant 0 : i32
    %dma_wait3A_101 = tpu.memref_slice %arg2[%dma_wait3A, %dma_wait3A_99, %dma_wait3A_100] : memref<100x128x128xi32, #tpu.memory_space<hbm>> -> memref<1x4x128xi32, #tpu.memory_space<hbm>>
    %dma_wait3A_102 = tpu.memref_squeeze %dma_wait3A_101 : memref<1x4x128xi32, #tpu.memory_space<hbm>> -> memref<4x128xi32, #tpu.memory_space<hbm>>
    tpu.wait_dma2 semaphore(%arg10 : memref<!tpu.dma_semaphore, #tpu.memory_space<semaphore_mem>>) src(%dma_wait3A_102 : memref<4x128xi32, #tpu.memory_space<hbm>>) dst(%dma_wait3A_98 : memref<4x128xi32, #tpu.memory_space<vmem>>)
    %add3A_103 = arith.constant 0 : i32
    %add3A_104 = arith.addi %mul3A_4, %add3A_103 : i32
    %div3A_105 = arith.constant 128 : i32
    %div3A_106 = arith.divsi %add3A_104, %div3A_105 : i32
    %rem3A_107 = arith.constant 128 : i32
    %rem3A_108 = arith.remsi %add3A_104, %rem3A_107 : i32
    %mul3A_109 = arith.constant 10000 : i32
    %mul3A_110 = arith.muli %div3A_106, %mul3A_109 : i32
    %dma_start3A_111 = arith.constant 0 : i32
    %dma_start3A_112 = arith.constant 0 : i32
    %dma_start3A_113 = arith.constant 0 : i32
    %dma_start3A_114 = arith.constant 0 : i32
    %dma_start3A_115 = arith.constant 0 : i32
    %dma_start3A_116 = arith.constant 0 : i32
    %dma_start3A_117 = tpu.memref_slice %arg7[%dma_start3A_113, %dma_start3A_114, %dma_start3A_115, %dma_start3A_116] : memref<4x4x128x32xf32, #tpu.memory_space<vmem>> -> memref<1x1x128x32xf32, #tpu.memory_space<vmem>>
    %dma_start3A_118 = tpu.memref_squeeze %dma_start3A_117 : memref<1x1x128x32xf32, #tpu.memory_space<vmem>> -> memref<128x32xf32, #tpu.memory_space<vmem>>
    %dma_start3A_119 = arith.constant 0 : i32
    %dma_start3A_120 = tpu.memref_slice %arg6[%dma_start3A_111, %dma_start3A_112, %dma_start3A_119] : memref<4x4x128xi32, #tpu.memory_space<vmem>> -> memref<1x1x128xi32, #tpu.memory_space<vmem>>
    %dma_start3A_121 = tpu.memref_squeeze %dma_start3A_120 : memref<1x1x128xi32, #tpu.memory_space<vmem>> -> memref<128xi32, #tpu.memory_space<vmem>>
    %dma_start3A_122 = arith.constant 0 : i32
    %dma_start3A_123 = tpu.memref_slice %arg3[%mul3A_110, %dma_start3A_122] : memref<1000000x32xf32, #tpu.memory_space<hbm>> -> memref<10000x32xf32, #tpu.memory_space<hbm>>
    %dma_start3A_124 = arith.constant 0 : i32
    %dma_start3A_125 = arith.constant 0 : i32
    %dma_start3A_126 = tpu.memref_slice %dma_start3A_123[%dma_start3A_124, %dma_start3A_125] : memref<10000x32xf32, #tpu.memory_space<hbm>> -> memref<10000x32xf32, #tpu.memory_space<hbm>>
    tpu.enqueue_indirect_dma source(%dma_start3A_126 : memref<10000x32xf32, #tpu.memory_space<hbm>>) target(%dma_start3A_118 : memref<128x32xf32, #tpu.memory_space<vmem>>) offsets(%dma_start3A_121 : memref<128xi32, #tpu.memory_space<vmem>>) semaphore(%arg14 : memref<!tpu.dma_semaphore, #tpu.memory_space<semaphore_mem>>)
    %dma_start3A_127 = arith.constant 0 : i32
    %dma_start3A_128 = arith.constant 1 : i32
    %dma_start3A_129 = arith.constant 0 : i32
    %dma_start3A_130 = arith.constant 1 : i32
    %dma_start3A_131 = arith.constant 0 : i32
    %dma_start3A_132 = arith.constant 0 : i32
    %dma_start3A_133 = tpu.memref_slice %arg7[%dma_start3A_129, %dma_start3A_130, %dma_start3A_131, %dma_start3A_132] : memref<4x4x128x32xf32, #tpu.memory_space<vmem>> -> memref<1x1x128x32xf32, #tpu.memory_space<vmem>>
    %dma_start3A_134 = tpu.memref_squeeze %dma_start3A_133 : memref<1x1x128x32xf32, #tpu.memory_space<vmem>> -> memref<128x32xf32, #tpu.memory_space<vmem>>
    %dma_start3A_135 = arith.constant 0 : i32
    %dma_start3A_136 = tpu.memref_slice %arg6[%dma_start3A_127, %dma_start3A_128, %dma_start3A_135] : memref<4x4x128xi32, #tpu.memory_space<vmem>> -> memref<1x1x128xi32, #tpu.memory_space<vmem>>
    %dma_start3A_137 = tpu.memref_squeeze %dma_start3A_136 : memref<1x1x128xi32, #tpu.memory_space<vmem>> -> memref<128xi32, #tpu.memory_space<vmem>>
    %dma_start3A_138 = arith.constant 0 : i32
    %dma_start3A_139 = tpu.memref_slice %arg3[%mul3A_110, %dma_start3A_138] : memref<1000000x32xf32, #tpu.memory_space<hbm>> -> memref<10000x32xf32, #tpu.memory_space<hbm>>
    %dma_start3A_140 = arith.constant 0 : i32
    %dma_start3A_141 = arith.constant 0 : i32
    %dma_start3A_142 = tpu.memref_slice %dma_start3A_139[%dma_start3A_140, %dma_start3A_141] : memref<10000x32xf32, #tpu.memory_space<hbm>> -> memref<10000x32xf32, #tpu.memory_space<hbm>>
    tpu.enqueue_indirect_dma source(%dma_start3A_142 : memref<10000x32xf32, #tpu.memory_space<hbm>>) target(%dma_start3A_134 : memref<128x32xf32, #tpu.memory_space<vmem>>) offsets(%dma_start3A_137 : memref<128xi32, #tpu.memory_space<vmem>>) semaphore(%arg14 : memref<!tpu.dma_semaphore, #tpu.memory_space<semaphore_mem>>)
    %dma_start3A_143 = arith.constant 0 : i32
    %dma_start3A_144 = arith.constant 2 : i32
    %dma_start3A_145 = arith.constant 0 : i32
    %dma_start3A_146 = arith.constant 2 : i32
    %dma_start3A_147 = arith.constant 0 : i32
    %dma_start3A_148 = arith.constant 0 : i32
    %dma_start3A_149 = tpu.memref_slice %arg7[%dma_start3A_145, %dma_start3A_146, %dma_start3A_147, %dma_start3A_148] : memref<4x4x128x32xf32, #tpu.memory_space<vmem>> -> memref<1x1x128x32xf32, #tpu.memory_space<vmem>>
    %dma_start3A_150 = tpu.memref_squeeze %dma_start3A_149 : memref<1x1x128x32xf32, #tpu.memory_space<vmem>> -> memref<128x32xf32, #tpu.memory_space<vmem>>
    %dma_start3A_151 = arith.constant 0 : i32
    %dma_start3A_152 = tpu.memref_slice %arg6[%dma_start3A_143, %dma_start3A_144, %dma_start3A_151] : memref<4x4x128xi32, #tpu.memory_space<vmem>> -> memref<1x1x128xi32, #tpu.memory_space<vmem>>
    %dma_start3A_153 = tpu.memref_squeeze %dma_start3A_152 : memref<1x1x128xi32, #tpu.memory_space<vmem>> -> memref<128xi32, #tpu.memory_space<vmem>>
    %dma_start3A_154 = arith.constant 0 : i32
    %dma_start3A_155 = tpu.memref_slice %arg3[%mul3A_110, %dma_start3A_154] : memref<1000000x32xf32, #tpu.memory_space<hbm>> -> memref<10000x32xf32, #tpu.memory_space<hbm>>
    %dma_start3A_156 = arith.constant 0 : i32
    %dma_start3A_157 = arith.constant 0 : i32
    %dma_start3A_158 = tpu.memref_slice %dma_start3A_155[%dma_start3A_156, %dma_start3A_157] : memref<10000x32xf32, #tpu.memory_space<hbm>> -> memref<10000x32xf32, #tpu.memory_space<hbm>>
    tpu.enqueue_indirect_dma source(%dma_start3A_158 : memref<10000x32xf32, #tpu.memory_space<hbm>>) target(%dma_start3A_150 : memref<128x32xf32, #tpu.memory_space<vmem>>) offsets(%dma_start3A_153 : memref<128xi32, #tpu.memory_space<vmem>>) semaphore(%arg14 : memref<!tpu.dma_semaphore, #tpu.memory_space<semaphore_mem>>)
    %dma_start3A_159 = arith.constant 0 : i32
    %dma_start3A_160 = arith.constant 3 : i32
    %dma_start3A_161 = arith.constant 0 : i32
    %dma_start3A_162 = arith.constant 3 : i32
    %dma_start3A_163 = arith.constant 0 : i32
    %dma_start3A_164 = arith.constant 0 : i32
    %dma_start3A_165 = tpu.memref_slice %arg7[%dma_start3A_161, %dma_start3A_162, %dma_start3A_163, %dma_start3A_164] : memref<4x4x128x32xf32, #tpu.memory_space<vmem>> -> memref<1x1x128x32xf32, #tpu.memory_space<vmem>>
    %dma_start3A_166 = tpu.memref_squeeze %dma_start3A_165 : memref<1x1x128x32xf32, #tpu.memory_space<vmem>> -> memref<128x32xf32, #tpu.memory_space<vmem>>
    %dma_start3A_167 = arith.constant 0 : i32
    %dma_start3A_168 = tpu.memref_slice %arg6[%dma_start3A_159, %dma_start3A_160, %dma_start3A_167] : memref<4x4x128xi32, #tpu.memory_space<vmem>> -> memref<1x1x128xi32, #tpu.memory_space<vmem>>
    %dma_start3A_169 = tpu.memref_squeeze %dma_start3A_168 : memref<1x1x128xi32, #tpu.memory_space<vmem>> -> memref<128xi32, #tpu.memory_space<vmem>>
    %dma_start3A_170 = arith.constant 0 : i32
    %dma_start3A_171 = tpu.memref_slice %arg3[%mul3A_110, %dma_start3A_170] : memref<1000000x32xf32, #tpu.memory_space<hbm>> -> memref<10000x32xf32, #tpu.memory_space<hbm>>
    %dma_start3A_172 = arith.constant 0 : i32
    %dma_start3A_173 = arith.constant 0 : i32
    %dma_start3A_174 = tpu.memref_slice %dma_start3A_171[%dma_start3A_172, %dma_start3A_173] : memref<10000x32xf32, #tpu.memory_space<hbm>> -> memref<10000x32xf32, #tpu.memory_space<hbm>>
    tpu.enqueue_indirect_dma source(%dma_start3A_174 : memref<10000x32xf32, #tpu.memory_space<hbm>>) target(%dma_start3A_166 : memref<128x32xf32, #tpu.memory_space<vmem>>) offsets(%dma_start3A_169 : memref<128xi32, #tpu.memory_space<vmem>>) semaphore(%arg14 : memref<!tpu.dma_semaphore, #tpu.memory_space<semaphore_mem>>)
    %dma_wait3A_175 = arith.constant 0 : i32
    %dma_wait3A_176 = arith.constant 1 : i32
    %dma_wait3A_177 = arith.constant 0 : i32
    %dma_wait3A_178 = arith.constant 0 : i32
    %dma_wait3A_179 = tpu.memref_slice %arg6[%dma_wait3A_176, %dma_wait3A_177, %dma_wait3A_178] : memref<4x4x128xi32, #tpu.memory_space<vmem>> -> memref<1x4x128xi32, #tpu.memory_space<vmem>>
    %dma_wait3A_180 = tpu.memref_squeeze %dma_wait3A_179 : memref<1x4x128xi32, #tpu.memory_space<vmem>> -> memref<4x128xi32, #tpu.memory_space<vmem>>
    %dma_wait3A_181 = arith.constant 0 : i32
    %dma_wait3A_182 = arith.constant 0 : i32
    %dma_wait3A_183 = tpu.memref_slice %arg2[%dma_wait3A_175, %dma_wait3A_181, %dma_wait3A_182] : memref<100x128x128xi32, #tpu.memory_space<hbm>> -> memref<1x4x128xi32, #tpu.memory_space<hbm>>
    %dma_wait3A_184 = tpu.memref_squeeze %dma_wait3A_183 : memref<1x4x128xi32, #tpu.memory_space<hbm>> -> memref<4x128xi32, #tpu.memory_space<hbm>>
    %dma_wait3A_185 = arith.constant 0 : i32
    %dma_wait3A_186 = arith.constant 0 : i32
    %dma_wait3A_187 = tpu.memref_slice %arg6[%dma_wait3A_176, %dma_wait3A_185, %dma_wait3A_186] : memref<4x4x128xi32, #tpu.memory_space<vmem>> -> memref<1x4x128xi32, #tpu.memory_space<vmem>>
    %dma_wait3A_188 = tpu.memref_squeeze %dma_wait3A_187 : memref<1x4x128xi32, #tpu.memory_space<vmem>> -> memref<4x128xi32, #tpu.memory_space<vmem>>
    %dma_wait3A_189 = arith.constant 0 : i32
    %dma_wait3A_190 = arith.constant 0 : i32
    %dma_wait3A_191 = tpu.memref_slice %arg2[%dma_wait3A_175, %dma_wait3A_189, %dma_wait3A_190] : memref<100x128x128xi32, #tpu.memory_space<hbm>> -> memref<1x4x128xi32, #tpu.memory_space<hbm>>
    %dma_wait3A_192 = tpu.memref_squeeze %dma_wait3A_191 : memref<1x4x128xi32, #tpu.memory_space<hbm>> -> memref<4x128xi32, #tpu.memory_space<hbm>>
    tpu.wait_dma2 semaphore(%arg11 : memref<!tpu.dma_semaphore, #tpu.memory_space<semaphore_mem>>) src(%dma_wait3A_192 : memref<4x128xi32, #tpu.memory_space<hbm>>) dst(%dma_wait3A_188 : memref<4x128xi32, #tpu.memory_space<vmem>>)
    %add3A_193 = arith.constant 4 : i32
    %add3A_194 = arith.addi %mul3A_4, %add3A_193 : i32
    %div3A_195 = arith.constant 128 : i32
    %div3A_196 = arith.divsi %add3A_194, %div3A_195 : i32
    %rem3A_197 = arith.constant 128 : i32
    %rem3A_198 = arith.remsi %add3A_194, %rem3A_197 : i32
    %mul3A_199 = arith.constant 10000 : i32
    %mul3A_200 = arith.muli %div3A_196, %mul3A_199 : i32
    %dma_start3A_201 = arith.constant 1 : i32
    %dma_start3A_202 = arith.constant 0 : i32
    %dma_start3A_203 = arith.constant 1 : i32
    %dma_start3A_204 = arith.constant 0 : i32
    %dma_start3A_205 = arith.constant 0 : i32
    %dma_start3A_206 = arith.constant 0 : i32
    %dma_start3A_207 = tpu.memref_slice %arg7[%dma_start3A_203, %dma_start3A_204, %dma_start3A_205, %dma_start3A_206] : memref<4x4x128x32xf32, #tpu.memory_space<vmem>> -> memref<1x1x128x32xf32, #tpu.memory_space<vmem>>
    %dma_start3A_208 = tpu.memref_squeeze %dma_start3A_207 : memref<1x1x128x32xf32, #tpu.memory_space<vmem>> -> memref<128x32xf32, #tpu.memory_space<vmem>>
    %dma_start3A_209 = arith.constant 0 : i32
    %dma_start3A_210 = tpu.memref_slice %arg6[%dma_start3A_201, %dma_start3A_202, %dma_start3A_209] : memref<4x4x128xi32, #tpu.memory_space<vmem>> -> memref<1x1x128xi32, #tpu.memory_space<vmem>>
    %dma_start3A_211 = tpu.memref_squeeze %dma_start3A_210 : memref<1x1x128xi32, #tpu.memory_space<vmem>> -> memref<128xi32, #tpu.memory_space<vmem>>
    %dma_start3A_212 = arith.constant 0 : i32
    %dma_start3A_213 = tpu.memref_slice %arg3[%mul3A_200, %dma_start3A_212] : memref<1000000x32xf32, #tpu.memory_space<hbm>> -> memref<10000x32xf32, #tpu.memory_space<hbm>>
    %dma_start3A_214 = arith.constant 0 : i32
    %dma_start3A_215 = arith.constant 0 : i32
    %dma_start3A_216 = tpu.memref_slice %dma_start3A_213[%dma_start3A_214, %dma_start3A_215] : memref<10000x32xf32, #tpu.memory_space<hbm>> -> memref<10000x32xf32, #tpu.memory_space<hbm>>
    tpu.enqueue_indirect_dma source(%dma_start3A_216 : memref<10000x32xf32, #tpu.memory_space<hbm>>) target(%dma_start3A_208 : memref<128x32xf32, #tpu.memory_space<vmem>>) offsets(%dma_start3A_211 : memref<128xi32, #tpu.memory_space<vmem>>) semaphore(%arg15 : memref<!tpu.dma_semaphore, #tpu.memory_space<semaphore_mem>>)
    %dma_start3A_217 = arith.constant 1 : i32
    %dma_start3A_218 = arith.constant 1 : i32
    %dma_start3A_219 = arith.constant 1 : i32
    %dma_start3A_220 = arith.constant 1 : i32
    %dma_start3A_221 = arith.constant 0 : i32
    %dma_start3A_222 = arith.constant 0 : i32
    %dma_start3A_223 = tpu.memref_slice %arg7[%dma_start3A_219, %dma_start3A_220, %dma_start3A_221, %dma_start3A_222] : memref<4x4x128x32xf32, #tpu.memory_space<vmem>> -> memref<1x1x128x32xf32, #tpu.memory_space<vmem>>
    %dma_start3A_224 = tpu.memref_squeeze %dma_start3A_223 : memref<1x1x128x32xf32, #tpu.memory_space<vmem>> -> memref<128x32xf32, #tpu.memory_space<vmem>>
    %dma_start3A_225 = arith.constant 0 : i32
    %dma_start3A_226 = tpu.memref_slice %arg6[%dma_start3A_217, %dma_start3A_218, %dma_start3A_225] : memref<4x4x128xi32, #tpu.memory_space<vmem>> -> memref<1x1x128xi32, #tpu.memory_space<vmem>>
    %dma_start3A_227 = tpu.memref_squeeze %dma_start3A_226 : memref<1x1x128xi32, #tpu.memory_space<vmem>> -> memref<128xi32, #tpu.memory_space<vmem>>
    %dma_start3A_228 = arith.constant 0 : i32
    %dma_start3A_229 = tpu.memref_slice %arg3[%mul3A_200, %dma_start3A_228] : memref<1000000x32xf32, #tpu.memory_space<hbm>> -> memref<10000x32xf32, #tpu.memory_space<hbm>>
    %dma_start3A_230 = arith.constant 0 : i32
    %dma_start3A_231 = arith.constant 0 : i32
    %dma_start3A_232 = tpu.memref_slice %dma_start3A_229[%dma_start3A_230, %dma_start3A_231] : memref<10000x32xf32, #tpu.memory_space<hbm>> -> memref<10000x32xf32, #tpu.memory_space<hbm>>
    tpu.enqueue_indirect_dma source(%dma_start3A_232 : memref<10000x32xf32, #tpu.memory_space<hbm>>) target(%dma_start3A_224 : memref<128x32xf32, #tpu.memory_space<vmem>>) offsets(%dma_start3A_227 : memref<128xi32, #tpu.memory_space<vmem>>) semaphore(%arg15 : memref<!tpu.dma_semaphore, #tpu.memory_space<semaphore_mem>>)
    %dma_start3A_233 = arith.constant 1 : i32
    %dma_start3A_234 = arith.constant 2 : i32
    %dma_start3A_235 = arith.constant 1 : i32
    %dma_start3A_236 = arith.constant 2 : i32
    %dma_start3A_237 = arith.constant 0 : i32
    %dma_start3A_238 = arith.constant 0 : i32
    %dma_start3A_239 = tpu.memref_slice %arg7[%dma_start3A_235, %dma_start3A_236, %dma_start3A_237, %dma_start3A_238] : memref<4x4x128x32xf32, #tpu.memory_space<vmem>> -> memref<1x1x128x32xf32, #tpu.memory_space<vmem>>
    %dma_start3A_240 = tpu.memref_squeeze %dma_start3A_239 : memref<1x1x128x32xf32, #tpu.memory_space<vmem>> -> memref<128x32xf32, #tpu.memory_space<vmem>>
    %dma_start3A_241 = arith.constant 0 : i32
    %dma_start3A_242 = tpu.memref_slice %arg6[%dma_start3A_233, %dma_start3A_234, %dma_start3A_241] : memref<4x4x128xi32, #tpu.memory_space<vmem>> -> memref<1x1x128xi32, #tpu.memory_space<vmem>>
    %dma_start3A_243 = tpu.memref_squeeze %dma_start3A_242 : memref<1x1x128xi32, #tpu.memory_space<vmem>> -> memref<128xi32, #tpu.memory_space<vmem>>
    %dma_start3A_244 = arith.constant 0 : i32
    %dma_start3A_245 = tpu.memref_slice %arg3[%mul3A_200, %dma_start3A_244] : memref<1000000x32xf32, #tpu.memory_space<hbm>> -> memref<10000x32xf32, #tpu.memory_space<hbm>>
    %dma_start3A_246 = arith.constant 0 : i32
    %dma_start3A_247 = arith.constant 0 : i32
    %dma_start3A_248 = tpu.memref_slice %dma_start3A_245[%dma_start3A_246, %dma_start3A_247] : memref<10000x32xf32, #tpu.memory_space<hbm>> -> memref<10000x32xf32, #tpu.memory_space<hbm>>
    tpu.enqueue_indirect_dma source(%dma_start3A_248 : memref<10000x32xf32, #tpu.memory_space<hbm>>) target(%dma_start3A_240 : memref<128x32xf32, #tpu.memory_space<vmem>>) offsets(%dma_start3A_243 : memref<128xi32, #tpu.memory_space<vmem>>) semaphore(%arg15 : memref<!tpu.dma_semaphore, #tpu.memory_space<semaphore_mem>>)
    %dma_start3A_249 = arith.constant 1 : i32
    %dma_start3A_250 = arith.constant 3 : i32
    %dma_start3A_251 = arith.constant 1 : i32
    %dma_start3A_252 = arith.constant 3 : i32
    %dma_start3A_253 = arith.constant 0 : i32
    %dma_start3A_254 = arith.constant 0 : i32
    %dma_start3A_255 = tpu.memref_slice %arg7[%dma_start3A_251, %dma_start3A_252, %dma_start3A_253, %dma_start3A_254] : memref<4x4x128x32xf32, #tpu.memory_space<vmem>> -> memref<1x1x128x32xf32, #tpu.memory_space<vmem>>
    %dma_start3A_256 = tpu.memref_squeeze %dma_start3A_255 : memref<1x1x128x32xf32, #tpu.memory_space<vmem>> -> memref<128x32xf32, #tpu.memory_space<vmem>>
    %dma_start3A_257 = arith.constant 0 : i32
    %dma_start3A_258 = tpu.memref_slice %arg6[%dma_start3A_249, %dma_start3A_250, %dma_start3A_257] : memref<4x4x128xi32, #tpu.memory_space<vmem>> -> memref<1x1x128xi32, #tpu.memory_space<vmem>>
    %dma_start3A_259 = tpu.memref_squeeze %dma_start3A_258 : memref<1x1x128xi32, #tpu.memory_space<vmem>> -> memref<128xi32, #tpu.memory_space<vmem>>
    %dma_start3A_260 = arith.constant 0 : i32
    %dma_start3A_261 = tpu.memref_slice %arg3[%mul3A_200, %dma_start3A_260] : memref<1000000x32xf32, #tpu.memory_space<hbm>> -> memref<10000x32xf32, #tpu.memory_space<hbm>>
    %dma_start3A_262 = arith.constant 0 : i32
    %dma_start3A_263 = arith.constant 0 : i32
    %dma_start3A_264 = tpu.memref_slice %dma_start3A_261[%dma_start3A_262, %dma_start3A_263] : memref<10000x32xf32, #tpu.memory_space<hbm>> -> memref<10000x32xf32, #tpu.memory_space<hbm>>
    tpu.enqueue_indirect_dma source(%dma_start3A_264 : memref<10000x32xf32, #tpu.memory_space<hbm>>) target(%dma_start3A_256 : memref<128x32xf32, #tpu.memory_space<vmem>>) offsets(%dma_start3A_259 : memref<128xi32, #tpu.memory_space<vmem>>) semaphore(%arg15 : memref<!tpu.dma_semaphore, #tpu.memory_space<semaphore_mem>>)
    %scan3A = arith.constant 0 : i32
    %scan3A_265 = arith.constant 25 : i32
    %scan3A_266 = arith.addi %scan3A, %scan3A_265 : i32
    %scan3A_267 = arith.constant 1 : i32
    scf.for %scan3A_333 = %scan3A to %scan3A_266 step %scan3A_267  : i32 {
      %mul3A_334 = arith.constant 1 : i32
      %mul3A_335 = arith.muli %scan3A_333, %mul3A_334 : i32
      %add3A_336 = arith.constant 0 : i32
      %add3A_337 = arith.addi %add3A_336, %mul3A_335 : i32
      %mul3A_338 = arith.constant 4 : i32
      %mul3A_339 = arith.muli %add3A_337, %mul3A_338 : i32
      %add3A_340 = arith.constant 0 : i32
      %add3A_341 = arith.addi %mul3A_339, %add3A_340 : i32
      %add3A_342 = arith.constant 2 : i32
      %add3A_343 = arith.addi %add3A_341, %add3A_342 : i32
      %lt3A = arith.constant 100 : i32
      %lt3A_344 = arith.cmpi slt, %add3A_343, %lt3A : i32
      %convert_element_type3A = arith.extui %lt3A_344 : i1 to i32
      %cond3A = arith.constant 0 : i32
      %cond3A_345 = arith.cmpi ne, %convert_element_type3A, %cond3A : i32
      scf.if %cond3A_345 {
        %add3A_1007 = arith.constant 2 : i32
        %add3A_1008 = arith.addi %add3A_341, %add3A_1007 : i32
        %dma_wait3A_1009 = arith.constant 0 : i32
        %dma_wait3A_1010 = arith.constant 2 : i32
        %dma_wait3A_1011 = arith.constant 0 : i32
        %dma_wait3A_1012 = arith.constant 0 : i32
        %dma_wait3A_1013 = tpu.memref_slice %arg6[%dma_wait3A_1010, %dma_wait3A_1011, %dma_wait3A_1012] : memref<4x4x128xi32, #tpu.memory_space<vmem>> -> memref<1x4x128xi32, #tpu.memory_space<vmem>>
        %dma_wait3A_1014 = tpu.memref_squeeze %dma_wait3A_1013 : memref<1x4x128xi32, #tpu.memory_space<vmem>> -> memref<4x128xi32, #tpu.memory_space<vmem>>
        %dma_wait3A_1015 = arith.constant 0 : i32
        %dma_wait3A_1016 = arith.constant 0 : i32
        %dma_wait3A_1017 = tpu.memref_slice %arg2[%dma_wait3A_1009, %dma_wait3A_1015, %dma_wait3A_1016] : memref<100x128x128xi32, #tpu.memory_space<hbm>> -> memref<1x4x128xi32, #tpu.memory_space<hbm>>
        %dma_wait3A_1018 = tpu.memref_squeeze %dma_wait3A_1017 : memref<1x4x128xi32, #tpu.memory_space<hbm>> -> memref<4x128xi32, #tpu.memory_space<hbm>>
        %dma_wait3A_1019 = arith.constant 0 : i32
        %dma_wait3A_1020 = arith.constant 0 : i32
        %dma_wait3A_1021 = tpu.memref_slice %arg6[%dma_wait3A_1010, %dma_wait3A_1019, %dma_wait3A_1020] : memref<4x4x128xi32, #tpu.memory_space<vmem>> -> memref<1x4x128xi32, #tpu.memory_space<vmem>>
        %dma_wait3A_1022 = tpu.memref_squeeze %dma_wait3A_1021 : memref<1x4x128xi32, #tpu.memory_space<vmem>> -> memref<4x128xi32, #tpu.memory_space<vmem>>
        %dma_wait3A_1023 = arith.constant 0 : i32
        %dma_wait3A_1024 = arith.constant 0 : i32
        %dma_wait3A_1025 = tpu.memref_slice %arg2[%dma_wait3A_1009, %dma_wait3A_1023, %dma_wait3A_1024] : memref<100x128x128xi32, #tpu.memory_space<hbm>> -> memref<1x4x128xi32, #tpu.memory_space<hbm>>
        %dma_wait3A_1026 = tpu.memref_squeeze %dma_wait3A_1025 : memref<1x4x128xi32, #tpu.memory_space<hbm>> -> memref<4x128xi32, #tpu.memory_space<hbm>>
        tpu.wait_dma2 semaphore(%arg12 : memref<!tpu.dma_semaphore, #tpu.memory_space<semaphore_mem>>) src(%dma_wait3A_1026 : memref<4x128xi32, #tpu.memory_space<hbm>>) dst(%dma_wait3A_1022 : memref<4x128xi32, #tpu.memory_space<vmem>>)
        %mul3A_1027 = arith.constant 4 : i32
        %mul3A_1028 = arith.muli %add3A_1008, %mul3A_1027 : i32
        %add3A_1029 = arith.addi %mul3A_4, %mul3A_1028 : i32
        %div3A_1030 = arith.constant 128 : i32
        %div3A_1031 = arith.divsi %add3A_1029, %div3A_1030 : i32
        %rem3A_1032 = arith.constant 128 : i32
        %rem3A_1033 = arith.remsi %add3A_1029, %rem3A_1032 : i32
        %mul3A_1034 = arith.constant 10000 : i32
        %mul3A_1035 = arith.muli %div3A_1031, %mul3A_1034 : i32
        %dma_start3A_1036 = arith.constant 2 : i32
        %dma_start3A_1037 = arith.constant 0 : i32
        %dma_start3A_1038 = arith.constant 2 : i32
        %dma_start3A_1039 = arith.constant 0 : i32
        %dma_start3A_1040 = arith.constant 0 : i32
        %dma_start3A_1041 = arith.constant 0 : i32
        %dma_start3A_1042 = tpu.memref_slice %arg7[%dma_start3A_1038, %dma_start3A_1039, %dma_start3A_1040, %dma_start3A_1041] : memref<4x4x128x32xf32, #tpu.memory_space<vmem>> -> memref<1x1x128x32xf32, #tpu.memory_space<vmem>>
        %dma_start3A_1043 = tpu.memref_squeeze %dma_start3A_1042 : memref<1x1x128x32xf32, #tpu.memory_space<vmem>> -> memref<128x32xf32, #tpu.memory_space<vmem>>
        %dma_start3A_1044 = arith.constant 0 : i32
        %dma_start3A_1045 = tpu.memref_slice %arg6[%dma_start3A_1036, %dma_start3A_1037, %dma_start3A_1044] : memref<4x4x128xi32, #tpu.memory_space<vmem>> -> memref<1x1x128xi32, #tpu.memory_space<vmem>>
        %dma_start3A_1046 = tpu.memref_squeeze %dma_start3A_1045 : memref<1x1x128xi32, #tpu.memory_space<vmem>> -> memref<128xi32, #tpu.memory_space<vmem>>
        %dma_start3A_1047 = arith.constant 0 : i32
        %dma_start3A_1048 = tpu.memref_slice %arg3[%mul3A_1035, %dma_start3A_1047] : memref<1000000x32xf32, #tpu.memory_space<hbm>> -> memref<10000x32xf32, #tpu.memory_space<hbm>>
        %dma_start3A_1049 = arith.constant 0 : i32
        %dma_start3A_1050 = arith.constant 0 : i32
        %dma_start3A_1051 = tpu.memref_slice %dma_start3A_1048[%dma_start3A_1049, %dma_start3A_1050] : memref<10000x32xf32, #tpu.memory_space<hbm>> -> memref<10000x32xf32, #tpu.memory_space<hbm>>
        tpu.enqueue_indirect_dma source(%dma_start3A_1051 : memref<10000x32xf32, #tpu.memory_space<hbm>>) target(%dma_start3A_1043 : memref<128x32xf32, #tpu.memory_space<vmem>>) offsets(%dma_start3A_1046 : memref<128xi32, #tpu.memory_space<vmem>>) semaphore(%arg16 : memref<!tpu.dma_semaphore, #tpu.memory_space<semaphore_mem>>)
        %dma_start3A_1052 = arith.constant 2 : i32
        %dma_start3A_1053 = arith.constant 1 : i32
        %dma_start3A_1054 = arith.constant 2 : i32
        %dma_start3A_1055 = arith.constant 1 : i32
        %dma_start3A_1056 = arith.constant 0 : i32
        %dma_start3A_1057 = arith.constant 0 : i32
        %dma_start3A_1058 = tpu.memref_slice %arg7[%dma_start3A_1054, %dma_start3A_1055, %dma_start3A_1056, %dma_start3A_1057] : memref<4x4x128x32xf32, #tpu.memory_space<vmem>> -> memref<1x1x128x32xf32, #tpu.memory_space<vmem>>
        %dma_start3A_1059 = tpu.memref_squeeze %dma_start3A_1058 : memref<1x1x128x32xf32, #tpu.memory_space<vmem>> -> memref<128x32xf32, #tpu.memory_space<vmem>>
        %dma_start3A_1060 = arith.constant 0 : i32
        %dma_start3A_1061 = tpu.memref_slice %arg6[%dma_start3A_1052, %dma_start3A_1053, %dma_start3A_1060] : memref<4x4x128xi32, #tpu.memory_space<vmem>> -> memref<1x1x128xi32, #tpu.memory_space<vmem>>
        %dma_start3A_1062 = tpu.memref_squeeze %dma_start3A_1061 : memref<1x1x128xi32, #tpu.memory_space<vmem>> -> memref<128xi32, #tpu.memory_space<vmem>>
        %dma_start3A_1063 = arith.constant 0 : i32
        %dma_start3A_1064 = tpu.memref_slice %arg3[%mul3A_1035, %dma_start3A_1063] : memref<1000000x32xf32, #tpu.memory_space<hbm>> -> memref<10000x32xf32, #tpu.memory_space<hbm>>
        %dma_start3A_1065 = arith.constant 0 : i32
        %dma_start3A_1066 = arith.constant 0 : i32
        %dma_start3A_1067 = tpu.memref_slice %dma_start3A_1064[%dma_start3A_1065, %dma_start3A_1066] : memref<10000x32xf32, #tpu.memory_space<hbm>> -> memref<10000x32xf32, #tpu.memory_space<hbm>>
        tpu.enqueue_indirect_dma source(%dma_start3A_1067 : memref<10000x32xf32, #tpu.memory_space<hbm>>) target(%dma_start3A_1059 : memref<128x32xf32, #tpu.memory_space<vmem>>) offsets(%dma_start3A_1062 : memref<128xi32, #tpu.memory_space<vmem>>) semaphore(%arg16 : memref<!tpu.dma_semaphore, #tpu.memory_space<semaphore_mem>>)
        %dma_start3A_1068 = arith.constant 2 : i32
        %dma_start3A_1069 = arith.constant 2 : i32
        %dma_start3A_1070 = arith.constant 2 : i32
        %dma_start3A_1071 = arith.constant 2 : i32
        %dma_start3A_1072 = arith.constant 0 : i32
        %dma_start3A_1073 = arith.constant 0 : i32
        %dma_start3A_1074 = tpu.memref_slice %arg7[%dma_start3A_1070, %dma_start3A_1071, %dma_start3A_1072, %dma_start3A_1073] : memref<4x4x128x32xf32, #tpu.memory_space<vmem>> -> memref<1x1x128x32xf32, #tpu.memory_space<vmem>>
        %dma_start3A_1075 = tpu.memref_squeeze %dma_start3A_1074 : memref<1x1x128x32xf32, #tpu.memory_space<vmem>> -> memref<128x32xf32, #tpu.memory_space<vmem>>
        %dma_start3A_1076 = arith.constant 0 : i32
        %dma_start3A_1077 = tpu.memref_slice %arg6[%dma_start3A_1068, %dma_start3A_1069, %dma_start3A_1076] : memref<4x4x128xi32, #tpu.memory_space<vmem>> -> memref<1x1x128xi32, #tpu.memory_space<vmem>>
        %dma_start3A_1078 = tpu.memref_squeeze %dma_start3A_1077 : memref<1x1x128xi32, #tpu.memory_space<vmem>> -> memref<128xi32, #tpu.memory_space<vmem>>
        %dma_start3A_1079 = arith.constant 0 : i32
        %dma_start3A_1080 = tpu.memref_slice %arg3[%mul3A_1035, %dma_start3A_1079] : memref<1000000x32xf32, #tpu.memory_space<hbm>> -> memref<10000x32xf32, #tpu.memory_space<hbm>>
        %dma_start3A_1081 = arith.constant 0 : i32
        %dma_start3A_1082 = arith.constant 0 : i32
        %dma_start3A_1083 = tpu.memref_slice %dma_start3A_1080[%dma_start3A_1081, %dma_start3A_1082] : memref<10000x32xf32, #tpu.memory_space<hbm>> -> memref<10000x32xf32, #tpu.memory_space<hbm>>
        tpu.enqueue_indirect_dma source(%dma_start3A_1083 : memref<10000x32xf32, #tpu.memory_space<hbm>>) target(%dma_start3A_1075 : memref<128x32xf32, #tpu.memory_space<vmem>>) offsets(%dma_start3A_1078 : memref<128xi32, #tpu.memory_space<vmem>>) semaphore(%arg16 : memref<!tpu.dma_semaphore, #tpu.memory_space<semaphore_mem>>)
        %dma_start3A_1084 = arith.constant 2 : i32
        %dma_start3A_1085 = arith.constant 3 : i32
        %dma_start3A_1086 = arith.constant 2 : i32
        %dma_start3A_1087 = arith.constant 3 : i32
        %dma_start3A_1088 = arith.constant 0 : i32
        %dma_start3A_1089 = arith.constant 0 : i32
        %dma_start3A_1090 = tpu.memref_slice %arg7[%dma_start3A_1086, %dma_start3A_1087, %dma_start3A_1088, %dma_start3A_1089] : memref<4x4x128x32xf32, #tpu.memory_space<vmem>> -> memref<1x1x128x32xf32, #tpu.memory_space<vmem>>
        %dma_start3A_1091 = tpu.memref_squeeze %dma_start3A_1090 : memref<1x1x128x32xf32, #tpu.memory_space<vmem>> -> memref<128x32xf32, #tpu.memory_space<vmem>>
        %dma_start3A_1092 = arith.constant 0 : i32
        %dma_start3A_1093 = tpu.memref_slice %arg6[%dma_start3A_1084, %dma_start3A_1085, %dma_start3A_1092] : memref<4x4x128xi32, #tpu.memory_space<vmem>> -> memref<1x1x128xi32, #tpu.memory_space<vmem>>
        %dma_start3A_1094 = tpu.memref_squeeze %dma_start3A_1093 : memref<1x1x128xi32, #tpu.memory_space<vmem>> -> memref<128xi32, #tpu.memory_space<vmem>>
        %dma_start3A_1095 = arith.constant 0 : i32
        %dma_start3A_1096 = tpu.memref_slice %arg3[%mul3A_1035, %dma_start3A_1095] : memref<1000000x32xf32, #tpu.memory_space<hbm>> -> memref<10000x32xf32, #tpu.memory_space<hbm>>
        %dma_start3A_1097 = arith.constant 0 : i32
        %dma_start3A_1098 = arith.constant 0 : i32
        %dma_start3A_1099 = tpu.memref_slice %dma_start3A_1096[%dma_start3A_1097, %dma_start3A_1098] : memref<10000x32xf32, #tpu.memory_space<hbm>> -> memref<10000x32xf32, #tpu.memory_space<hbm>>
        tpu.enqueue_indirect_dma source(%dma_start3A_1099 : memref<10000x32xf32, #tpu.memory_space<hbm>>) target(%dma_start3A_1091 : memref<128x32xf32, #tpu.memory_space<vmem>>) offsets(%dma_start3A_1094 : memref<128xi32, #tpu.memory_space<vmem>>) semaphore(%arg16 : memref<!tpu.dma_semaphore, #tpu.memory_space<semaphore_mem>>)
      } else {
      }
      %ge3A = arith.constant 2 : i32
      %ge3A_346 = arith.cmpi sge, %add3A_341, %ge3A : i32
      %convert_element_type3A_347 = arith.extui %ge3A_346 : i1 to i32
      %cond3A_348 = arith.constant 0 : i32
      %cond3A_349 = arith.cmpi ne, %convert_element_type3A_347, %cond3A_348 : i32
      scf.if %cond3A_349 {
        %dma_wait3A_1007 = arith.constant 0 : i32
        %dma_wait3A_1008 = tpu.memref_slice %arg8[%dma_wait3A_1007] : memref<32768xf32, #tpu.memory_space<vmem>> -> memref<4096xf32, #tpu.memory_space<vmem>>
        %dma_wait3A_1009 = arith.constant 0 : i32
        %dma_wait3A_1010 = tpu.memref_slice %arg5[%dma_wait3A_1009] : memref<52428800xf32, #tpu.memory_space<hbm>> -> memref<4096xf32, #tpu.memory_space<hbm>>
        %dma_wait3A_1011 = arith.constant 0 : i32
        %dma_wait3A_1012 = tpu.memref_slice %arg5[%dma_wait3A_1011] : memref<52428800xf32, #tpu.memory_space<hbm>> -> memref<4096xf32, #tpu.memory_space<hbm>>
        %dma_wait3A_1013 = arith.constant 0 : i32
        %dma_wait3A_1014 = tpu.memref_slice %arg8[%dma_wait3A_1013] : memref<32768xf32, #tpu.memory_space<vmem>> -> memref<4096xf32, #tpu.memory_space<vmem>>
        tpu.wait_dma2 semaphore(%arg18 : memref<!tpu.dma_semaphore, #tpu.memory_space<semaphore_mem>>) src(%dma_wait3A_1014 : memref<4096xf32, #tpu.memory_space<vmem>>) dst(%dma_wait3A_1012 : memref<4096xf32, #tpu.memory_space<hbm>>)
        %dma_wait3A_1015 = arith.constant 0 : i32
        %dma_wait3A_1016 = tpu.memref_slice %arg8[%dma_wait3A_1015] : memref<32768xf32, #tpu.memory_space<vmem>> -> memref<4096xf32, #tpu.memory_space<vmem>>
        %dma_wait3A_1017 = arith.constant 0 : i32
        %dma_wait3A_1018 = tpu.memref_slice %arg5[%dma_wait3A_1017] : memref<52428800xf32, #tpu.memory_space<hbm>> -> memref<4096xf32, #tpu.memory_space<hbm>>
        %dma_wait3A_1019 = arith.constant 0 : i32
        %dma_wait3A_1020 = tpu.memref_slice %arg5[%dma_wait3A_1019] : memref<52428800xf32, #tpu.memory_space<hbm>> -> memref<4096xf32, #tpu.memory_space<hbm>>
        %dma_wait3A_1021 = arith.constant 0 : i32
        %dma_wait3A_1022 = tpu.memref_slice %arg8[%dma_wait3A_1021] : memref<32768xf32, #tpu.memory_space<vmem>> -> memref<4096xf32, #tpu.memory_space<vmem>>
        tpu.wait_dma2 semaphore(%arg18 : memref<!tpu.dma_semaphore, #tpu.memory_space<semaphore_mem>>) src(%dma_wait3A_1022 : memref<4096xf32, #tpu.memory_space<vmem>>) dst(%dma_wait3A_1020 : memref<4096xf32, #tpu.memory_space<hbm>>)
        %dma_wait3A_1023 = arith.constant 0 : i32
        %dma_wait3A_1024 = tpu.memref_slice %arg8[%dma_wait3A_1023] : memref<32768xf32, #tpu.memory_space<vmem>> -> memref<4096xf32, #tpu.memory_space<vmem>>
        %dma_wait3A_1025 = arith.constant 0 : i32
        %dma_wait3A_1026 = tpu.memref_slice %arg5[%dma_wait3A_1025] : memref<52428800xf32, #tpu.memory_space<hbm>> -> memref<4096xf32, #tpu.memory_space<hbm>>
        %dma_wait3A_1027 = arith.constant 0 : i32
        %dma_wait3A_1028 = tpu.memref_slice %arg5[%dma_wait3A_1027] : memref<52428800xf32, #tpu.memory_space<hbm>> -> memref<4096xf32, #tpu.memory_space<hbm>>
        %dma_wait3A_1029 = arith.constant 0 : i32
        %dma_wait3A_1030 = tpu.memref_slice %arg8[%dma_wait3A_1029] : memref<32768xf32, #tpu.memory_space<vmem>> -> memref<4096xf32, #tpu.memory_space<vmem>>
        tpu.wait_dma2 semaphore(%arg18 : memref<!tpu.dma_semaphore, #tpu.memory_space<semaphore_mem>>) src(%dma_wait3A_1030 : memref<4096xf32, #tpu.memory_space<vmem>>) dst(%dma_wait3A_1028 : memref<4096xf32, #tpu.memory_space<hbm>>)
        %dma_wait3A_1031 = arith.constant 0 : i32
        %dma_wait3A_1032 = tpu.memref_slice %arg8[%dma_wait3A_1031] : memref<32768xf32, #tpu.memory_space<vmem>> -> memref<4096xf32, #tpu.memory_space<vmem>>
        %dma_wait3A_1033 = arith.constant 0 : i32
        %dma_wait3A_1034 = tpu.memref_slice %arg5[%dma_wait3A_1033] : memref<52428800xf32, #tpu.memory_space<hbm>> -> memref<4096xf32, #tpu.memory_space<hbm>>
        %dma_wait3A_1035 = arith.constant 0 : i32
        %dma_wait3A_1036 = tpu.memref_slice %arg5[%dma_wait3A_1035] : memref<52428800xf32, #tpu.memory_space<hbm>> -> memref<4096xf32, #tpu.memory_space<hbm>>
        %dma_wait3A_1037 = arith.constant 0 : i32
        %dma_wait3A_1038 = tpu.memref_slice %arg8[%dma_wait3A_1037] : memref<32768xf32, #tpu.memory_space<vmem>> -> memref<4096xf32, #tpu.memory_space<vmem>>
        tpu.wait_dma2 semaphore(%arg18 : memref<!tpu.dma_semaphore, #tpu.memory_space<semaphore_mem>>) src(%dma_wait3A_1038 : memref<4096xf32, #tpu.memory_space<vmem>>) dst(%dma_wait3A_1036 : memref<4096xf32, #tpu.memory_space<hbm>>)
      } else {
      }
      %dma_wait3A_350 = arith.constant 0 : i32
      %dma_wait3A_351 = arith.constant 0 : i32
      %dma_wait3A_352 = arith.constant 0 : i32
      %dma_wait3A_353 = arith.constant 0 : i32
      %dma_wait3A_354 = arith.constant 0 : i32
      %dma_wait3A_355 = arith.constant 0 : i32
      %dma_wait3A_356 = tpu.memref_slice %arg7[%dma_wait3A_352, %dma_wait3A_353, %dma_wait3A_354, %dma_wait3A_355] : memref<4x4x128x32xf32, #tpu.memory_space<vmem>> -> memref<1x1x128x32xf32, #tpu.memory_space<vmem>>
      %dma_wait3A_357 = tpu.memref_squeeze %dma_wait3A_356 : memref<1x1x128x32xf32, #tpu.memory_space<vmem>> -> memref<128x32xf32, #tpu.memory_space<vmem>>
      %dma_wait3A_358 = arith.constant 0 : i32
      %dma_wait3A_359 = tpu.memref_slice %arg6[%dma_wait3A_350, %dma_wait3A_351, %dma_wait3A_358] : memref<4x4x128xi32, #tpu.memory_space<vmem>> -> memref<1x1x128xi32, #tpu.memory_space<vmem>>
      %dma_wait3A_360 = tpu.memref_squeeze %dma_wait3A_359 : memref<1x1x128xi32, #tpu.memory_space<vmem>> -> memref<128xi32, #tpu.memory_space<vmem>>
      %dma_wait3A_361 = arith.constant 0 : i32
      %dma_wait3A_362 = arith.constant 0 : i32
      %dma_wait3A_363 = tpu.memref_slice %arg3[%dma_wait3A_361, %dma_wait3A_362] : memref<1000000x32xf32, #tpu.memory_space<hbm>> -> memref<1000000x32xf32, #tpu.memory_space<hbm>>
      tpu.wait_indirect_dma semaphore(%arg14 : memref<!tpu.dma_semaphore, #tpu.memory_space<semaphore_mem>>) src(%dma_wait3A_363 : memref<1000000x32xf32, #tpu.memory_space<hbm>>) dst(%dma_wait3A_357 : memref<128x32xf32, #tpu.memory_space<vmem>>)
      %dma_wait3A_364 = arith.constant 0 : i32
      %dma_wait3A_365 = arith.constant 1 : i32
      %dma_wait3A_366 = arith.constant 0 : i32
      %dma_wait3A_367 = arith.constant 1 : i32
      %dma_wait3A_368 = arith.constant 0 : i32
      %dma_wait3A_369 = arith.constant 0 : i32
      %dma_wait3A_370 = tpu.memref_slice %arg7[%dma_wait3A_366, %dma_wait3A_367, %dma_wait3A_368, %dma_wait3A_369] : memref<4x4x128x32xf32, #tpu.memory_space<vmem>> -> memref<1x1x128x32xf32, #tpu.memory_space<vmem>>
      %dma_wait3A_371 = tpu.memref_squeeze %dma_wait3A_370 : memref<1x1x128x32xf32, #tpu.memory_space<vmem>> -> memref<128x32xf32, #tpu.memory_space<vmem>>
      %dma_wait3A_372 = arith.constant 0 : i32
      %dma_wait3A_373 = tpu.memref_slice %arg6[%dma_wait3A_364, %dma_wait3A_365, %dma_wait3A_372] : memref<4x4x128xi32, #tpu.memory_space<vmem>> -> memref<1x1x128xi32, #tpu.memory_space<vmem>>
      %dma_wait3A_374 = tpu.memref_squeeze %dma_wait3A_373 : memref<1x1x128xi32, #tpu.memory_space<vmem>> -> memref<128xi32, #tpu.memory_space<vmem>>
      %dma_wait3A_375 = arith.constant 0 : i32
      %dma_wait3A_376 = arith.constant 0 : i32
      %dma_wait3A_377 = tpu.memref_slice %arg3[%dma_wait3A_375, %dma_wait3A_376] : memref<1000000x32xf32, #tpu.memory_space<hbm>> -> memref<1000000x32xf32, #tpu.memory_space<hbm>>
      tpu.wait_indirect_dma semaphore(%arg14 : memref<!tpu.dma_semaphore, #tpu.memory_space<semaphore_mem>>) src(%dma_wait3A_377 : memref<1000000x32xf32, #tpu.memory_space<hbm>>) dst(%dma_wait3A_371 : memref<128x32xf32, #tpu.memory_space<vmem>>)
      %dma_wait3A_378 = arith.constant 0 : i32
      %dma_wait3A_379 = arith.constant 2 : i32
      %dma_wait3A_380 = arith.constant 0 : i32
      %dma_wait3A_381 = arith.constant 2 : i32
      %dma_wait3A_382 = arith.constant 0 : i32
      %dma_wait3A_383 = arith.constant 0 : i32
      %dma_wait3A_384 = tpu.memref_slice %arg7[%dma_wait3A_380, %dma_wait3A_381, %dma_wait3A_382, %dma_wait3A_383] : memref<4x4x128x32xf32, #tpu.memory_space<vmem>> -> memref<1x1x128x32xf32, #tpu.memory_space<vmem>>
      %dma_wait3A_385 = tpu.memref_squeeze %dma_wait3A_384 : memref<1x1x128x32xf32, #tpu.memory_space<vmem>> -> memref<128x32xf32, #tpu.memory_space<vmem>>
      %dma_wait3A_386 = arith.constant 0 : i32
      %dma_wait3A_387 = tpu.memref_slice %arg6[%dma_wait3A_378, %dma_wait3A_379, %dma_wait3A_386] : memref<4x4x128xi32, #tpu.memory_space<vmem>> -> memref<1x1x128xi32, #tpu.memory_space<vmem>>
      %dma_wait3A_388 = tpu.memref_squeeze %dma_wait3A_387 : memref<1x1x128xi32, #tpu.memory_space<vmem>> -> memref<128xi32, #tpu.memory_space<vmem>>
      %dma_wait3A_389 = arith.constant 0 : i32
      %dma_wait3A_390 = arith.constant 0 : i32
      %dma_wait3A_391 = tpu.memref_slice %arg3[%dma_wait3A_389, %dma_wait3A_390] : memref<1000000x32xf32, #tpu.memory_space<hbm>> -> memref<1000000x32xf32, #tpu.memory_space<hbm>>
      tpu.wait_indirect_dma semaphore(%arg14 : memref<!tpu.dma_semaphore, #tpu.memory_space<semaphore_mem>>) src(%dma_wait3A_391 : memref<1000000x32xf32, #tpu.memory_space<hbm>>) dst(%dma_wait3A_385 : memref<128x32xf32, #tpu.memory_space<vmem>>)
      %dma_wait3A_392 = arith.constant 0 : i32
      %dma_wait3A_393 = arith.constant 3 : i32
      %dma_wait3A_394 = arith.constant 0 : i32
      %dma_wait3A_395 = arith.constant 3 : i32
      %dma_wait3A_396 = arith.constant 0 : i32
      %dma_wait3A_397 = arith.constant 0 : i32
      %dma_wait3A_398 = tpu.memref_slice %arg7[%dma_wait3A_394, %dma_wait3A_395, %dma_wait3A_396, %dma_wait3A_397] : memref<4x4x128x32xf32, #tpu.memory_space<vmem>> -> memref<1x1x128x32xf32, #tpu.memory_space<vmem>>
      %dma_wait3A_399 = tpu.memref_squeeze %dma_wait3A_398 : memref<1x1x128x32xf32, #tpu.memory_space<vmem>> -> memref<128x32xf32, #tpu.memory_space<vmem>>
      %dma_wait3A_400 = arith.constant 0 : i32
      %dma_wait3A_401 = tpu.memref_slice %arg6[%dma_wait3A_392, %dma_wait3A_393, %dma_wait3A_400] : memref<4x4x128xi32, #tpu.memory_space<vmem>> -> memref<1x1x128xi32, #tpu.memory_space<vmem>>
      %dma_wait3A_402 = tpu.memref_squeeze %dma_wait3A_401 : memref<1x1x128xi32, #tpu.memory_space<vmem>> -> memref<128xi32, #tpu.memory_space<vmem>>
      %dma_wait3A_403 = arith.constant 0 : i32
      %dma_wait3A_404 = arith.constant 0 : i32
      %dma_wait3A_405 = tpu.memref_slice %arg3[%dma_wait3A_403, %dma_wait3A_404] : memref<1000000x32xf32, #tpu.memory_space<hbm>> -> memref<1000000x32xf32, #tpu.memory_space<hbm>>
      tpu.wait_indirect_dma semaphore(%arg14 : memref<!tpu.dma_semaphore, #tpu.memory_space<semaphore_mem>>) src(%dma_wait3A_405 : memref<1000000x32xf32, #tpu.memory_space<hbm>>) dst(%dma_wait3A_399 : memref<128x32xf32, #tpu.memory_space<vmem>>)
      %mul3A_406 = arith.constant 4 : i32
      %mul3A_407 = arith.muli %add3A_341, %mul3A_406 : i32
      %add3A_408 = arith.addi %mul3A_4, %mul3A_407 : i32
      %div3A_409 = arith.constant 128 : i32
      %div3A_410 = arith.divsi %add3A_408, %div3A_409 : i32
      %rem3A_411 = arith.constant 128 : i32
      %rem3A_412 = arith.remsi %add3A_408, %rem3A_411 : i32
      %get3A = arith.index_cast %div3A_410 : i32 to index
      %get3A_413 = arith.constant 0 : index
      %get3A_414 = tpu.vector_load %arg9[%get3A, %get3A_413] {strides = array<i32>} : memref<100x32xf32, #tpu.memory_space<vmem>>, vector<16xf32>,
      %get3A_415 = arith.index_cast %div3A_410 : i32 to index
      %get3A_416 = arith.constant 16 : index
      %get3A_417 = tpu.vector_load %arg9[%get3A_415, %get3A_416] {strides = array<i32>} : memref<100x32xf32, #tpu.memory_space<vmem>>, vector<16xf32>,
      %iota3A = tpu.iota {dimensions = array<i32: 0>} : vector<16xi32>
      %shift_right_arithmetic3A = arith.constant 3 : i32
      %shift_right_arithmetic3A_418 = vector.broadcast %shift_right_arithmetic3A : i32 to vector<16xi32>
      %shift_right_arithmetic3A_419 = arith.shrsi %iota3A, %shift_right_arithmetic3A_418 : vector<16xi32>
      %mul3A_420 = arith.constant 4096 : i32
      %mul3A_421 = vector.broadcast %mul3A_420 : i32 to vector<16xi32>
      %mul3A_422 = arith.muli %shift_right_arithmetic3A_419, %mul3A_421 : vector<16xi32>
      %and3A = arith.constant 7 : i32
      %and3A_423 = vector.broadcast %and3A : i32 to vector<16xi32>
      %and3A_424 = arith.andi %iota3A, %and3A_423 : vector<16xi32>
      %mul3A_425 = arith.constant 128 : i32
      %mul3A_426 = vector.broadcast %mul3A_425 : i32 to vector<16xi32>
      %mul3A_427 = arith.muli %and3A_424, %mul3A_426 : vector<16xi32>
      %add3A_428 = arith.addi %mul3A_422, %mul3A_427 : vector<16xi32>
      %add3A_429 = arith.constant 0 : i32
      %add3A_430 = vector.broadcast %add3A_429 : i32 to vector<16xi32>
      %add3A_431 = arith.addi %add3A_428, %add3A_430 : vector<16xi32>
      %add3A_432 = arith.constant 16 : i32
      %add3A_433 = vector.broadcast %add3A_432 : i32 to vector<16xi32>
      %add3A_434 = arith.addi %iota3A, %add3A_433 : vector<16xi32>
      %shift_right_arithmetic3A_435 = arith.constant 3 : i32
      %shift_right_arithmetic3A_436 = vector.broadcast %shift_right_arithmetic3A_435 : i32 to vector<16xi32>
      %shift_right_arithmetic3A_437 = arith.shrsi %add3A_434, %shift_right_arithmetic3A_436 : vector<16xi32>
      %mul3A_438 = arith.constant 4096 : i32
      %mul3A_439 = vector.broadcast %mul3A_438 : i32 to vector<16xi32>
      %mul3A_440 = arith.muli %shift_right_arithmetic3A_437, %mul3A_439 : vector<16xi32>
      %add3A_441 = arith.constant 16 : i32
      %add3A_442 = vector.broadcast %add3A_441 : i32 to vector<16xi32>
      %add3A_443 = arith.addi %iota3A, %add3A_442 : vector<16xi32>
      %and3A_444 = arith.constant 7 : i32
      %and3A_445 = vector.broadcast %and3A_444 : i32 to vector<16xi32>
      %and3A_446 = arith.andi %add3A_443, %and3A_445 : vector<16xi32>
      %mul3A_447 = arith.constant 128 : i32
      %mul3A_448 = vector.broadcast %mul3A_447 : i32 to vector<16xi32>
      %mul3A_449 = arith.muli %and3A_446, %mul3A_448 : vector<16xi32>
      %add3A_450 = arith.addi %mul3A_440, %mul3A_449 : vector<16xi32>
      %add3A_451 = arith.constant 0 : i32
      %add3A_452 = vector.broadcast %add3A_451 : i32 to vector<16xi32>
      %add3A_453 = arith.addi %add3A_450, %add3A_452 : vector<16xi32>
      %parallel_loop3A = arith.constant 0 : i32
      %parallel_loop3A_454 = arith.constant 512 : i32
      %parallel_loop3A_455 = arith.constant 1 : i32
      scf.for %parallel_loop3A_1007 = %parallel_loop3A to %parallel_loop3A_454 step %parallel_loop3A_455  : i32 {
        %parallel_loop3A_1008 = arith.constant 7 : i32
        %parallel_loop3A_1009 = arith.shrsi %parallel_loop3A_1007, %parallel_loop3A_1008 : i32
        %parallel_loop3A_1010 = arith.constant 127 : i32
        %parallel_loop3A_1011 = arith.andi %parallel_loop3A_1007, %parallel_loop3A_1010 : i32
        %parallel_loop3A_1012 = arith.constant 1024 : i32
        %parallel_loop3A_1013 = arith.muli %parallel_loop3A_1009, %parallel_loop3A_1012 : i32
        %parallel_loop3A_1014 = arith.addi %parallel_loop3A_1013, %parallel_loop3A_1011 : i32
        %parallel_loop3A_1015 = vector.broadcast %parallel_loop3A_1014 : i32 to vector<16xi32>
        %parallel_loop3A_1016 = arith.addi %add3A_431, %parallel_loop3A_1015 : vector<16xi32>
        %parallel_loop3A_1017 = arith.constant 0 : i32
        %parallel_loop3A_1018 = arith.index_cast %parallel_loop3A_1017 : i32 to index
        %parallel_loop3A_1019 = arith.index_cast %parallel_loop3A_1009 : i32 to index
        %parallel_loop3A_1020 = arith.index_cast %parallel_loop3A_1011 : i32 to index
        %parallel_loop3A_1021 = arith.constant 0 : index
        %parallel_loop3A_1022 = tpu.vector_load %arg7[%parallel_loop3A_1018, %parallel_loop3A_1019, %parallel_loop3A_1020, %parallel_loop3A_1021] {strides = array<i32>} : memref<4x4x128x32xf32, #tpu.memory_space<vmem>>, vector<16xf32>,
        %parallel_loop3A_1023 = arith.addf %parallel_loop3A_1022, %get3A_414 : vector<16xf32>
        tpu.vector_store_idx %arg8[%parallel_loop3A_1016], %parallel_loop3A_1023 : memref<32768xf32, #tpu.memory_space<vmem>>[vector<16xi32>], vector<16xf32>,
        %parallel_loop3A_1024 = arith.addi %add3A_453, %parallel_loop3A_1015 : vector<16xi32>
        %parallel_loop3A_1025 = arith.constant 0 : i32
        %parallel_loop3A_1026 = arith.index_cast %parallel_loop3A_1025 : i32 to index
        %parallel_loop3A_1027 = arith.index_cast %parallel_loop3A_1009 : i32 to index
        %parallel_loop3A_1028 = arith.index_cast %parallel_loop3A_1011 : i32 to index
        %parallel_loop3A_1029 = arith.constant 16 : index
        %parallel_loop3A_1030 = tpu.vector_load %arg7[%parallel_loop3A_1026, %parallel_loop3A_1027, %parallel_loop3A_1028, %parallel_loop3A_1029] {strides = array<i32>} : memref<4x4x128x32xf32, #tpu.memory_space<vmem>>, vector<16xf32>,
        %parallel_loop3A_1031 = arith.addf %parallel_loop3A_1030, %get3A_417 : vector<16xf32>
        tpu.vector_store_idx %arg8[%parallel_loop3A_1024], %parallel_loop3A_1031 : memref<32768xf32, #tpu.memory_space<vmem>>[vector<16xi32>], vector<16xf32>,
      } {sc.loop_unroll_factor = 4 : i64, sc.parallel_access}
      %mul3A_456 = arith.constant 524288 : i32
      %mul3A_457 = arith.muli %div3A_410, %mul3A_456 : i32
      %mul3A_458 = arith.constant 1024 : i32
      %mul3A_459 = arith.muli %rem3A_412, %mul3A_458 : i32
      %add3A_460 = arith.addi %mul3A_457, %mul3A_459 : i32
      %add3A_461 = arith.constant 0 : i32
      %add3A_462 = arith.addi %add3A_460, %add3A_461 : i32
      %dma_start3A_463 = arith.constant 0 : i32
      %dma_start3A_464 = tpu.memref_slice %arg8[%dma_start3A_463] : memref<32768xf32, #tpu.memory_space<vmem>> -> memref<4096xf32, #tpu.memory_space<vmem>>
      %dma_start3A_465 = tpu.memref_slice %arg5[%add3A_462] : memref<52428800xf32, #tpu.memory_space<hbm>> -> memref<4096xf32, #tpu.memory_space<hbm>>
      %dma_start3A_466 = tpu.memref_slice %arg5[%add3A_462] : memref<52428800xf32, #tpu.memory_space<hbm>> -> memref<4096xf32, #tpu.memory_space<hbm>>
      %dma_start3A_467 = arith.constant 0 : i32
      %dma_start3A_468 = tpu.memref_slice %arg8[%dma_start3A_467] : memref<32768xf32, #tpu.memory_space<vmem>> -> memref<4096xf32, #tpu.memory_space<vmem>>
      tpu.enqueue_dma source(%dma_start3A_468 : memref<4096xf32, #tpu.memory_space<vmem>>) target(%dma_start3A_466 : memref<4096xf32, #tpu.memory_space<hbm>>) target_semaphore(%arg18 : memref<!tpu.dma_semaphore, #tpu.memory_space<semaphore_mem>>)
      %add3A_469 = arith.constant 131072 : i32
      %add3A_470 = arith.addi %add3A_460, %add3A_469 : i32
      %dma_start3A_471 = arith.constant 4096 : i32
      %dma_start3A_472 = tpu.memref_slice %arg8[%dma_start3A_471] : memref<32768xf32, #tpu.memory_space<vmem>> -> memref<4096xf32, #tpu.memory_space<vmem>>
      %dma_start3A_473 = tpu.memref_slice %arg5[%add3A_470] : memref<52428800xf32, #tpu.memory_space<hbm>> -> memref<4096xf32, #tpu.memory_space<hbm>>
      %dma_start3A_474 = tpu.memref_slice %arg5[%add3A_470] : memref<52428800xf32, #tpu.memory_space<hbm>> -> memref<4096xf32, #tpu.memory_space<hbm>>
      %dma_start3A_475 = arith.constant 4096 : i32
      %dma_start3A_476 = tpu.memref_slice %arg8[%dma_start3A_475] : memref<32768xf32, #tpu.memory_space<vmem>> -> memref<4096xf32, #tpu.memory_space<vmem>>
      tpu.enqueue_dma source(%dma_start3A_476 : memref<4096xf32, #tpu.memory_space<vmem>>) target(%dma_start3A_474 : memref<4096xf32, #tpu.memory_space<hbm>>) target_semaphore(%arg18 : memref<!tpu.dma_semaphore, #tpu.memory_space<semaphore_mem>>)
      %add3A_477 = arith.constant 262144 : i32
      %add3A_478 = arith.addi %add3A_460, %add3A_477 : i32
      %dma_start3A_479 = arith.constant 8192 : i32
      %dma_start3A_480 = tpu.memref_slice %arg8[%dma_start3A_479] : memref<32768xf32, #tpu.memory_space<vmem>> -> memref<4096xf32, #tpu.memory_space<vmem>>
      %dma_start3A_481 = tpu.memref_slice %arg5[%add3A_478] : memref<52428800xf32, #tpu.memory_space<hbm>> -> memref<4096xf32, #tpu.memory_space<hbm>>
      %dma_start3A_482 = tpu.memref_slice %arg5[%add3A_478] : memref<52428800xf32, #tpu.memory_space<hbm>> -> memref<4096xf32, #tpu.memory_space<hbm>>
      %dma_start3A_483 = arith.constant 8192 : i32
      %dma_start3A_484 = tpu.memref_slice %arg8[%dma_start3A_483] : memref<32768xf32, #tpu.memory_space<vmem>> -> memref<4096xf32, #tpu.memory_space<vmem>>
      tpu.enqueue_dma source(%dma_start3A_484 : memref<4096xf32, #tpu.memory_space<vmem>>) target(%dma_start3A_482 : memref<4096xf32, #tpu.memory_space<hbm>>) target_semaphore(%arg18 : memref<!tpu.dma_semaphore, #tpu.memory_space<semaphore_mem>>)
      %add3A_485 = arith.constant 393216 : i32
      %add3A_486 = arith.addi %add3A_460, %add3A_485 : i32
      %dma_start3A_487 = arith.constant 12288 : i32
      %dma_start3A_488 = tpu.memref_slice %arg8[%dma_start3A_487] : memref<32768xf32, #tpu.memory_space<vmem>> -> memref<4096xf32, #tpu.memory_space<vmem>>
      %dma_start3A_489 = tpu.memref_slice %arg5[%add3A_486] : memref<52428800xf32, #tpu.memory_space<hbm>> -> memref<4096xf32, #tpu.memory_space<hbm>>
      %dma_start3A_490 = tpu.memref_slice %arg5[%add3A_486] : memref<52428800xf32, #tpu.memory_space<hbm>> -> memref<4096xf32, #tpu.memory_space<hbm>>
      %dma_start3A_491 = arith.constant 12288 : i32
      %dma_start3A_492 = tpu.memref_slice %arg8[%dma_start3A_491] : memref<32768xf32, #tpu.memory_space<vmem>> -> memref<4096xf32, #tpu.memory_space<vmem>>
      tpu.enqueue_dma source(%dma_start3A_492 : memref<4096xf32, #tpu.memory_space<vmem>>) target(%dma_start3A_490 : memref<4096xf32, #tpu.memory_space<hbm>>) target_semaphore(%arg18 : memref<!tpu.dma_semaphore, #tpu.memory_space<semaphore_mem>>)
      %add3A_493 = arith.constant 4 : i32
      %add3A_494 = arith.addi %add3A_341, %add3A_493 : i32
      %lt3A_495 = arith.constant 100 : i32
      %lt3A_496 = arith.cmpi slt, %add3A_494, %lt3A_495 : i32
      %convert_element_type3A_497 = arith.extui %lt3A_496 : i1 to i32
      %cond3A_498 = arith.constant 0 : i32
      %cond3A_499 = arith.cmpi ne, %convert_element_type3A_497, %cond3A_498 : i32
      scf.if %cond3A_499 {
        %add3A_1007 = arith.constant 4 : i32
        %add3A_1008 = arith.addi %add3A_341, %add3A_1007 : i32
        %mul3A_1009 = arith.constant 4 : i32
        %mul3A_1010 = arith.muli %add3A_1008, %mul3A_1009 : i32
        %add3A_1011 = arith.addi %mul3A_4, %mul3A_1010 : i32
        %div3A_1012 = arith.constant 128 : i32
        %div3A_1013 = arith.divsi %add3A_1011, %div3A_1012 : i32
        %rem3A_1014 = arith.constant 128 : i32
        %rem3A_1015 = arith.remsi %add3A_1011, %rem3A_1014 : i32
        %dma_start3A_1016 = arith.constant 0 : i32
        %dma_start3A_1017 = arith.constant 0 : i32
        %dma_start3A_1018 = arith.constant 0 : i32
        %dma_start3A_1019 = tpu.memref_slice %arg6[%dma_start3A_1016, %dma_start3A_1017, %dma_start3A_1018] : memref<4x4x128xi32, #tpu.memory_space<vmem>> -> memref<1x4x128xi32, #tpu.memory_space<vmem>>
        %dma_start3A_1020 = tpu.memref_squeeze %dma_start3A_1019 : memref<1x4x128xi32, #tpu.memory_space<vmem>> -> memref<4x128xi32, #tpu.memory_space<vmem>>
        %dma_start3A_1021 = arith.constant 0 : i32
        %dma_start3A_1022 = tpu.memref_slice %arg2[%div3A_1013, %rem3A_1015, %dma_start3A_1021] : memref<100x128x128xi32, #tpu.memory_space<hbm>> -> memref<1x4x128xi32, #tpu.memory_space<hbm>>
        %dma_start3A_1023 = tpu.memref_squeeze %dma_start3A_1022 : memref<1x4x128xi32, #tpu.memory_space<hbm>> -> memref<4x128xi32, #tpu.memory_space<hbm>>
        %dma_start3A_1024 = arith.constant 0 : i32
        %dma_start3A_1025 = arith.constant 0 : i32
        %dma_start3A_1026 = tpu.memref_slice %arg6[%dma_start3A_1016, %dma_start3A_1024, %dma_start3A_1025] : memref<4x4x128xi32, #tpu.memory_space<vmem>> -> memref<1x4x128xi32, #tpu.memory_space<vmem>>
        %dma_start3A_1027 = tpu.memref_squeeze %dma_start3A_1026 : memref<1x4x128xi32, #tpu.memory_space<vmem>> -> memref<4x128xi32, #tpu.memory_space<vmem>>
        %dma_start3A_1028 = arith.constant 0 : i32
        %dma_start3A_1029 = tpu.memref_slice %arg2[%div3A_1013, %rem3A_1015, %dma_start3A_1028] : memref<100x128x128xi32, #tpu.memory_space<hbm>> -> memref<1x4x128xi32, #tpu.memory_space<hbm>>
        %dma_start3A_1030 = tpu.memref_squeeze %dma_start3A_1029 : memref<1x4x128xi32, #tpu.memory_space<hbm>> -> memref<4x128xi32, #tpu.memory_space<hbm>>
        tpu.enqueue_dma source(%dma_start3A_1030 : memref<4x128xi32, #tpu.memory_space<hbm>>) target(%dma_start3A_1027 : memref<4x128xi32, #tpu.memory_space<vmem>>) target_semaphore(%arg10 : memref<!tpu.dma_semaphore, #tpu.memory_space<semaphore_mem>>)
      } else {
      }
      %add3A_500 = arith.constant 1 : i32
      %add3A_501 = arith.addi %mul3A_339, %add3A_500 : i32
      %add3A_502 = arith.constant 2 : i32
      %add3A_503 = arith.addi %add3A_501, %add3A_502 : i32
      %lt3A_504 = arith.constant 100 : i32
      %lt3A_505 = arith.cmpi slt, %add3A_503, %lt3A_504 : i32
      %convert_element_type3A_506 = arith.extui %lt3A_505 : i1 to i32
      %cond3A_507 = arith.constant 0 : i32
      %cond3A_508 = arith.cmpi ne, %convert_element_type3A_506, %cond3A_507 : i32
      scf.if %cond3A_508 {
        %add3A_1007 = arith.constant 2 : i32
        %add3A_1008 = arith.addi %add3A_501, %add3A_1007 : i32
        %dma_wait3A_1009 = arith.constant 0 : i32
        %dma_wait3A_1010 = arith.constant 3 : i32
        %dma_wait3A_1011 = arith.constant 0 : i32
        %dma_wait3A_1012 = arith.constant 0 : i32
        %dma_wait3A_1013 = tpu.memref_slice %arg6[%dma_wait3A_1010, %dma_wait3A_1011, %dma_wait3A_1012] : memref<4x4x128xi32, #tpu.memory_space<vmem>> -> memref<1x4x128xi32, #tpu.memory_space<vmem>>
        %dma_wait3A_1014 = tpu.memref_squeeze %dma_wait3A_1013 : memref<1x4x128xi32, #tpu.memory_space<vmem>> -> memref<4x128xi32, #tpu.memory_space<vmem>>
        %dma_wait3A_1015 = arith.constant 0 : i32
        %dma_wait3A_1016 = arith.constant 0 : i32
        %dma_wait3A_1017 = tpu.memref_slice %arg2[%dma_wait3A_1009, %dma_wait3A_1015, %dma_wait3A_1016] : memref<100x128x128xi32, #tpu.memory_space<hbm>> -> memref<1x4x128xi32, #tpu.memory_space<hbm>>
        %dma_wait3A_1018 = tpu.memref_squeeze %dma_wait3A_1017 : memref<1x4x128xi32, #tpu.memory_space<hbm>> -> memref<4x128xi32, #tpu.memory_space<hbm>>
        %dma_wait3A_1019 = arith.constant 0 : i32
        %dma_wait3A_1020 = arith.constant 0 : i32
        %dma_wait3A_1021 = tpu.memref_slice %arg6[%dma_wait3A_1010, %dma_wait3A_1019, %dma_wait3A_1020] : memref<4x4x128xi32, #tpu.memory_space<vmem>> -> memref<1x4x128xi32, #tpu.memory_space<vmem>>
        %dma_wait3A_1022 = tpu.memref_squeeze %dma_wait3A_1021 : memref<1x4x128xi32, #tpu.memory_space<vmem>> -> memref<4x128xi32, #tpu.memory_space<vmem>>
        %dma_wait3A_1023 = arith.constant 0 : i32
        %dma_wait3A_1024 = arith.constant 0 : i32
        %dma_wait3A_1025 = tpu.memref_slice %arg2[%dma_wait3A_1009, %dma_wait3A_1023, %dma_wait3A_1024] : memref<100x128x128xi32, #tpu.memory_space<hbm>> -> memref<1x4x128xi32, #tpu.memory_space<hbm>>
        %dma_wait3A_1026 = tpu.memref_squeeze %dma_wait3A_1025 : memref<1x4x128xi32, #tpu.memory_space<hbm>> -> memref<4x128xi32, #tpu.memory_space<hbm>>
        tpu.wait_dma2 semaphore(%arg13 : memref<!tpu.dma_semaphore, #tpu.memory_space<semaphore_mem>>) src(%dma_wait3A_1026 : memref<4x128xi32, #tpu.memory_space<hbm>>) dst(%dma_wait3A_1022 : memref<4x128xi32, #tpu.memory_space<vmem>>)
        %mul3A_1027 = arith.constant 4 : i32
        %mul3A_1028 = arith.muli %add3A_1008, %mul3A_1027 : i32
        %add3A_1029 = arith.addi %mul3A_4, %mul3A_1028 : i32
        %div3A_1030 = arith.constant 128 : i32
        %div3A_1031 = arith.divsi %add3A_1029, %div3A_1030 : i32
        %rem3A_1032 = arith.constant 128 : i32
        %rem3A_1033 = arith.remsi %add3A_1029, %rem3A_1032 : i32
        %mul3A_1034 = arith.constant 10000 : i32
        %mul3A_1035 = arith.muli %div3A_1031, %mul3A_1034 : i32
        %dma_start3A_1036 = arith.constant 3 : i32
        %dma_start3A_1037 = arith.constant 0 : i32
        %dma_start3A_1038 = arith.constant 3 : i32
        %dma_start3A_1039 = arith.constant 0 : i32
        %dma_start3A_1040 = arith.constant 0 : i32
        %dma_start3A_1041 = arith.constant 0 : i32
        %dma_start3A_1042 = tpu.memref_slice %arg7[%dma_start3A_1038, %dma_start3A_1039, %dma_start3A_1040, %dma_start3A_1041] : memref<4x4x128x32xf32, #tpu.memory_space<vmem>> -> memref<1x1x128x32xf32, #tpu.memory_space<vmem>>
        %dma_start3A_1043 = tpu.memref_squeeze %dma_start3A_1042 : memref<1x1x128x32xf32, #tpu.memory_space<vmem>> -> memref<128x32xf32, #tpu.memory_space<vmem>>
        %dma_start3A_1044 = arith.constant 0 : i32
        %dma_start3A_1045 = tpu.memref_slice %arg6[%dma_start3A_1036, %dma_start3A_1037, %dma_start3A_1044] : memref<4x4x128xi32, #tpu.memory_space<vmem>> -> memref<1x1x128xi32, #tpu.memory_space<vmem>>
        %dma_start3A_1046 = tpu.memref_squeeze %dma_start3A_1045 : memref<1x1x128xi32, #tpu.memory_space<vmem>> -> memref<128xi32, #tpu.memory_space<vmem>>
        %dma_start3A_1047 = arith.constant 0 : i32
        %dma_start3A_1048 = tpu.memref_slice %arg3[%mul3A_1035, %dma_start3A_1047] : memref<1000000x32xf32, #tpu.memory_space<hbm>> -> memref<10000x32xf32, #tpu.memory_space<hbm>>
        %dma_start3A_1049 = arith.constant 0 : i32
        %dma_start3A_1050 = arith.constant 0 : i32
        %dma_start3A_1051 = tpu.memref_slice %dma_start3A_1048[%dma_start3A_1049, %dma_start3A_1050] : memref<10000x32xf32, #tpu.memory_space<hbm>> -> memref<10000x32xf32, #tpu.memory_space<hbm>>
        tpu.enqueue_indirect_dma source(%dma_start3A_1051 : memref<10000x32xf32, #tpu.memory_space<hbm>>) target(%dma_start3A_1043 : memref<128x32xf32, #tpu.memory_space<vmem>>) offsets(%dma_start3A_1046 : memref<128xi32, #tpu.memory_space<vmem>>) semaphore(%arg17 : memref<!tpu.dma_semaphore, #tpu.memory_space<semaphore_mem>>)
        %dma_start3A_1052 = arith.constant 3 : i32
        %dma_start3A_1053 = arith.constant 1 : i32
        %dma_start3A_1054 = arith.constant 3 : i32
        %dma_start3A_1055 = arith.constant 1 : i32
        %dma_start3A_1056 = arith.constant 0 : i32
        %dma_start3A_1057 = arith.constant 0 : i32
        %dma_start3A_1058 = tpu.memref_slice %arg7[%dma_start3A_1054, %dma_start3A_1055, %dma_start3A_1056, %dma_start3A_1057] : memref<4x4x128x32xf32, #tpu.memory_space<vmem>> -> memref<1x1x128x32xf32, #tpu.memory_space<vmem>>
        %dma_start3A_1059 = tpu.memref_squeeze %dma_start3A_1058 : memref<1x1x128x32xf32, #tpu.memory_space<vmem>> -> memref<128x32xf32, #tpu.memory_space<vmem>>
        %dma_start3A_1060 = arith.constant 0 : i32
        %dma_start3A_1061 = tpu.memref_slice %arg6[%dma_start3A_1052, %dma_start3A_1053, %dma_start3A_1060] : memref<4x4x128xi32, #tpu.memory_space<vmem>> -> memref<1x1x128xi32, #tpu.memory_space<vmem>>
        %dma_start3A_1062 = tpu.memref_squeeze %dma_start3A_1061 : memref<1x1x128xi32, #tpu.memory_space<vmem>> -> memref<128xi32, #tpu.memory_space<vmem>>
        %dma_start3A_1063 = arith.constant 0 : i32
        %dma_start3A_1064 = tpu.memref_slice %arg3[%mul3A_1035, %dma_start3A_1063] : memref<1000000x32xf32, #tpu.memory_space<hbm>> -> memref<10000x32xf32, #tpu.memory_space<hbm>>
        %dma_start3A_1065 = arith.constant 0 : i32
        %dma_start3A_1066 = arith.constant 0 : i32
        %dma_start3A_1067 = tpu.memref_slice %dma_start3A_1064[%dma_start3A_1065, %dma_start3A_1066] : memref<10000x32xf32, #tpu.memory_space<hbm>> -> memref<10000x32xf32, #tpu.memory_space<hbm>>
        tpu.enqueue_indirect_dma source(%dma_start3A_1067 : memref<10000x32xf32, #tpu.memory_space<hbm>>) target(%dma_start3A_1059 : memref<128x32xf32, #tpu.memory_space<vmem>>) offsets(%dma_start3A_1062 : memref<128xi32, #tpu.memory_space<vmem>>) semaphore(%arg17 : memref<!tpu.dma_semaphore, #tpu.memory_space<semaphore_mem>>)
        %dma_start3A_1068 = arith.constant 3 : i32
        %dma_start3A_1069 = arith.constant 2 : i32
        %dma_start3A_1070 = arith.constant 3 : i32
        %dma_start3A_1071 = arith.constant 2 : i32
        %dma_start3A_1072 = arith.constant 0 : i32
        %dma_start3A_1073 = arith.constant 0 : i32
        %dma_start3A_1074 = tpu.memref_slice %arg7[%dma_start3A_1070, %dma_start3A_1071, %dma_start3A_1072, %dma_start3A_1073] : memref<4x4x128x32xf32, #tpu.memory_space<vmem>> -> memref<1x1x128x32xf32, #tpu.memory_space<vmem>>
        %dma_start3A_1075 = tpu.memref_squeeze %dma_start3A_1074 : memref<1x1x128x32xf32, #tpu.memory_space<vmem>> -> memref<128x32xf32, #tpu.memory_space<vmem>>
        %dma_start3A_1076 = arith.constant 0 : i32
        %dma_start3A_1077 = tpu.memref_slice %arg6[%dma_start3A_1068, %dma_start3A_1069, %dma_start3A_1076] : memref<4x4x128xi32, #tpu.memory_space<vmem>> -> memref<1x1x128xi32, #tpu.memory_space<vmem>>
        %dma_start3A_1078 = tpu.memref_squeeze %dma_start3A_1077 : memref<1x1x128xi32, #tpu.memory_space<vmem>> -> memref<128xi32, #tpu.memory_space<vmem>>
        %dma_start3A_1079 = arith.constant 0 : i32
        %dma_start3A_1080 = tpu.memref_slice %arg3[%mul3A_1035, %dma_start3A_1079] : memref<1000000x32xf32, #tpu.memory_space<hbm>> -> memref<10000x32xf32, #tpu.memory_space<hbm>>
        %dma_start3A_1081 = arith.constant 0 : i32
        %dma_start3A_1082 = arith.constant 0 : i32
        %dma_start3A_1083 = tpu.memref_slice %dma_start3A_1080[%dma_start3A_1081, %dma_start3A_1082] : memref<10000x32xf32, #tpu.memory_space<hbm>> -> memref<10000x32xf32, #tpu.memory_space<hbm>>
        tpu.enqueue_indirect_dma source(%dma_start3A_1083 : memref<10000x32xf32, #tpu.memory_space<hbm>>) target(%dma_start3A_1075 : memref<128x32xf32, #tpu.memory_space<vmem>>) offsets(%dma_start3A_1078 : memref<128xi32, #tpu.memory_space<vmem>>) semaphore(%arg17 : memref<!tpu.dma_semaphore, #tpu.memory_space<semaphore_mem>>)
        %dma_start3A_1084 = arith.constant 3 : i32
        %dma_start3A_1085 = arith.constant 3 : i32
        %dma_start3A_1086 = arith.constant 3 : i32
        %dma_start3A_1087 = arith.constant 3 : i32
        %dma_start3A_1088 = arith.constant 0 : i32
        %dma_start3A_1089 = arith.constant 0 : i32
        %dma_start3A_1090 = tpu.memref_slice %arg7[%dma_start3A_1086, %dma_start3A_1087, %dma_start3A_1088, %dma_start3A_1089] : memref<4x4x128x32xf32, #tpu.memory_space<vmem>> -> memref<1x1x128x32xf32, #tpu.memory_space<vmem>>
        %dma_start3A_1091 = tpu.memref_squeeze %dma_start3A_1090 : memref<1x1x128x32xf32, #tpu.memory_space<vmem>> -> memref<128x32xf32, #tpu.memory_space<vmem>>
        %dma_start3A_1092 = arith.constant 0 : i32
        %dma_start3A_1093 = tpu.memref_slice %arg6[%dma_start3A_1084, %dma_start3A_1085, %dma_start3A_1092] : memref<4x4x128xi32, #tpu.memory_space<vmem>> -> memref<1x1x128xi32, #tpu.memory_space<vmem>>
        %dma_start3A_1094 = tpu.memref_squeeze %dma_start3A_1093 : memref<1x1x128xi32, #tpu.memory_space<vmem>> -> memref<128xi32, #tpu.memory_space<vmem>>
        %dma_start3A_1095 = arith.constant 0 : i32
        %dma_start3A_1096 = tpu.memref_slice %arg3[%mul3A_1035, %dma_start3A_1095] : memref<1000000x32xf32, #tpu.memory_space<hbm>> -> memref<10000x32xf32, #tpu.memory_space<hbm>>
        %dma_start3A_1097 = arith.constant 0 : i32
        %dma_start3A_1098 = arith.constant 0 : i32
        %dma_start3A_1099 = tpu.memref_slice %dma_start3A_1096[%dma_start3A_1097, %dma_start3A_1098] : memref<10000x32xf32, #tpu.memory_space<hbm>> -> memref<10000x32xf32, #tpu.memory_space<hbm>>
        tpu.enqueue_indirect_dma source(%dma_start3A_1099 : memref<10000x32xf32, #tpu.memory_space<hbm>>) target(%dma_start3A_1091 : memref<128x32xf32, #tpu.memory_space<vmem>>) offsets(%dma_start3A_1094 : memref<128xi32, #tpu.memory_space<vmem>>) semaphore(%arg17 : memref<!tpu.dma_semaphore, #tpu.memory_space<semaphore_mem>>)
      } else {
      }
      %ge3A_509 = arith.constant 2 : i32
      %ge3A_510 = arith.cmpi sge, %add3A_501, %ge3A_509 : i32
      %convert_element_type3A_511 = arith.extui %ge3A_510 : i1 to i32
      %cond3A_512 = arith.constant 0 : i32
      %cond3A_513 = arith.cmpi ne, %convert_element_type3A_511, %cond3A_512 : i32
      scf.if %cond3A_513 {
        %dma_wait3A_1007 = arith.constant 16384 : i32
        %dma_wait3A_1008 = tpu.memref_slice %arg8[%dma_wait3A_1007] : memref<32768xf32, #tpu.memory_space<vmem>> -> memref<4096xf32, #tpu.memory_space<vmem>>
        %dma_wait3A_1009 = arith.constant 0 : i32
        %dma_wait3A_1010 = tpu.memref_slice %arg5[%dma_wait3A_1009] : memref<52428800xf32, #tpu.memory_space<hbm>> -> memref<4096xf32, #tpu.memory_space<hbm>>
        %dma_wait3A_1011 = arith.constant 0 : i32
        %dma_wait3A_1012 = tpu.memref_slice %arg5[%dma_wait3A_1011] : memref<52428800xf32, #tpu.memory_space<hbm>> -> memref<4096xf32, #tpu.memory_space<hbm>>
        %dma_wait3A_1013 = arith.constant 16384 : i32
        %dma_wait3A_1014 = tpu.memref_slice %arg8[%dma_wait3A_1013] : memref<32768xf32, #tpu.memory_space<vmem>> -> memref<4096xf32, #tpu.memory_space<vmem>>
        tpu.wait_dma2 semaphore(%arg19 : memref<!tpu.dma_semaphore, #tpu.memory_space<semaphore_mem>>) src(%dma_wait3A_1014 : memref<4096xf32, #tpu.memory_space<vmem>>) dst(%dma_wait3A_1012 : memref<4096xf32, #tpu.memory_space<hbm>>)
        %dma_wait3A_1015 = arith.constant 16384 : i32
        %dma_wait3A_1016 = tpu.memref_slice %arg8[%dma_wait3A_1015] : memref<32768xf32, #tpu.memory_space<vmem>> -> memref<4096xf32, #tpu.memory_space<vmem>>
        %dma_wait3A_1017 = arith.constant 0 : i32
        %dma_wait3A_1018 = tpu.memref_slice %arg5[%dma_wait3A_1017] : memref<52428800xf32, #tpu.memory_space<hbm>> -> memref<4096xf32, #tpu.memory_space<hbm>>
        %dma_wait3A_1019 = arith.constant 0 : i32
        %dma_wait3A_1020 = tpu.memref_slice %arg5[%dma_wait3A_1019] : memref<52428800xf32, #tpu.memory_space<hbm>> -> memref<4096xf32, #tpu.memory_space<hbm>>
        %dma_wait3A_1021 = arith.constant 16384 : i32
        %dma_wait3A_1022 = tpu.memref_slice %arg8[%dma_wait3A_1021] : memref<32768xf32, #tpu.memory_space<vmem>> -> memref<4096xf32, #tpu.memory_space<vmem>>
        tpu.wait_dma2 semaphore(%arg19 : memref<!tpu.dma_semaphore, #tpu.memory_space<semaphore_mem>>) src(%dma_wait3A_1022 : memref<4096xf32, #tpu.memory_space<vmem>>) dst(%dma_wait3A_1020 : memref<4096xf32, #tpu.memory_space<hbm>>)
        %dma_wait3A_1023 = arith.constant 16384 : i32
        %dma_wait3A_1024 = tpu.memref_slice %arg8[%dma_wait3A_1023] : memref<32768xf32, #tpu.memory_space<vmem>> -> memref<4096xf32, #tpu.memory_space<vmem>>
        %dma_wait3A_1025 = arith.constant 0 : i32
        %dma_wait3A_1026 = tpu.memref_slice %arg5[%dma_wait3A_1025] : memref<52428800xf32, #tpu.memory_space<hbm>> -> memref<4096xf32, #tpu.memory_space<hbm>>
        %dma_wait3A_1027 = arith.constant 0 : i32
        %dma_wait3A_1028 = tpu.memref_slice %arg5[%dma_wait3A_1027] : memref<52428800xf32, #tpu.memory_space<hbm>> -> memref<4096xf32, #tpu.memory_space<hbm>>
        %dma_wait3A_1029 = arith.constant 16384 : i32
        %dma_wait3A_1030 = tpu.memref_slice %arg8[%dma_wait3A_1029] : memref<32768xf32, #tpu.memory_space<vmem>> -> memref<4096xf32, #tpu.memory_space<vmem>>
        tpu.wait_dma2 semaphore(%arg19 : memref<!tpu.dma_semaphore, #tpu.memory_space<semaphore_mem>>) src(%dma_wait3A_1030 : memref<4096xf32, #tpu.memory_space<vmem>>) dst(%dma_wait3A_1028 : memref<4096xf32, #tpu.memory_space<hbm>>)
        %dma_wait3A_1031 = arith.constant 16384 : i32
        %dma_wait3A_1032 = tpu.memref_slice %arg8[%dma_wait3A_1031] : memref<32768xf32, #tpu.memory_space<vmem>> -> memref<4096xf32, #tpu.memory_space<vmem>>
        %dma_wait3A_1033 = arith.constant 0 : i32
        %dma_wait3A_1034 = tpu.memref_slice %arg5[%dma_wait3A_1033] : memref<52428800xf32, #tpu.memory_space<hbm>> -> memref<4096xf32, #tpu.memory_space<hbm>>
        %dma_wait3A_1035 = arith.constant 0 : i32
        %dma_wait3A_1036 = tpu.memref_slice %arg5[%dma_wait3A_1035] : memref<52428800xf32, #tpu.memory_space<hbm>> -> memref<4096xf32, #tpu.memory_space<hbm>>
        %dma_wait3A_1037 = arith.constant 16384 : i32
        %dma_wait3A_1038 = tpu.memref_slice %arg8[%dma_wait3A_1037] : memref<32768xf32, #tpu.memory_space<vmem>> -> memref<4096xf32, #tpu.memory_space<vmem>>
        tpu.wait_dma2 semaphore(%arg19 : memref<!tpu.dma_semaphore, #tpu.memory_space<semaphore_mem>>) src(%dma_wait3A_1038 : memref<4096xf32, #tpu.memory_space<vmem>>) dst(%dma_wait3A_1036 : memref<4096xf32, #tpu.memory_space<hbm>>)
      } else {
      }
      %dma_wait3A_514 = arith.constant 1 : i32
      %dma_wait3A_515 = arith.constant 0 : i32
      %dma_wait3A_516 = arith.constant 1 : i32
      %dma_wait3A_517 = arith.constant 0 : i32
      %dma_wait3A_518 = arith.constant 0 : i32
      %dma_wait3A_519 = arith.constant 0 : i32
      %dma_wait3A_520 = tpu.memref_slice %arg7[%dma_wait3A_516, %dma_wait3A_517, %dma_wait3A_518, %dma_wait3A_519] : memref<4x4x128x32xf32, #tpu.memory_space<vmem>> -> memref<1x1x128x32xf32, #tpu.memory_space<vmem>>
      %dma_wait3A_521 = tpu.memref_squeeze %dma_wait3A_520 : memref<1x1x128x32xf32, #tpu.memory_space<vmem>> -> memref<128x32xf32, #tpu.memory_space<vmem>>
      %dma_wait3A_522 = arith.constant 0 : i32
      %dma_wait3A_523 = tpu.memref_slice %arg6[%dma_wait3A_514, %dma_wait3A_515, %dma_wait3A_522] : memref<4x4x128xi32, #tpu.memory_space<vmem>> -> memref<1x1x128xi32, #tpu.memory_space<vmem>>
      %dma_wait3A_524 = tpu.memref_squeeze %dma_wait3A_523 : memref<1x1x128xi32, #tpu.memory_space<vmem>> -> memref<128xi32, #tpu.memory_space<vmem>>
      %dma_wait3A_525 = arith.constant 0 : i32
      %dma_wait3A_526 = arith.constant 0 : i32
      %dma_wait3A_527 = tpu.memref_slice %arg3[%dma_wait3A_525, %dma_wait3A_526] : memref<1000000x32xf32, #tpu.memory_space<hbm>> -> memref<1000000x32xf32, #tpu.memory_space<hbm>>
      tpu.wait_indirect_dma semaphore(%arg15 : memref<!tpu.dma_semaphore, #tpu.memory_space<semaphore_mem>>) src(%dma_wait3A_527 : memref<1000000x32xf32, #tpu.memory_space<hbm>>) dst(%dma_wait3A_521 : memref<128x32xf32, #tpu.memory_space<vmem>>)
      %dma_wait3A_528 = arith.constant 1 : i32
      %dma_wait3A_529 = arith.constant 1 : i32
      %dma_wait3A_530 = arith.constant 1 : i32
      %dma_wait3A_531 = arith.constant 1 : i32
      %dma_wait3A_532 = arith.constant 0 : i32
      %dma_wait3A_533 = arith.constant 0 : i32
      %dma_wait3A_534 = tpu.memref_slice %arg7[%dma_wait3A_530, %dma_wait3A_531, %dma_wait3A_532, %dma_wait3A_533] : memref<4x4x128x32xf32, #tpu.memory_space<vmem>> -> memref<1x1x128x32xf32, #tpu.memory_space<vmem>>
      %dma_wait3A_535 = tpu.memref_squeeze %dma_wait3A_534 : memref<1x1x128x32xf32, #tpu.memory_space<vmem>> -> memref<128x32xf32, #tpu.memory_space<vmem>>
      %dma_wait3A_536 = arith.constant 0 : i32
      %dma_wait3A_537 = tpu.memref_slice %arg6[%dma_wait3A_528, %dma_wait3A_529, %dma_wait3A_536] : memref<4x4x128xi32, #tpu.memory_space<vmem>> -> memref<1x1x128xi32, #tpu.memory_space<vmem>>
      %dma_wait3A_538 = tpu.memref_squeeze %dma_wait3A_537 : memref<1x1x128xi32, #tpu.memory_space<vmem>> -> memref<128xi32, #tpu.memory_space<vmem>>
      %dma_wait3A_539 = arith.constant 0 : i32
      %dma_wait3A_540 = arith.constant 0 : i32
      %dma_wait3A_541 = tpu.memref_slice %arg3[%dma_wait3A_539, %dma_wait3A_540] : memref<1000000x32xf32, #tpu.memory_space<hbm>> -> memref<1000000x32xf32, #tpu.memory_space<hbm>>
      tpu.wait_indirect_dma semaphore(%arg15 : memref<!tpu.dma_semaphore, #tpu.memory_space<semaphore_mem>>) src(%dma_wait3A_541 : memref<1000000x32xf32, #tpu.memory_space<hbm>>) dst(%dma_wait3A_535 : memref<128x32xf32, #tpu.memory_space<vmem>>)
      %dma_wait3A_542 = arith.constant 1 : i32
      %dma_wait3A_543 = arith.constant 2 : i32
      %dma_wait3A_544 = arith.constant 1 : i32
      %dma_wait3A_545 = arith.constant 2 : i32
      %dma_wait3A_546 = arith.constant 0 : i32
      %dma_wait3A_547 = arith.constant 0 : i32
      %dma_wait3A_548 = tpu.memref_slice %arg7[%dma_wait3A_544, %dma_wait3A_545, %dma_wait3A_546, %dma_wait3A_547] : memref<4x4x128x32xf32, #tpu.memory_space<vmem>> -> memref<1x1x128x32xf32, #tpu.memory_space<vmem>>
      %dma_wait3A_549 = tpu.memref_squeeze %dma_wait3A_548 : memref<1x1x128x32xf32, #tpu.memory_space<vmem>> -> memref<128x32xf32, #tpu.memory_space<vmem>>
      %dma_wait3A_550 = arith.constant 0 : i32
      %dma_wait3A_551 = tpu.memref_slice %arg6[%dma_wait3A_542, %dma_wait3A_543, %dma_wait3A_550] : memref<4x4x128xi32, #tpu.memory_space<vmem>> -> memref<1x1x128xi32, #tpu.memory_space<vmem>>
      %dma_wait3A_552 = tpu.memref_squeeze %dma_wait3A_551 : memref<1x1x128xi32, #tpu.memory_space<vmem>> -> memref<128xi32, #tpu.memory_space<vmem>>
      %dma_wait3A_553 = arith.constant 0 : i32
      %dma_wait3A_554 = arith.constant 0 : i32
      %dma_wait3A_555 = tpu.memref_slice %arg3[%dma_wait3A_553, %dma_wait3A_554] : memref<1000000x32xf32, #tpu.memory_space<hbm>> -> memref<1000000x32xf32, #tpu.memory_space<hbm>>
      tpu.wait_indirect_dma semaphore(%arg15 : memref<!tpu.dma_semaphore, #tpu.memory_space<semaphore_mem>>) src(%dma_wait3A_555 : memref<1000000x32xf32, #tpu.memory_space<hbm>>) dst(%dma_wait3A_549 : memref<128x32xf32, #tpu.memory_space<vmem>>)
      %dma_wait3A_556 = arith.constant 1 : i32
      %dma_wait3A_557 = arith.constant 3 : i32
      %dma_wait3A_558 = arith.constant 1 : i32
      %dma_wait3A_559 = arith.constant 3 : i32
      %dma_wait3A_560 = arith.constant 0 : i32
      %dma_wait3A_561 = arith.constant 0 : i32
      %dma_wait3A_562 = tpu.memref_slice %arg7[%dma_wait3A_558, %dma_wait3A_559, %dma_wait3A_560, %dma_wait3A_561] : memref<4x4x128x32xf32, #tpu.memory_space<vmem>> -> memref<1x1x128x32xf32, #tpu.memory_space<vmem>>
      %dma_wait3A_563 = tpu.memref_squeeze %dma_wait3A_562 : memref<1x1x128x32xf32, #tpu.memory_space<vmem>> -> memref<128x32xf32, #tpu.memory_space<vmem>>
      %dma_wait3A_564 = arith.constant 0 : i32
      %dma_wait3A_565 = tpu.memref_slice %arg6[%dma_wait3A_556, %dma_wait3A_557, %dma_wait3A_564] : memref<4x4x128xi32, #tpu.memory_space<vmem>> -> memref<1x1x128xi32, #tpu.memory_space<vmem>>
      %dma_wait3A_566 = tpu.memref_squeeze %dma_wait3A_565 : memref<1x1x128xi32, #tpu.memory_space<vmem>> -> memref<128xi32, #tpu.memory_space<vmem>>
      %dma_wait3A_567 = arith.constant 0 : i32
      %dma_wait3A_568 = arith.constant 0 : i32
      %dma_wait3A_569 = tpu.memref_slice %arg3[%dma_wait3A_567, %dma_wait3A_568] : memref<1000000x32xf32, #tpu.memory_space<hbm>> -> memref<1000000x32xf32, #tpu.memory_space<hbm>>
      tpu.wait_indirect_dma semaphore(%arg15 : memref<!tpu.dma_semaphore, #tpu.memory_space<semaphore_mem>>) src(%dma_wait3A_569 : memref<1000000x32xf32, #tpu.memory_space<hbm>>) dst(%dma_wait3A_563 : memref<128x32xf32, #tpu.memory_space<vmem>>)
      %mul3A_570 = arith.constant 4 : i32
      %mul3A_571 = arith.muli %add3A_501, %mul3A_570 : i32
      %add3A_572 = arith.addi %mul3A_4, %mul3A_571 : i32
      %div3A_573 = arith.constant 128 : i32
      %div3A_574 = arith.divsi %add3A_572, %div3A_573 : i32
      %rem3A_575 = arith.constant 128 : i32
      %rem3A_576 = arith.remsi %add3A_572, %rem3A_575 : i32
      %get3A_577 = arith.index_cast %div3A_574 : i32 to index
      %get3A_578 = arith.constant 0 : index
      %get3A_579 = tpu.vector_load %arg9[%get3A_577, %get3A_578] {strides = array<i32>} : memref<100x32xf32, #tpu.memory_space<vmem>>, vector<16xf32>,
      %get3A_580 = arith.index_cast %div3A_574 : i32 to index
      %get3A_581 = arith.constant 16 : index
      %get3A_582 = tpu.vector_load %arg9[%get3A_580, %get3A_581] {strides = array<i32>} : memref<100x32xf32, #tpu.memory_space<vmem>>, vector<16xf32>,
      %iota3A_583 = tpu.iota {dimensions = array<i32: 0>} : vector<16xi32>
      %shift_right_arithmetic3A_584 = arith.constant 3 : i32
      %shift_right_arithmetic3A_585 = vector.broadcast %shift_right_arithmetic3A_584 : i32 to vector<16xi32>
      %shift_right_arithmetic3A_586 = arith.shrsi %iota3A_583, %shift_right_arithmetic3A_585 : vector<16xi32>
      %mul3A_587 = arith.constant 4096 : i32
      %mul3A_588 = vector.broadcast %mul3A_587 : i32 to vector<16xi32>
      %mul3A_589 = arith.muli %shift_right_arithmetic3A_586, %mul3A_588 : vector<16xi32>
      %and3A_590 = arith.constant 7 : i32
      %and3A_591 = vector.broadcast %and3A_590 : i32 to vector<16xi32>
      %and3A_592 = arith.andi %iota3A_583, %and3A_591 : vector<16xi32>
      %mul3A_593 = arith.constant 128 : i32
      %mul3A_594 = vector.broadcast %mul3A_593 : i32 to vector<16xi32>
      %mul3A_595 = arith.muli %and3A_592, %mul3A_594 : vector<16xi32>
      %add3A_596 = arith.addi %mul3A_589, %mul3A_595 : vector<16xi32>
      %add3A_597 = arith.constant 16384 : i32
      %add3A_598 = vector.broadcast %add3A_597 : i32 to vector<16xi32>
      %add3A_599 = arith.addi %add3A_596, %add3A_598 : vector<16xi32>
      %add3A_600 = arith.constant 16 : i32
      %add3A_601 = vector.broadcast %add3A_600 : i32 to vector<16xi32>
      %add3A_602 = arith.addi %iota3A_583, %add3A_601 : vector<16xi32>
      %shift_right_arithmetic3A_603 = arith.constant 3 : i32
      %shift_right_arithmetic3A_604 = vector.broadcast %shift_right_arithmetic3A_603 : i32 to vector<16xi32>
      %shift_right_arithmetic3A_605 = arith.shrsi %add3A_602, %shift_right_arithmetic3A_604 : vector<16xi32>
      %mul3A_606 = arith.constant 4096 : i32
      %mul3A_607 = vector.broadcast %mul3A_606 : i32 to vector<16xi32>
      %mul3A_608 = arith.muli %shift_right_arithmetic3A_605, %mul3A_607 : vector<16xi32>
      %add3A_609 = arith.constant 16 : i32
      %add3A_610 = vector.broadcast %add3A_609 : i32 to vector<16xi32>
      %add3A_611 = arith.addi %iota3A_583, %add3A_610 : vector<16xi32>
      %and3A_612 = arith.constant 7 : i32
      %and3A_613 = vector.broadcast %and3A_612 : i32 to vector<16xi32>
      %and3A_614 = arith.andi %add3A_611, %and3A_613 : vector<16xi32>
      %mul3A_615 = arith.constant 128 : i32
      %mul3A_616 = vector.broadcast %mul3A_615 : i32 to vector<16xi32>
      %mul3A_617 = arith.muli %and3A_614, %mul3A_616 : vector<16xi32>
      %add3A_618 = arith.addi %mul3A_608, %mul3A_617 : vector<16xi32>
      %add3A_619 = arith.constant 16384 : i32
      %add3A_620 = vector.broadcast %add3A_619 : i32 to vector<16xi32>
      %add3A_621 = arith.addi %add3A_618, %add3A_620 : vector<16xi32>
      %parallel_loop3A_622 = arith.constant 0 : i32
      %parallel_loop3A_623 = arith.constant 512 : i32
      %parallel_loop3A_624 = arith.constant 1 : i32
      scf.for %parallel_loop3A_1007 = %parallel_loop3A_622 to %parallel_loop3A_623 step %parallel_loop3A_624  : i32 {
        %parallel_loop3A_1008 = arith.constant 7 : i32
        %parallel_loop3A_1009 = arith.shrsi %parallel_loop3A_1007, %parallel_loop3A_1008 : i32
        %parallel_loop3A_1010 = arith.constant 127 : i32
        %parallel_loop3A_1011 = arith.andi %parallel_loop3A_1007, %parallel_loop3A_1010 : i32
        %parallel_loop3A_1012 = arith.constant 1024 : i32
        %parallel_loop3A_1013 = arith.muli %parallel_loop3A_1009, %parallel_loop3A_1012 : i32
        %parallel_loop3A_1014 = arith.addi %parallel_loop3A_1013, %parallel_loop3A_1011 : i32
        %parallel_loop3A_1015 = vector.broadcast %parallel_loop3A_1014 : i32 to vector<16xi32>
        %parallel_loop3A_1016 = arith.addi %add3A_599, %parallel_loop3A_1015 : vector<16xi32>
        %parallel_loop3A_1017 = arith.constant 1 : i32
        %parallel_loop3A_1018 = arith.index_cast %parallel_loop3A_1017 : i32 to index
        %parallel_loop3A_1019 = arith.index_cast %parallel_loop3A_1009 : i32 to index
        %parallel_loop3A_1020 = arith.index_cast %parallel_loop3A_1011 : i32 to index
        %parallel_loop3A_1021 = arith.constant 0 : index
        %parallel_loop3A_1022 = tpu.vector_load %arg7[%parallel_loop3A_1018, %parallel_loop3A_1019, %parallel_loop3A_1020, %parallel_loop3A_1021] {strides = array<i32>} : memref<4x4x128x32xf32, #tpu.memory_space<vmem>>, vector<16xf32>,
        %parallel_loop3A_1023 = arith.addf %parallel_loop3A_1022, %get3A_579 : vector<16xf32>
        tpu.vector_store_idx %arg8[%parallel_loop3A_1016], %parallel_loop3A_1023 : memref<32768xf32, #tpu.memory_space<vmem>>[vector<16xi32>], vector<16xf32>,
        %parallel_loop3A_1024 = arith.addi %add3A_621, %parallel_loop3A_1015 : vector<16xi32>
        %parallel_loop3A_1025 = arith.constant 1 : i32
        %parallel_loop3A_1026 = arith.index_cast %parallel_loop3A_1025 : i32 to index
        %parallel_loop3A_1027 = arith.index_cast %parallel_loop3A_1009 : i32 to index
        %parallel_loop3A_1028 = arith.index_cast %parallel_loop3A_1011 : i32 to index
        %parallel_loop3A_1029 = arith.constant 16 : index
        %parallel_loop3A_1030 = tpu.vector_load %arg7[%parallel_loop3A_1026, %parallel_loop3A_1027, %parallel_loop3A_1028, %parallel_loop3A_1029] {strides = array<i32>} : memref<4x4x128x32xf32, #tpu.memory_space<vmem>>, vector<16xf32>,
        %parallel_loop3A_1031 = arith.addf %parallel_loop3A_1030, %get3A_582 : vector<16xf32>
        tpu.vector_store_idx %arg8[%parallel_loop3A_1024], %parallel_loop3A_1031 : memref<32768xf32, #tpu.memory_space<vmem>>[vector<16xi32>], vector<16xf32>,
      } {sc.loop_unroll_factor = 4 : i64, sc.parallel_access}
      %mul3A_625 = arith.constant 524288 : i32
      %mul3A_626 = arith.muli %div3A_574, %mul3A_625 : i32
      %mul3A_627 = arith.constant 1024 : i32
      %mul3A_628 = arith.muli %rem3A_576, %mul3A_627 : i32
      %add3A_629 = arith.addi %mul3A_626, %mul3A_628 : i32
      %add3A_630 = arith.constant 0 : i32
      %add3A_631 = arith.addi %add3A_629, %add3A_630 : i32
      %dma_start3A_632 = arith.constant 16384 : i32
      %dma_start3A_633 = tpu.memref_slice %arg8[%dma_start3A_632] : memref<32768xf32, #tpu.memory_space<vmem>> -> memref<4096xf32, #tpu.memory_space<vmem>>
      %dma_start3A_634 = tpu.memref_slice %arg5[%add3A_631] : memref<52428800xf32, #tpu.memory_space<hbm>> -> memref<4096xf32, #tpu.memory_space<hbm>>
      %dma_start3A_635 = tpu.memref_slice %arg5[%add3A_631] : memref<52428800xf32, #tpu.memory_space<hbm>> -> memref<4096xf32, #tpu.memory_space<hbm>>
      %dma_start3A_636 = arith.constant 16384 : i32
      %dma_start3A_637 = tpu.memref_slice %arg8[%dma_start3A_636] : memref<32768xf32, #tpu.memory_space<vmem>> -> memref<4096xf32, #tpu.memory_space<vmem>>
      tpu.enqueue_dma source(%dma_start3A_637 : memref<4096xf32, #tpu.memory_space<vmem>>) target(%dma_start3A_635 : memref<4096xf32, #tpu.memory_space<hbm>>) target_semaphore(%arg19 : memref<!tpu.dma_semaphore, #tpu.memory_space<semaphore_mem>>)
      %add3A_638 = arith.constant 131072 : i32
      %add3A_639 = arith.addi %add3A_629, %add3A_638 : i32
      %dma_start3A_640 = arith.constant 20480 : i32
      %dma_start3A_641 = tpu.memref_slice %arg8[%dma_start3A_640] : memref<32768xf32, #tpu.memory_space<vmem>> -> memref<4096xf32, #tpu.memory_space<vmem>>
      %dma_start3A_642 = tpu.memref_slice %arg5[%add3A_639] : memref<52428800xf32, #tpu.memory_space<hbm>> -> memref<4096xf32, #tpu.memory_space<hbm>>
      %dma_start3A_643 = tpu.memref_slice %arg5[%add3A_639] : memref<52428800xf32, #tpu.memory_space<hbm>> -> memref<4096xf32, #tpu.memory_space<hbm>>
      %dma_start3A_644 = arith.constant 20480 : i32
      %dma_start3A_645 = tpu.memref_slice %arg8[%dma_start3A_644] : memref<32768xf32, #tpu.memory_space<vmem>> -> memref<4096xf32, #tpu.memory_space<vmem>>
      tpu.enqueue_dma source(%dma_start3A_645 : memref<4096xf32, #tpu.memory_space<vmem>>) target(%dma_start3A_643 : memref<4096xf32, #tpu.memory_space<hbm>>) target_semaphore(%arg19 : memref<!tpu.dma_semaphore, #tpu.memory_space<semaphore_mem>>)
      %add3A_646 = arith.constant 262144 : i32
      %add3A_647 = arith.addi %add3A_629, %add3A_646 : i32
      %dma_start3A_648 = arith.constant 24576 : i32
      %dma_start3A_649 = tpu.memref_slice %arg8[%dma_start3A_648] : memref<32768xf32, #tpu.memory_space<vmem>> -> memref<4096xf32, #tpu.memory_space<vmem>>
      %dma_start3A_650 = tpu.memref_slice %arg5[%add3A_647] : memref<52428800xf32, #tpu.memory_space<hbm>> -> memref<4096xf32, #tpu.memory_space<hbm>>
      %dma_start3A_651 = tpu.memref_slice %arg5[%add3A_647] : memref<52428800xf32, #tpu.memory_space<hbm>> -> memref<4096xf32, #tpu.memory_space<hbm>>
      %dma_start3A_652 = arith.constant 24576 : i32
      %dma_start3A_653 = tpu.memref_slice %arg8[%dma_start3A_652] : memref<32768xf32, #tpu.memory_space<vmem>> -> memref<4096xf32, #tpu.memory_space<vmem>>
      tpu.enqueue_dma source(%dma_start3A_653 : memref<4096xf32, #tpu.memory_space<vmem>>) target(%dma_start3A_651 : memref<4096xf32, #tpu.memory_space<hbm>>) target_semaphore(%arg19 : memref<!tpu.dma_semaphore, #tpu.memory_space<semaphore_mem>>)
      %add3A_654 = arith.constant 393216 : i32
      %add3A_655 = arith.addi %add3A_629, %add3A_654 : i32
      %dma_start3A_656 = arith.constant 28672 : i32
      %dma_start3A_657 = tpu.memref_slice %arg8[%dma_start3A_656] : memref<32768xf32, #tpu.memory_space<vmem>> -> memref<4096xf32, #tpu.memory_space<vmem>>
      %dma_start3A_658 = tpu.memref_slice %arg5[%add3A_655] : memref<52428800xf32, #tpu.memory_space<hbm>> -> memref<4096xf32, #tpu.memory_space<hbm>>
      %dma_start3A_659 = tpu.memref_slice %arg5[%add3A_655] : memref<52428800xf32, #tpu.memory_space<hbm>> -> memref<4096xf32, #tpu.memory_space<hbm>>
      %dma_start3A_660 = arith.constant 28672 : i32
      %dma_start3A_661 = tpu.memref_slice %arg8[%dma_start3A_660] : memref<32768xf32, #tpu.memory_space<vmem>> -> memref<4096xf32, #tpu.memory_space<vmem>>
      tpu.enqueue_dma source(%dma_start3A_661 : memref<4096xf32, #tpu.memory_space<vmem>>) target(%dma_start3A_659 : memref<4096xf32, #tpu.memory_space<hbm>>) target_semaphore(%arg19 : memref<!tpu.dma_semaphore, #tpu.memory_space<semaphore_mem>>)
      %add3A_662 = arith.constant 4 : i32
      %add3A_663 = arith.addi %add3A_501, %add3A_662 : i32
      %lt3A_664 = arith.constant 100 : i32
      %lt3A_665 = arith.cmpi slt, %add3A_663, %lt3A_664 : i32
      %convert_element_type3A_666 = arith.extui %lt3A_665 : i1 to i32
      %cond3A_667 = arith.constant 0 : i32
      %cond3A_668 = arith.cmpi ne, %convert_element_type3A_666, %cond3A_667 : i32
      scf.if %cond3A_668 {
        %add3A_1007 = arith.constant 4 : i32
        %add3A_1008 = arith.addi %add3A_501, %add3A_1007 : i32
        %mul3A_1009 = arith.constant 4 : i32
        %mul3A_1010 = arith.muli %add3A_1008, %mul3A_1009 : i32
        %add3A_1011 = arith.addi %mul3A_4, %mul3A_1010 : i32
        %div3A_1012 = arith.constant 128 : i32
        %div3A_1013 = arith.divsi %add3A_1011, %div3A_1012 : i32
        %rem3A_1014 = arith.constant 128 : i32
        %rem3A_1015 = arith.remsi %add3A_1011, %rem3A_1014 : i32
        %dma_start3A_1016 = arith.constant 1 : i32
        %dma_start3A_1017 = arith.constant 0 : i32
        %dma_start3A_1018 = arith.constant 0 : i32
        %dma_start3A_1019 = tpu.memref_slice %arg6[%dma_start3A_1016, %dma_start3A_1017, %dma_start3A_1018] : memref<4x4x128xi32, #tpu.memory_space<vmem>> -> memref<1x4x128xi32, #tpu.memory_space<vmem>>
        %dma_start3A_1020 = tpu.memref_squeeze %dma_start3A_1019 : memref<1x4x128xi32, #tpu.memory_space<vmem>> -> memref<4x128xi32, #tpu.memory_space<vmem>>
        %dma_start3A_1021 = arith.constant 0 : i32
        %dma_start3A_1022 = tpu.memref_slice %arg2[%div3A_1013, %rem3A_1015, %dma_start3A_1021] : memref<100x128x128xi32, #tpu.memory_space<hbm>> -> memref<1x4x128xi32, #tpu.memory_space<hbm>>
        %dma_start3A_1023 = tpu.memref_squeeze %dma_start3A_1022 : memref<1x4x128xi32, #tpu.memory_space<hbm>> -> memref<4x128xi32, #tpu.memory_space<hbm>>
        %dma_start3A_1024 = arith.constant 0 : i32
        %dma_start3A_1025 = arith.constant 0 : i32
        %dma_start3A_1026 = tpu.memref_slice %arg6[%dma_start3A_1016, %dma_start3A_1024, %dma_start3A_1025] : memref<4x4x128xi32, #tpu.memory_space<vmem>> -> memref<1x4x128xi32, #tpu.memory_space<vmem>>
        %dma_start3A_1027 = tpu.memref_squeeze %dma_start3A_1026 : memref<1x4x128xi32, #tpu.memory_space<vmem>> -> memref<4x128xi32, #tpu.memory_space<vmem>>
        %dma_start3A_1028 = arith.constant 0 : i32
        %dma_start3A_1029 = tpu.memref_slice %arg2[%div3A_1013, %rem3A_1015, %dma_start3A_1028] : memref<100x128x128xi32, #tpu.memory_space<hbm>> -> memref<1x4x128xi32, #tpu.memory_space<hbm>>
        %dma_start3A_1030 = tpu.memref_squeeze %dma_start3A_1029 : memref<1x4x128xi32, #tpu.memory_space<hbm>> -> memref<4x128xi32, #tpu.memory_space<hbm>>
        tpu.enqueue_dma source(%dma_start3A_1030 : memref<4x128xi32, #tpu.memory_space<hbm>>) target(%dma_start3A_1027 : memref<4x128xi32, #tpu.memory_space<vmem>>) target_semaphore(%arg11 : memref<!tpu.dma_semaphore, #tpu.memory_space<semaphore_mem>>)
      } else {
      }
      %add3A_669 = arith.constant 2 : i32
      %add3A_670 = arith.addi %mul3A_339, %add3A_669 : i32
      %add3A_671 = arith.constant 2 : i32
      %add3A_672 = arith.addi %add3A_670, %add3A_671 : i32
      %lt3A_673 = arith.constant 100 : i32
      %lt3A_674 = arith.cmpi slt, %add3A_672, %lt3A_673 : i32
      %convert_element_type3A_675 = arith.extui %lt3A_674 : i1 to i32
      %cond3A_676 = arith.constant 0 : i32
      %cond3A_677 = arith.cmpi ne, %convert_element_type3A_675, %cond3A_676 : i32
      scf.if %cond3A_677 {
        %add3A_1007 = arith.constant 2 : i32
        %add3A_1008 = arith.addi %add3A_670, %add3A_1007 : i32
        %dma_wait3A_1009 = arith.constant 0 : i32
        %dma_wait3A_1010 = arith.constant 0 : i32
        %dma_wait3A_1011 = arith.constant 0 : i32
        %dma_wait3A_1012 = arith.constant 0 : i32
        %dma_wait3A_1013 = tpu.memref_slice %arg6[%dma_wait3A_1010, %dma_wait3A_1011, %dma_wait3A_1012] : memref<4x4x128xi32, #tpu.memory_space<vmem>> -> memref<1x4x128xi32, #tpu.memory_space<vmem>>
        %dma_wait3A_1014 = tpu.memref_squeeze %dma_wait3A_1013 : memref<1x4x128xi32, #tpu.memory_space<vmem>> -> memref<4x128xi32, #tpu.memory_space<vmem>>
        %dma_wait3A_1015 = arith.constant 0 : i32
        %dma_wait3A_1016 = arith.constant 0 : i32
        %dma_wait3A_1017 = tpu.memref_slice %arg2[%dma_wait3A_1009, %dma_wait3A_1015, %dma_wait3A_1016] : memref<100x128x128xi32, #tpu.memory_space<hbm>> -> memref<1x4x128xi32, #tpu.memory_space<hbm>>
        %dma_wait3A_1018 = tpu.memref_squeeze %dma_wait3A_1017 : memref<1x4x128xi32, #tpu.memory_space<hbm>> -> memref<4x128xi32, #tpu.memory_space<hbm>>
        %dma_wait3A_1019 = arith.constant 0 : i32
        %dma_wait3A_1020 = arith.constant 0 : i32
        %dma_wait3A_1021 = tpu.memref_slice %arg6[%dma_wait3A_1010, %dma_wait3A_1019, %dma_wait3A_1020] : memref<4x4x128xi32, #tpu.memory_space<vmem>> -> memref<1x4x128xi32, #tpu.memory_space<vmem>>
        %dma_wait3A_1022 = tpu.memref_squeeze %dma_wait3A_1021 : memref<1x4x128xi32, #tpu.memory_space<vmem>> -> memref<4x128xi32, #tpu.memory_space<vmem>>
        %dma_wait3A_1023 = arith.constant 0 : i32
        %dma_wait3A_1024 = arith.constant 0 : i32
        %dma_wait3A_1025 = tpu.memref_slice %arg2[%dma_wait3A_1009, %dma_wait3A_1023, %dma_wait3A_1024] : memref<100x128x128xi32, #tpu.memory_space<hbm>> -> memref<1x4x128xi32, #tpu.memory_space<hbm>>
        %dma_wait3A_1026 = tpu.memref_squeeze %dma_wait3A_1025 : memref<1x4x128xi32, #tpu.memory_space<hbm>> -> memref<4x128xi32, #tpu.memory_space<hbm>>
        tpu.wait_dma2 semaphore(%arg10 : memref<!tpu.dma_semaphore, #tpu.memory_space<semaphore_mem>>) src(%dma_wait3A_1026 : memref<4x128xi32, #tpu.memory_space<hbm>>) dst(%dma_wait3A_1022 : memref<4x128xi32, #tpu.memory_space<vmem>>)
        %mul3A_1027 = arith.constant 4 : i32
        %mul3A_1028 = arith.muli %add3A_1008, %mul3A_1027 : i32
        %add3A_1029 = arith.addi %mul3A_4, %mul3A_1028 : i32
        %div3A_1030 = arith.constant 128 : i32
        %div3A_1031 = arith.divsi %add3A_1029, %div3A_1030 : i32
        %rem3A_1032 = arith.constant 128 : i32
        %rem3A_1033 = arith.remsi %add3A_1029, %rem3A_1032 : i32
        %mul3A_1034 = arith.constant 10000 : i32
        %mul3A_1035 = arith.muli %div3A_1031, %mul3A_1034 : i32
        %dma_start3A_1036 = arith.constant 0 : i32
        %dma_start3A_1037 = arith.constant 0 : i32
        %dma_start3A_1038 = arith.constant 0 : i32
        %dma_start3A_1039 = arith.constant 0 : i32
        %dma_start3A_1040 = arith.constant 0 : i32
        %dma_start3A_1041 = arith.constant 0 : i32
        %dma_start3A_1042 = tpu.memref_slice %arg7[%dma_start3A_1038, %dma_start3A_1039, %dma_start3A_1040, %dma_start3A_1041] : memref<4x4x128x32xf32, #tpu.memory_space<vmem>> -> memref<1x1x128x32xf32, #tpu.memory_space<vmem>>
        %dma_start3A_1043 = tpu.memref_squeeze %dma_start3A_1042 : memref<1x1x128x32xf32, #tpu.memory_space<vmem>> -> memref<128x32xf32, #tpu.memory_space<vmem>>
        %dma_start3A_1044 = arith.constant 0 : i32
        %dma_start3A_1045 = tpu.memref_slice %arg6[%dma_start3A_1036, %dma_start3A_1037, %dma_start3A_1044] : memref<4x4x128xi32, #tpu.memory_space<vmem>> -> memref<1x1x128xi32, #tpu.memory_space<vmem>>
        %dma_start3A_1046 = tpu.memref_squeeze %dma_start3A_1045 : memref<1x1x128xi32, #tpu.memory_space<vmem>> -> memref<128xi32, #tpu.memory_space<vmem>>
        %dma_start3A_1047 = arith.constant 0 : i32
        %dma_start3A_1048 = tpu.memref_slice %arg3[%mul3A_1035, %dma_start3A_1047] : memref<1000000x32xf32, #tpu.memory_space<hbm>> -> memref<10000x32xf32, #tpu.memory_space<hbm>>
        %dma_start3A_1049 = arith.constant 0 : i32
        %dma_start3A_1050 = arith.constant 0 : i32
        %dma_start3A_1051 = tpu.memref_slice %dma_start3A_1048[%dma_start3A_1049, %dma_start3A_1050] : memref<10000x32xf32, #tpu.memory_space<hbm>> -> memref<10000x32xf32, #tpu.memory_space<hbm>>
        tpu.enqueue_indirect_dma source(%dma_start3A_1051 : memref<10000x32xf32, #tpu.memory_space<hbm>>) target(%dma_start3A_1043 : memref<128x32xf32, #tpu.memory_space<vmem>>) offsets(%dma_start3A_1046 : memref<128xi32, #tpu.memory_space<vmem>>) semaphore(%arg14 : memref<!tpu.dma_semaphore, #tpu.memory_space<semaphore_mem>>)
        %dma_start3A_1052 = arith.constant 0 : i32
        %dma_start3A_1053 = arith.constant 1 : i32
        %dma_start3A_1054 = arith.constant 0 : i32
        %dma_start3A_1055 = arith.constant 1 : i32
        %dma_start3A_1056 = arith.constant 0 : i32
        %dma_start3A_1057 = arith.constant 0 : i32
        %dma_start3A_1058 = tpu.memref_slice %arg7[%dma_start3A_1054, %dma_start3A_1055, %dma_start3A_1056, %dma_start3A_1057] : memref<4x4x128x32xf32, #tpu.memory_space<vmem>> -> memref<1x1x128x32xf32, #tpu.memory_space<vmem>>
        %dma_start3A_1059 = tpu.memref_squeeze %dma_start3A_1058 : memref<1x1x128x32xf32, #tpu.memory_space<vmem>> -> memref<128x32xf32, #tpu.memory_space<vmem>>
        %dma_start3A_1060 = arith.constant 0 : i32
        %dma_start3A_1061 = tpu.memref_slice %arg6[%dma_start3A_1052, %dma_start3A_1053, %dma_start3A_1060] : memref<4x4x128xi32, #tpu.memory_space<vmem>> -> memref<1x1x128xi32, #tpu.memory_space<vmem>>
        %dma_start3A_1062 = tpu.memref_squeeze %dma_start3A_1061 : memref<1x1x128xi32, #tpu.memory_space<vmem>> -> memref<128xi32, #tpu.memory_space<vmem>>
        %dma_start3A_1063 = arith.constant 0 : i32
        %dma_start3A_1064 = tpu.memref_slice %arg3[%mul3A_1035, %dma_start3A_1063] : memref<1000000x32xf32, #tpu.memory_space<hbm>> -> memref<10000x32xf32, #tpu.memory_space<hbm>>
        %dma_start3A_1065 = arith.constant 0 : i32
        %dma_start3A_1066 = arith.constant 0 : i32
        %dma_start3A_1067 = tpu.memref_slice %dma_start3A_1064[%dma_start3A_1065, %dma_start3A_1066] : memref<10000x32xf32, #tpu.memory_space<hbm>> -> memref<10000x32xf32, #tpu.memory_space<hbm>>
        tpu.enqueue_indirect_dma source(%dma_start3A_1067 : memref<10000x32xf32, #tpu.memory_space<hbm>>) target(%dma_start3A_1059 : memref<128x32xf32, #tpu.memory_space<vmem>>) offsets(%dma_start3A_1062 : memref<128xi32, #tpu.memory_space<vmem>>) semaphore(%arg14 : memref<!tpu.dma_semaphore, #tpu.memory_space<semaphore_mem>>)
        %dma_start3A_1068 = arith.constant 0 : i32
        %dma_start3A_1069 = arith.constant 2 : i32
        %dma_start3A_1070 = arith.constant 0 : i32
        %dma_start3A_1071 = arith.constant 2 : i32
        %dma_start3A_1072 = arith.constant 0 : i32
        %dma_start3A_1073 = arith.constant 0 : i32
        %dma_start3A_1074 = tpu.memref_slice %arg7[%dma_start3A_1070, %dma_start3A_1071, %dma_start3A_1072, %dma_start3A_1073] : memref<4x4x128x32xf32, #tpu.memory_space<vmem>> -> memref<1x1x128x32xf32, #tpu.memory_space<vmem>>
        %dma_start3A_1075 = tpu.memref_squeeze %dma_start3A_1074 : memref<1x1x128x32xf32, #tpu.memory_space<vmem>> -> memref<128x32xf32, #tpu.memory_space<vmem>>
        %dma_start3A_1076 = arith.constant 0 : i32
        %dma_start3A_1077 = tpu.memref_slice %arg6[%dma_start3A_1068, %dma_start3A_1069, %dma_start3A_1076] : memref<4x4x128xi32, #tpu.memory_space<vmem>> -> memref<1x1x128xi32, #tpu.memory_space<vmem>>
        %dma_start3A_1078 = tpu.memref_squeeze %dma_start3A_1077 : memref<1x1x128xi32, #tpu.memory_space<vmem>> -> memref<128xi32, #tpu.memory_space<vmem>>
        %dma_start3A_1079 = arith.constant 0 : i32
        %dma_start3A_1080 = tpu.memref_slice %arg3[%mul3A_1035, %dma_start3A_1079] : memref<1000000x32xf32, #tpu.memory_space<hbm>> -> memref<10000x32xf32, #tpu.memory_space<hbm>>
        %dma_start3A_1081 = arith.constant 0 : i32
        %dma_start3A_1082 = arith.constant 0 : i32
        %dma_start3A_1083 = tpu.memref_slice %dma_start3A_1080[%dma_start3A_1081, %dma_start3A_1082] : memref<10000x32xf32, #tpu.memory_space<hbm>> -> memref<10000x32xf32, #tpu.memory_space<hbm>>
        tpu.enqueue_indirect_dma source(%dma_start3A_1083 : memref<10000x32xf32, #tpu.memory_space<hbm>>) target(%dma_start3A_1075 : memref<128x32xf32, #tpu.memory_space<vmem>>) offsets(%dma_start3A_1078 : memref<128xi32, #tpu.memory_space<vmem>>) semaphore(%arg14 : memref<!tpu.dma_semaphore, #tpu.memory_space<semaphore_mem>>)
        %dma_start3A_1084 = arith.constant 0 : i32
        %dma_start3A_1085 = arith.constant 3 : i32
        %dma_start3A_1086 = arith.constant 0 : i32
        %dma_start3A_1087 = arith.constant 3 : i32
        %dma_start3A_1088 = arith.constant 0 : i32
        %dma_start3A_1089 = arith.constant 0 : i32
        %dma_start3A_1090 = tpu.memref_slice %arg7[%dma_start3A_1086, %dma_start3A_1087, %dma_start3A_1088, %dma_start3A_1089] : memref<4x4x128x32xf32, #tpu.memory_space<vmem>> -> memref<1x1x128x32xf32, #tpu.memory_space<vmem>>
        %dma_start3A_1091 = tpu.memref_squeeze %dma_start3A_1090 : memref<1x1x128x32xf32, #tpu.memory_space<vmem>> -> memref<128x32xf32, #tpu.memory_space<vmem>>
        %dma_start3A_1092 = arith.constant 0 : i32
        %dma_start3A_1093 = tpu.memref_slice %arg6[%dma_start3A_1084, %dma_start3A_1085, %dma_start3A_1092] : memref<4x4x128xi32, #tpu.memory_space<vmem>> -> memref<1x1x128xi32, #tpu.memory_space<vmem>>
        %dma_start3A_1094 = tpu.memref_squeeze %dma_start3A_1093 : memref<1x1x128xi32, #tpu.memory_space<vmem>> -> memref<128xi32, #tpu.memory_space<vmem>>
        %dma_start3A_1095 = arith.constant 0 : i32
        %dma_start3A_1096 = tpu.memref_slice %arg3[%mul3A_1035, %dma_start3A_1095] : memref<1000000x32xf32, #tpu.memory_space<hbm>> -> memref<10000x32xf32, #tpu.memory_space<hbm>>
        %dma_start3A_1097 = arith.constant 0 : i32
        %dma_start3A_1098 = arith.constant 0 : i32
        %dma_start3A_1099 = tpu.memref_slice %dma_start3A_1096[%dma_start3A_1097, %dma_start3A_1098] : memref<10000x32xf32, #tpu.memory_space<hbm>> -> memref<10000x32xf32, #tpu.memory_space<hbm>>
        tpu.enqueue_indirect_dma source(%dma_start3A_1099 : memref<10000x32xf32, #tpu.memory_space<hbm>>) target(%dma_start3A_1091 : memref<128x32xf32, #tpu.memory_space<vmem>>) offsets(%dma_start3A_1094 : memref<128xi32, #tpu.memory_space<vmem>>) semaphore(%arg14 : memref<!tpu.dma_semaphore, #tpu.memory_space<semaphore_mem>>)
      } else {
      }
      %ge3A_678 = arith.constant 2 : i32
      %ge3A_679 = arith.cmpi sge, %add3A_670, %ge3A_678 : i32
      %convert_element_type3A_680 = arith.extui %ge3A_679 : i1 to i32
      %cond3A_681 = arith.constant 0 : i32
      %cond3A_682 = arith.cmpi ne, %convert_element_type3A_680, %cond3A_681 : i32
      scf.if %cond3A_682 {
        %dma_wait3A_1007 = arith.constant 0 : i32
        %dma_wait3A_1008 = tpu.memref_slice %arg8[%dma_wait3A_1007] : memref<32768xf32, #tpu.memory_space<vmem>> -> memref<4096xf32, #tpu.memory_space<vmem>>
        %dma_wait3A_1009 = arith.constant 0 : i32
        %dma_wait3A_1010 = tpu.memref_slice %arg5[%dma_wait3A_1009] : memref<52428800xf32, #tpu.memory_space<hbm>> -> memref<4096xf32, #tpu.memory_space<hbm>>
        %dma_wait3A_1011 = arith.constant 0 : i32
        %dma_wait3A_1012 = tpu.memref_slice %arg5[%dma_wait3A_1011] : memref<52428800xf32, #tpu.memory_space<hbm>> -> memref<4096xf32, #tpu.memory_space<hbm>>
        %dma_wait3A_1013 = arith.constant 0 : i32
        %dma_wait3A_1014 = tpu.memref_slice %arg8[%dma_wait3A_1013] : memref<32768xf32, #tpu.memory_space<vmem>> -> memref<4096xf32, #tpu.memory_space<vmem>>
        tpu.wait_dma2 semaphore(%arg18 : memref<!tpu.dma_semaphore, #tpu.memory_space<semaphore_mem>>) src(%dma_wait3A_1014 : memref<4096xf32, #tpu.memory_space<vmem>>) dst(%dma_wait3A_1012 : memref<4096xf32, #tpu.memory_space<hbm>>)
        %dma_wait3A_1015 = arith.constant 0 : i32
        %dma_wait3A_1016 = tpu.memref_slice %arg8[%dma_wait3A_1015] : memref<32768xf32, #tpu.memory_space<vmem>> -> memref<4096xf32, #tpu.memory_space<vmem>>
        %dma_wait3A_1017 = arith.constant 0 : i32
        %dma_wait3A_1018 = tpu.memref_slice %arg5[%dma_wait3A_1017] : memref<52428800xf32, #tpu.memory_space<hbm>> -> memref<4096xf32, #tpu.memory_space<hbm>>
        %dma_wait3A_1019 = arith.constant 0 : i32
        %dma_wait3A_1020 = tpu.memref_slice %arg5[%dma_wait3A_1019] : memref<52428800xf32, #tpu.memory_space<hbm>> -> memref<4096xf32, #tpu.memory_space<hbm>>
        %dma_wait3A_1021 = arith.constant 0 : i32
        %dma_wait3A_1022 = tpu.memref_slice %arg8[%dma_wait3A_1021] : memref<32768xf32, #tpu.memory_space<vmem>> -> memref<4096xf32, #tpu.memory_space<vmem>>
        tpu.wait_dma2 semaphore(%arg18 : memref<!tpu.dma_semaphore, #tpu.memory_space<semaphore_mem>>) src(%dma_wait3A_1022 : memref<4096xf32, #tpu.memory_space<vmem>>) dst(%dma_wait3A_1020 : memref<4096xf32, #tpu.memory_space<hbm>>)
        %dma_wait3A_1023 = arith.constant 0 : i32
        %dma_wait3A_1024 = tpu.memref_slice %arg8[%dma_wait3A_1023] : memref<32768xf32, #tpu.memory_space<vmem>> -> memref<4096xf32, #tpu.memory_space<vmem>>
        %dma_wait3A_1025 = arith.constant 0 : i32
        %dma_wait3A_1026 = tpu.memref_slice %arg5[%dma_wait3A_1025] : memref<52428800xf32, #tpu.memory_space<hbm>> -> memref<4096xf32, #tpu.memory_space<hbm>>
        %dma_wait3A_1027 = arith.constant 0 : i32
        %dma_wait3A_1028 = tpu.memref_slice %arg5[%dma_wait3A_1027] : memref<52428800xf32, #tpu.memory_space<hbm>> -> memref<4096xf32, #tpu.memory_space<hbm>>
        %dma_wait3A_1029 = arith.constant 0 : i32
        %dma_wait3A_1030 = tpu.memref_slice %arg8[%dma_wait3A_1029] : memref<32768xf32, #tpu.memory_space<vmem>> -> memref<4096xf32, #tpu.memory_space<vmem>>
        tpu.wait_dma2 semaphore(%arg18 : memref<!tpu.dma_semaphore, #tpu.memory_space<semaphore_mem>>) src(%dma_wait3A_1030 : memref<4096xf32, #tpu.memory_space<vmem>>) dst(%dma_wait3A_1028 : memref<4096xf32, #tpu.memory_space<hbm>>)
        %dma_wait3A_1031 = arith.constant 0 : i32
        %dma_wait3A_1032 = tpu.memref_slice %arg8[%dma_wait3A_1031] : memref<32768xf32, #tpu.memory_space<vmem>> -> memref<4096xf32, #tpu.memory_space<vmem>>
        %dma_wait3A_1033 = arith.constant 0 : i32
        %dma_wait3A_1034 = tpu.memref_slice %arg5[%dma_wait3A_1033] : memref<52428800xf32, #tpu.memory_space<hbm>> -> memref<4096xf32, #tpu.memory_space<hbm>>
        %dma_wait3A_1035 = arith.constant 0 : i32
        %dma_wait3A_1036 = tpu.memref_slice %arg5[%dma_wait3A_1035] : memref<52428800xf32, #tpu.memory_space<hbm>> -> memref<4096xf32, #tpu.memory_space<hbm>>
        %dma_wait3A_1037 = arith.constant 0 : i32
        %dma_wait3A_1038 = tpu.memref_slice %arg8[%dma_wait3A_1037] : memref<32768xf32, #tpu.memory_space<vmem>> -> memref<4096xf32, #tpu.memory_space<vmem>>
        tpu.wait_dma2 semaphore(%arg18 : memref<!tpu.dma_semaphore, #tpu.memory_space<semaphore_mem>>) src(%dma_wait3A_1038 : memref<4096xf32, #tpu.memory_space<vmem>>) dst(%dma_wait3A_1036 : memref<4096xf32, #tpu.memory_space<hbm>>)
      } else {
      }
      %dma_wait3A_683 = arith.constant 2 : i32
      %dma_wait3A_684 = arith.constant 0 : i32
      %dma_wait3A_685 = arith.constant 2 : i32
      %dma_wait3A_686 = arith.constant 0 : i32
      %dma_wait3A_687 = arith.constant 0 : i32
      %dma_wait3A_688 = arith.constant 0 : i32
      %dma_wait3A_689 = tpu.memref_slice %arg7[%dma_wait3A_685, %dma_wait3A_686, %dma_wait3A_687, %dma_wait3A_688] : memref<4x4x128x32xf32, #tpu.memory_space<vmem>> -> memref<1x1x128x32xf32, #tpu.memory_space<vmem>>
      %dma_wait3A_690 = tpu.memref_squeeze %dma_wait3A_689 : memref<1x1x128x32xf32, #tpu.memory_space<vmem>> -> memref<128x32xf32, #tpu.memory_space<vmem>>
      %dma_wait3A_691 = arith.constant 0 : i32
      %dma_wait3A_692 = tpu.memref_slice %arg6[%dma_wait3A_683, %dma_wait3A_684, %dma_wait3A_691] : memref<4x4x128xi32, #tpu.memory_space<vmem>> -> memref<1x1x128xi32, #tpu.memory_space<vmem>>
      %dma_wait3A_693 = tpu.memref_squeeze %dma_wait3A_692 : memref<1x1x128xi32, #tpu.memory_space<vmem>> -> memref<128xi32, #tpu.memory_space<vmem>>
      %dma_wait3A_694 = arith.constant 0 : i32
      %dma_wait3A_695 = arith.constant 0 : i32
      %dma_wait3A_696 = tpu.memref_slice %arg3[%dma_wait3A_694, %dma_wait3A_695] : memref<1000000x32xf32, #tpu.memory_space<hbm>> -> memref<1000000x32xf32, #tpu.memory_space<hbm>>
      tpu.wait_indirect_dma semaphore(%arg16 : memref<!tpu.dma_semaphore, #tpu.memory_space<semaphore_mem>>) src(%dma_wait3A_696 : memref<1000000x32xf32, #tpu.memory_space<hbm>>) dst(%dma_wait3A_690 : memref<128x32xf32, #tpu.memory_space<vmem>>)
      %dma_wait3A_697 = arith.constant 2 : i32
      %dma_wait3A_698 = arith.constant 1 : i32
      %dma_wait3A_699 = arith.constant 2 : i32
      %dma_wait3A_700 = arith.constant 1 : i32
      %dma_wait3A_701 = arith.constant 0 : i32
      %dma_wait3A_702 = arith.constant 0 : i32
      %dma_wait3A_703 = tpu.memref_slice %arg7[%dma_wait3A_699, %dma_wait3A_700, %dma_wait3A_701, %dma_wait3A_702] : memref<4x4x128x32xf32, #tpu.memory_space<vmem>> -> memref<1x1x128x32xf32, #tpu.memory_space<vmem>>
      %dma_wait3A_704 = tpu.memref_squeeze %dma_wait3A_703 : memref<1x1x128x32xf32, #tpu.memory_space<vmem>> -> memref<128x32xf32, #tpu.memory_space<vmem>>
      %dma_wait3A_705 = arith.constant 0 : i32
      %dma_wait3A_706 = tpu.memref_slice %arg6[%dma_wait3A_697, %dma_wait3A_698, %dma_wait3A_705] : memref<4x4x128xi32, #tpu.memory_space<vmem>> -> memref<1x1x128xi32, #tpu.memory_space<vmem>>
      %dma_wait3A_707 = tpu.memref_squeeze %dma_wait3A_706 : memref<1x1x128xi32, #tpu.memory_space<vmem>> -> memref<128xi32, #tpu.memory_space<vmem>>
      %dma_wait3A_708 = arith.constant 0 : i32
      %dma_wait3A_709 = arith.constant 0 : i32
      %dma_wait3A_710 = tpu.memref_slice %arg3[%dma_wait3A_708, %dma_wait3A_709] : memref<1000000x32xf32, #tpu.memory_space<hbm>> -> memref<1000000x32xf32, #tpu.memory_space<hbm>>
      tpu.wait_indirect_dma semaphore(%arg16 : memref<!tpu.dma_semaphore, #tpu.memory_space<semaphore_mem>>) src(%dma_wait3A_710 : memref<1000000x32xf32, #tpu.memory_space<hbm>>) dst(%dma_wait3A_704 : memref<128x32xf32, #tpu.memory_space<vmem>>)
      %dma_wait3A_711 = arith.constant 2 : i32
      %dma_wait3A_712 = arith.constant 2 : i32
      %dma_wait3A_713 = arith.constant 2 : i32
      %dma_wait3A_714 = arith.constant 2 : i32
      %dma_wait3A_715 = arith.constant 0 : i32
      %dma_wait3A_716 = arith.constant 0 : i32
      %dma_wait3A_717 = tpu.memref_slice %arg7[%dma_wait3A_713, %dma_wait3A_714, %dma_wait3A_715, %dma_wait3A_716] : memref<4x4x128x32xf32, #tpu.memory_space<vmem>> -> memref<1x1x128x32xf32, #tpu.memory_space<vmem>>
      %dma_wait3A_718 = tpu.memref_squeeze %dma_wait3A_717 : memref<1x1x128x32xf32, #tpu.memory_space<vmem>> -> memref<128x32xf32, #tpu.memory_space<vmem>>
      %dma_wait3A_719 = arith.constant 0 : i32
      %dma_wait3A_720 = tpu.memref_slice %arg6[%dma_wait3A_711, %dma_wait3A_712, %dma_wait3A_719] : memref<4x4x128xi32, #tpu.memory_space<vmem>> -> memref<1x1x128xi32, #tpu.memory_space<vmem>>
      %dma_wait3A_721 = tpu.memref_squeeze %dma_wait3A_720 : memref<1x1x128xi32, #tpu.memory_space<vmem>> -> memref<128xi32, #tpu.memory_space<vmem>>
      %dma_wait3A_722 = arith.constant 0 : i32
      %dma_wait3A_723 = arith.constant 0 : i32
      %dma_wait3A_724 = tpu.memref_slice %arg3[%dma_wait3A_722, %dma_wait3A_723] : memref<1000000x32xf32, #tpu.memory_space<hbm>> -> memref<1000000x32xf32, #tpu.memory_space<hbm>>
      tpu.wait_indirect_dma semaphore(%arg16 : memref<!tpu.dma_semaphore, #tpu.memory_space<semaphore_mem>>) src(%dma_wait3A_724 : memref<1000000x32xf32, #tpu.memory_space<hbm>>) dst(%dma_wait3A_718 : memref<128x32xf32, #tpu.memory_space<vmem>>)
      %dma_wait3A_725 = arith.constant 2 : i32
      %dma_wait3A_726 = arith.constant 3 : i32
      %dma_wait3A_727 = arith.constant 2 : i32
      %dma_wait3A_728 = arith.constant 3 : i32
      %dma_wait3A_729 = arith.constant 0 : i32
      %dma_wait3A_730 = arith.constant 0 : i32
      %dma_wait3A_731 = tpu.memref_slice %arg7[%dma_wait3A_727, %dma_wait3A_728, %dma_wait3A_729, %dma_wait3A_730] : memref<4x4x128x32xf32, #tpu.memory_space<vmem>> -> memref<1x1x128x32xf32, #tpu.memory_space<vmem>>
      %dma_wait3A_732 = tpu.memref_squeeze %dma_wait3A_731 : memref<1x1x128x32xf32, #tpu.memory_space<vmem>> -> memref<128x32xf32, #tpu.memory_space<vmem>>
      %dma_wait3A_733 = arith.constant 0 : i32
      %dma_wait3A_734 = tpu.memref_slice %arg6[%dma_wait3A_725, %dma_wait3A_726, %dma_wait3A_733] : memref<4x4x128xi32, #tpu.memory_space<vmem>> -> memref<1x1x128xi32, #tpu.memory_space<vmem>>
      %dma_wait3A_735 = tpu.memref_squeeze %dma_wait3A_734 : memref<1x1x128xi32, #tpu.memory_space<vmem>> -> memref<128xi32, #tpu.memory_space<vmem>>
      %dma_wait3A_736 = arith.constant 0 : i32
      %dma_wait3A_737 = arith.constant 0 : i32
      %dma_wait3A_738 = tpu.memref_slice %arg3[%dma_wait3A_736, %dma_wait3A_737] : memref<1000000x32xf32, #tpu.memory_space<hbm>> -> memref<1000000x32xf32, #tpu.memory_space<hbm>>
      tpu.wait_indirect_dma semaphore(%arg16 : memref<!tpu.dma_semaphore, #tpu.memory_space<semaphore_mem>>) src(%dma_wait3A_738 : memref<1000000x32xf32, #tpu.memory_space<hbm>>) dst(%dma_wait3A_732 : memref<128x32xf32, #tpu.memory_space<vmem>>)
      %mul3A_739 = arith.constant 4 : i32
      %mul3A_740 = arith.muli %add3A_670, %mul3A_739 : i32
      %add3A_741 = arith.addi %mul3A_4, %mul3A_740 : i32
      %div3A_742 = arith.constant 128 : i32
      %div3A_743 = arith.divsi %add3A_741, %div3A_742 : i32
      %rem3A_744 = arith.constant 128 : i32
      %rem3A_745 = arith.remsi %add3A_741, %rem3A_744 : i32
      %get3A_746 = arith.index_cast %div3A_743 : i32 to index
      %get3A_747 = arith.constant 0 : index
      %get3A_748 = tpu.vector_load %arg9[%get3A_746, %get3A_747] {strides = array<i32>} : memref<100x32xf32, #tpu.memory_space<vmem>>, vector<16xf32>,
      %get3A_749 = arith.index_cast %div3A_743 : i32 to index
      %get3A_750 = arith.constant 16 : index
      %get3A_751 = tpu.vector_load %arg9[%get3A_749, %get3A_750] {strides = array<i32>} : memref<100x32xf32, #tpu.memory_space<vmem>>, vector<16xf32>,
      %iota3A_752 = tpu.iota {dimensions = array<i32: 0>} : vector<16xi32>
      %shift_right_arithmetic3A_753 = arith.constant 3 : i32
      %shift_right_arithmetic3A_754 = vector.broadcast %shift_right_arithmetic3A_753 : i32 to vector<16xi32>
      %shift_right_arithmetic3A_755 = arith.shrsi %iota3A_752, %shift_right_arithmetic3A_754 : vector<16xi32>
      %mul3A_756 = arith.constant 4096 : i32
      %mul3A_757 = vector.broadcast %mul3A_756 : i32 to vector<16xi32>
      %mul3A_758 = arith.muli %shift_right_arithmetic3A_755, %mul3A_757 : vector<16xi32>
      %and3A_759 = arith.constant 7 : i32
      %and3A_760 = vector.broadcast %and3A_759 : i32 to vector<16xi32>
      %and3A_761 = arith.andi %iota3A_752, %and3A_760 : vector<16xi32>
      %mul3A_762 = arith.constant 128 : i32
      %mul3A_763 = vector.broadcast %mul3A_762 : i32 to vector<16xi32>
      %mul3A_764 = arith.muli %and3A_761, %mul3A_763 : vector<16xi32>
      %add3A_765 = arith.addi %mul3A_758, %mul3A_764 : vector<16xi32>
      %add3A_766 = arith.constant 0 : i32
      %add3A_767 = vector.broadcast %add3A_766 : i32 to vector<16xi32>
      %add3A_768 = arith.addi %add3A_765, %add3A_767 : vector<16xi32>
      %add3A_769 = arith.constant 16 : i32
      %add3A_770 = vector.broadcast %add3A_769 : i32 to vector<16xi32>
      %add3A_771 = arith.addi %iota3A_752, %add3A_770 : vector<16xi32>
      %shift_right_arithmetic3A_772 = arith.constant 3 : i32
      %shift_right_arithmetic3A_773 = vector.broadcast %shift_right_arithmetic3A_772 : i32 to vector<16xi32>
      %shift_right_arithmetic3A_774 = arith.shrsi %add3A_771, %shift_right_arithmetic3A_773 : vector<16xi32>
      %mul3A_775 = arith.constant 4096 : i32
      %mul3A_776 = vector.broadcast %mul3A_775 : i32 to vector<16xi32>
      %mul3A_777 = arith.muli %shift_right_arithmetic3A_774, %mul3A_776 : vector<16xi32>
      %add3A_778 = arith.constant 16 : i32
      %add3A_779 = vector.broadcast %add3A_778 : i32 to vector<16xi32>
      %add3A_780 = arith.addi %iota3A_752, %add3A_779 : vector<16xi32>
      %and3A_781 = arith.constant 7 : i32
      %and3A_782 = vector.broadcast %and3A_781 : i32 to vector<16xi32>
      %and3A_783 = arith.andi %add3A_780, %and3A_782 : vector<16xi32>
      %mul3A_784 = arith.constant 128 : i32
      %mul3A_785 = vector.broadcast %mul3A_784 : i32 to vector<16xi32>
      %mul3A_786 = arith.muli %and3A_783, %mul3A_785 : vector<16xi32>
      %add3A_787 = arith.addi %mul3A_777, %mul3A_786 : vector<16xi32>
      %add3A_788 = arith.constant 0 : i32
      %add3A_789 = vector.broadcast %add3A_788 : i32 to vector<16xi32>
      %add3A_790 = arith.addi %add3A_787, %add3A_789 : vector<16xi32>
      %parallel_loop3A_791 = arith.constant 0 : i32
      %parallel_loop3A_792 = arith.constant 512 : i32
      %parallel_loop3A_793 = arith.constant 1 : i32
      scf.for %parallel_loop3A_1007 = %parallel_loop3A_791 to %parallel_loop3A_792 step %parallel_loop3A_793  : i32 {
        %parallel_loop3A_1008 = arith.constant 7 : i32
        %parallel_loop3A_1009 = arith.shrsi %parallel_loop3A_1007, %parallel_loop3A_1008 : i32
        %parallel_loop3A_1010 = arith.constant 127 : i32
        %parallel_loop3A_1011 = arith.andi %parallel_loop3A_1007, %parallel_loop3A_1010 : i32
        %parallel_loop3A_1012 = arith.constant 1024 : i32
        %parallel_loop3A_1013 = arith.muli %parallel_loop3A_1009, %parallel_loop3A_1012 : i32
        %parallel_loop3A_1014 = arith.addi %parallel_loop3A_1013, %parallel_loop3A_1011 : i32
        %parallel_loop3A_1015 = vector.broadcast %parallel_loop3A_1014 : i32 to vector<16xi32>
        %parallel_loop3A_1016 = arith.addi %add3A_768, %parallel_loop3A_1015 : vector<16xi32>
        %parallel_loop3A_1017 = arith.constant 2 : i32
        %parallel_loop3A_1018 = arith.index_cast %parallel_loop3A_1017 : i32 to index
        %parallel_loop3A_1019 = arith.index_cast %parallel_loop3A_1009 : i32 to index
        %parallel_loop3A_1020 = arith.index_cast %parallel_loop3A_1011 : i32 to index
        %parallel_loop3A_1021 = arith.constant 0 : index
        %parallel_loop3A_1022 = tpu.vector_load %arg7[%parallel_loop3A_1018, %parallel_loop3A_1019, %parallel_loop3A_1020, %parallel_loop3A_1021] {strides = array<i32>} : memref<4x4x128x32xf32, #tpu.memory_space<vmem>>, vector<16xf32>,
        %parallel_loop3A_1023 = arith.addf %parallel_loop3A_1022, %get3A_748 : vector<16xf32>
        tpu.vector_store_idx %arg8[%parallel_loop3A_1016], %parallel_loop3A_1023 : memref<32768xf32, #tpu.memory_space<vmem>>[vector<16xi32>], vector<16xf32>,
        %parallel_loop3A_1024 = arith.addi %add3A_790, %parallel_loop3A_1015 : vector<16xi32>
        %parallel_loop3A_1025 = arith.constant 2 : i32
        %parallel_loop3A_1026 = arith.index_cast %parallel_loop3A_1025 : i32 to index
        %parallel_loop3A_1027 = arith.index_cast %parallel_loop3A_1009 : i32 to index
        %parallel_loop3A_1028 = arith.index_cast %parallel_loop3A_1011 : i32 to index
        %parallel_loop3A_1029 = arith.constant 16 : index
        %parallel_loop3A_1030 = tpu.vector_load %arg7[%parallel_loop3A_1026, %parallel_loop3A_1027, %parallel_loop3A_1028, %parallel_loop3A_1029] {strides = array<i32>} : memref<4x4x128x32xf32, #tpu.memory_space<vmem>>, vector<16xf32>,
        %parallel_loop3A_1031 = arith.addf %parallel_loop3A_1030, %get3A_751 : vector<16xf32>
        tpu.vector_store_idx %arg8[%parallel_loop3A_1024], %parallel_loop3A_1031 : memref<32768xf32, #tpu.memory_space<vmem>>[vector<16xi32>], vector<16xf32>,
      } {sc.loop_unroll_factor = 4 : i64, sc.parallel_access}
      %mul3A_794 = arith.constant 524288 : i32
      %mul3A_795 = arith.muli %div3A_743, %mul3A_794 : i32
      %mul3A_796 = arith.constant 1024 : i32
      %mul3A_797 = arith.muli %rem3A_745, %mul3A_796 : i32
      %add3A_798 = arith.addi %mul3A_795, %mul3A_797 : i32
      %add3A_799 = arith.constant 0 : i32
      %add3A_800 = arith.addi %add3A_798, %add3A_799 : i32
      %dma_start3A_801 = arith.constant 0 : i32
      %dma_start3A_802 = tpu.memref_slice %arg8[%dma_start3A_801] : memref<32768xf32, #tpu.memory_space<vmem>> -> memref<4096xf32, #tpu.memory_space<vmem>>
      %dma_start3A_803 = tpu.memref_slice %arg5[%add3A_800] : memref<52428800xf32, #tpu.memory_space<hbm>> -> memref<4096xf32, #tpu.memory_space<hbm>>
      %dma_start3A_804 = tpu.memref_slice %arg5[%add3A_800] : memref<52428800xf32, #tpu.memory_space<hbm>> -> memref<4096xf32, #tpu.memory_space<hbm>>
      %dma_start3A_805 = arith.constant 0 : i32
      %dma_start3A_806 = tpu.memref_slice %arg8[%dma_start3A_805] : memref<32768xf32, #tpu.memory_space<vmem>> -> memref<4096xf32, #tpu.memory_space<vmem>>
      tpu.enqueue_dma source(%dma_start3A_806 : memref<4096xf32, #tpu.memory_space<vmem>>) target(%dma_start3A_804 : memref<4096xf32, #tpu.memory_space<hbm>>) target_semaphore(%arg18 : memref<!tpu.dma_semaphore, #tpu.memory_space<semaphore_mem>>)
      %add3A_807 = arith.constant 131072 : i32
      %add3A_808 = arith.addi %add3A_798, %add3A_807 : i32
      %dma_start3A_809 = arith.constant 4096 : i32
      %dma_start3A_810 = tpu.memref_slice %arg8[%dma_start3A_809] : memref<32768xf32, #tpu.memory_space<vmem>> -> memref<4096xf32, #tpu.memory_space<vmem>>
      %dma_start3A_811 = tpu.memref_slice %arg5[%add3A_808] : memref<52428800xf32, #tpu.memory_space<hbm>> -> memref<4096xf32, #tpu.memory_space<hbm>>
      %dma_start3A_812 = tpu.memref_slice %arg5[%add3A_808] : memref<52428800xf32, #tpu.memory_space<hbm>> -> memref<4096xf32, #tpu.memory_space<hbm>>
      %dma_start3A_813 = arith.constant 4096 : i32
      %dma_start3A_814 = tpu.memref_slice %arg8[%dma_start3A_813] : memref<32768xf32, #tpu.memory_space<vmem>> -> memref<4096xf32, #tpu.memory_space<vmem>>
      tpu.enqueue_dma source(%dma_start3A_814 : memref<4096xf32, #tpu.memory_space<vmem>>) target(%dma_start3A_812 : memref<4096xf32, #tpu.memory_space<hbm>>) target_semaphore(%arg18 : memref<!tpu.dma_semaphore, #tpu.memory_space<semaphore_mem>>)
      %add3A_815 = arith.constant 262144 : i32
      %add3A_816 = arith.addi %add3A_798, %add3A_815 : i32
      %dma_start3A_817 = arith.constant 8192 : i32
      %dma_start3A_818 = tpu.memref_slice %arg8[%dma_start3A_817] : memref<32768xf32, #tpu.memory_space<vmem>> -> memref<4096xf32, #tpu.memory_space<vmem>>
      %dma_start3A_819 = tpu.memref_slice %arg5[%add3A_816] : memref<52428800xf32, #tpu.memory_space<hbm>> -> memref<4096xf32, #tpu.memory_space<hbm>>
      %dma_start3A_820 = tpu.memref_slice %arg5[%add3A_816] : memref<52428800xf32, #tpu.memory_space<hbm>> -> memref<4096xf32, #tpu.memory_space<hbm>>
      %dma_start3A_821 = arith.constant 8192 : i32
      %dma_start3A_822 = tpu.memref_slice %arg8[%dma_start3A_821] : memref<32768xf32, #tpu.memory_space<vmem>> -> memref<4096xf32, #tpu.memory_space<vmem>>
      tpu.enqueue_dma source(%dma_start3A_822 : memref<4096xf32, #tpu.memory_space<vmem>>) target(%dma_start3A_820 : memref<4096xf32, #tpu.memory_space<hbm>>) target_semaphore(%arg18 : memref<!tpu.dma_semaphore, #tpu.memory_space<semaphore_mem>>)
      %add3A_823 = arith.constant 393216 : i32
      %add3A_824 = arith.addi %add3A_798, %add3A_823 : i32
      %dma_start3A_825 = arith.constant 12288 : i32
      %dma_start3A_826 = tpu.memref_slice %arg8[%dma_start3A_825] : memref<32768xf32, #tpu.memory_space<vmem>> -> memref<4096xf32, #tpu.memory_space<vmem>>
      %dma_start3A_827 = tpu.memref_slice %arg5[%add3A_824] : memref<52428800xf32, #tpu.memory_space<hbm>> -> memref<4096xf32, #tpu.memory_space<hbm>>
      %dma_start3A_828 = tpu.memref_slice %arg5[%add3A_824] : memref<52428800xf32, #tpu.memory_space<hbm>> -> memref<4096xf32, #tpu.memory_space<hbm>>
      %dma_start3A_829 = arith.constant 12288 : i32
      %dma_start3A_830 = tpu.memref_slice %arg8[%dma_start3A_829] : memref<32768xf32, #tpu.memory_space<vmem>> -> memref<4096xf32, #tpu.memory_space<vmem>>
      tpu.enqueue_dma source(%dma_start3A_830 : memref<4096xf32, #tpu.memory_space<vmem>>) target(%dma_start3A_828 : memref<4096xf32, #tpu.memory_space<hbm>>) target_semaphore(%arg18 : memref<!tpu.dma_semaphore, #tpu.memory_space<semaphore_mem>>)
      %add3A_831 = arith.constant 4 : i32
      %add3A_832 = arith.addi %add3A_670, %add3A_831 : i32
      %lt3A_833 = arith.constant 100 : i32
      %lt3A_834 = arith.cmpi slt, %add3A_832, %lt3A_833 : i32
      %convert_element_type3A_835 = arith.extui %lt3A_834 : i1 to i32
      %cond3A_836 = arith.constant 0 : i32
      %cond3A_837 = arith.cmpi ne, %convert_element_type3A_835, %cond3A_836 : i32
      scf.if %cond3A_837 {
        %add3A_1007 = arith.constant 4 : i32
        %add3A_1008 = arith.addi %add3A_670, %add3A_1007 : i32
        %mul3A_1009 = arith.constant 4 : i32
        %mul3A_1010 = arith.muli %add3A_1008, %mul3A_1009 : i32
        %add3A_1011 = arith.addi %mul3A_4, %mul3A_1010 : i32
        %div3A_1012 = arith.constant 128 : i32
        %div3A_1013 = arith.divsi %add3A_1011, %div3A_1012 : i32
        %rem3A_1014 = arith.constant 128 : i32
        %rem3A_1015 = arith.remsi %add3A_1011, %rem3A_1014 : i32
        %dma_start3A_1016 = arith.constant 2 : i32
        %dma_start3A_1017 = arith.constant 0 : i32
        %dma_start3A_1018 = arith.constant 0 : i32
        %dma_start3A_1019 = tpu.memref_slice %arg6[%dma_start3A_1016, %dma_start3A_1017, %dma_start3A_1018] : memref<4x4x128xi32, #tpu.memory_space<vmem>> -> memref<1x4x128xi32, #tpu.memory_space<vmem>>
        %dma_start3A_1020 = tpu.memref_squeeze %dma_start3A_1019 : memref<1x4x128xi32, #tpu.memory_space<vmem>> -> memref<4x128xi32, #tpu.memory_space<vmem>>
        %dma_start3A_1021 = arith.constant 0 : i32
        %dma_start3A_1022 = tpu.memref_slice %arg2[%div3A_1013, %rem3A_1015, %dma_start3A_1021] : memref<100x128x128xi32, #tpu.memory_space<hbm>> -> memref<1x4x128xi32, #tpu.memory_space<hbm>>
        %dma_start3A_1023 = tpu.memref_squeeze %dma_start3A_1022 : memref<1x4x128xi32, #tpu.memory_space<hbm>> -> memref<4x128xi32, #tpu.memory_space<hbm>>
        %dma_start3A_1024 = arith.constant 0 : i32
        %dma_start3A_1025 = arith.constant 0 : i32
        %dma_start3A_1026 = tpu.memref_slice %arg6[%dma_start3A_1016, %dma_start3A_1024, %dma_start3A_1025] : memref<4x4x128xi32, #tpu.memory_space<vmem>> -> memref<1x4x128xi32, #tpu.memory_space<vmem>>
        %dma_start3A_1027 = tpu.memref_squeeze %dma_start3A_1026 : memref<1x4x128xi32, #tpu.memory_space<vmem>> -> memref<4x128xi32, #tpu.memory_space<vmem>>
        %dma_start3A_1028 = arith.constant 0 : i32
        %dma_start3A_1029 = tpu.memref_slice %arg2[%div3A_1013, %rem3A_1015, %dma_start3A_1028] : memref<100x128x128xi32, #tpu.memory_space<hbm>> -> memref<1x4x128xi32, #tpu.memory_space<hbm>>
        %dma_start3A_1030 = tpu.memref_squeeze %dma_start3A_1029 : memref<1x4x128xi32, #tpu.memory_space<hbm>> -> memref<4x128xi32, #tpu.memory_space<hbm>>
        tpu.enqueue_dma source(%dma_start3A_1030 : memref<4x128xi32, #tpu.memory_space<hbm>>) target(%dma_start3A_1027 : memref<4x128xi32, #tpu.memory_space<vmem>>) target_semaphore(%arg12 : memref<!tpu.dma_semaphore, #tpu.memory_space<semaphore_mem>>)
      } else {
      }
      %add3A_838 = arith.constant 3 : i32
      %add3A_839 = arith.addi %mul3A_339, %add3A_838 : i32
      %add3A_840 = arith.constant 2 : i32
      %add3A_841 = arith.addi %add3A_839, %add3A_840 : i32
      %lt3A_842 = arith.constant 100 : i32
      %lt3A_843 = arith.cmpi slt, %add3A_841, %lt3A_842 : i32
      %convert_element_type3A_844 = arith.extui %lt3A_843 : i1 to i32
      %cond3A_845 = arith.constant 0 : i32
      %cond3A_846 = arith.cmpi ne, %convert_element_type3A_844, %cond3A_845 : i32
      scf.if %cond3A_846 {
        %add3A_1007 = arith.constant 2 : i32
        %add3A_1008 = arith.addi %add3A_839, %add3A_1007 : i32
        %dma_wait3A_1009 = arith.constant 0 : i32
        %dma_wait3A_1010 = arith.constant 1 : i32
        %dma_wait3A_1011 = arith.constant 0 : i32
        %dma_wait3A_1012 = arith.constant 0 : i32
        %dma_wait3A_1013 = tpu.memref_slice %arg6[%dma_wait3A_1010, %dma_wait3A_1011, %dma_wait3A_1012] : memref<4x4x128xi32, #tpu.memory_space<vmem>> -> memref<1x4x128xi32, #tpu.memory_space<vmem>>
        %dma_wait3A_1014 = tpu.memref_squeeze %dma_wait3A_1013 : memref<1x4x128xi32, #tpu.memory_space<vmem>> -> memref<4x128xi32, #tpu.memory_space<vmem>>
        %dma_wait3A_1015 = arith.constant 0 : i32
        %dma_wait3A_1016 = arith.constant 0 : i32
        %dma_wait3A_1017 = tpu.memref_slice %arg2[%dma_wait3A_1009, %dma_wait3A_1015, %dma_wait3A_1016] : memref<100x128x128xi32, #tpu.memory_space<hbm>> -> memref<1x4x128xi32, #tpu.memory_space<hbm>>
        %dma_wait3A_1018 = tpu.memref_squeeze %dma_wait3A_1017 : memref<1x4x128xi32, #tpu.memory_space<hbm>> -> memref<4x128xi32, #tpu.memory_space<hbm>>
        %dma_wait3A_1019 = arith.constant 0 : i32
        %dma_wait3A_1020 = arith.constant 0 : i32
        %dma_wait3A_1021 = tpu.memref_slice %arg6[%dma_wait3A_1010, %dma_wait3A_1019, %dma_wait3A_1020] : memref<4x4x128xi32, #tpu.memory_space<vmem>> -> memref<1x4x128xi32, #tpu.memory_space<vmem>>
        %dma_wait3A_1022 = tpu.memref_squeeze %dma_wait3A_1021 : memref<1x4x128xi32, #tpu.memory_space<vmem>> -> memref<4x128xi32, #tpu.memory_space<vmem>>
        %dma_wait3A_1023 = arith.constant 0 : i32
        %dma_wait3A_1024 = arith.constant 0 : i32
        %dma_wait3A_1025 = tpu.memref_slice %arg2[%dma_wait3A_1009, %dma_wait3A_1023, %dma_wait3A_1024] : memref<100x128x128xi32, #tpu.memory_space<hbm>> -> memref<1x4x128xi32, #tpu.memory_space<hbm>>
        %dma_wait3A_1026 = tpu.memref_squeeze %dma_wait3A_1025 : memref<1x4x128xi32, #tpu.memory_space<hbm>> -> memref<4x128xi32, #tpu.memory_space<hbm>>
        tpu.wait_dma2 semaphore(%arg11 : memref<!tpu.dma_semaphore, #tpu.memory_space<semaphore_mem>>) src(%dma_wait3A_1026 : memref<4x128xi32, #tpu.memory_space<hbm>>) dst(%dma_wait3A_1022 : memref<4x128xi32, #tpu.memory_space<vmem>>)
        %mul3A_1027 = arith.constant 4 : i32
        %mul3A_1028 = arith.muli %add3A_1008, %mul3A_1027 : i32
        %add3A_1029 = arith.addi %mul3A_4, %mul3A_1028 : i32
        %div3A_1030 = arith.constant 128 : i32
        %div3A_1031 = arith.divsi %add3A_1029, %div3A_1030 : i32
        %rem3A_1032 = arith.constant 128 : i32
        %rem3A_1033 = arith.remsi %add3A_1029, %rem3A_1032 : i32
        %mul3A_1034 = arith.constant 10000 : i32
        %mul3A_1035 = arith.muli %div3A_1031, %mul3A_1034 : i32
        %dma_start3A_1036 = arith.constant 1 : i32
        %dma_start3A_1037 = arith.constant 0 : i32
        %dma_start3A_1038 = arith.constant 1 : i32
        %dma_start3A_1039 = arith.constant 0 : i32
        %dma_start3A_1040 = arith.constant 0 : i32
        %dma_start3A_1041 = arith.constant 0 : i32
        %dma_start3A_1042 = tpu.memref_slice %arg7[%dma_start3A_1038, %dma_start3A_1039, %dma_start3A_1040, %dma_start3A_1041] : memref<4x4x128x32xf32, #tpu.memory_space<vmem>> -> memref<1x1x128x32xf32, #tpu.memory_space<vmem>>
        %dma_start3A_1043 = tpu.memref_squeeze %dma_start3A_1042 : memref<1x1x128x32xf32, #tpu.memory_space<vmem>> -> memref<128x32xf32, #tpu.memory_space<vmem>>
        %dma_start3A_1044 = arith.constant 0 : i32
        %dma_start3A_1045 = tpu.memref_slice %arg6[%dma_start3A_1036, %dma_start3A_1037, %dma_start3A_1044] : memref<4x4x128xi32, #tpu.memory_space<vmem>> -> memref<1x1x128xi32, #tpu.memory_space<vmem>>
        %dma_start3A_1046 = tpu.memref_squeeze %dma_start3A_1045 : memref<1x1x128xi32, #tpu.memory_space<vmem>> -> memref<128xi32, #tpu.memory_space<vmem>>
        %dma_start3A_1047 = arith.constant 0 : i32
        %dma_start3A_1048 = tpu.memref_slice %arg3[%mul3A_1035, %dma_start3A_1047] : memref<1000000x32xf32, #tpu.memory_space<hbm>> -> memref<10000x32xf32, #tpu.memory_space<hbm>>
        %dma_start3A_1049 = arith.constant 0 : i32
        %dma_start3A_1050 = arith.constant 0 : i32
        %dma_start3A_1051 = tpu.memref_slice %dma_start3A_1048[%dma_start3A_1049, %dma_start3A_1050] : memref<10000x32xf32, #tpu.memory_space<hbm>> -> memref<10000x32xf32, #tpu.memory_space<hbm>>
        tpu.enqueue_indirect_dma source(%dma_start3A_1051 : memref<10000x32xf32, #tpu.memory_space<hbm>>) target(%dma_start3A_1043 : memref<128x32xf32, #tpu.memory_space<vmem>>) offsets(%dma_start3A_1046 : memref<128xi32, #tpu.memory_space<vmem>>) semaphore(%arg15 : memref<!tpu.dma_semaphore, #tpu.memory_space<semaphore_mem>>)
        %dma_start3A_1052 = arith.constant 1 : i32
        %dma_start3A_1053 = arith.constant 1 : i32
        %dma_start3A_1054 = arith.constant 1 : i32
        %dma_start3A_1055 = arith.constant 1 : i32
        %dma_start3A_1056 = arith.constant 0 : i32
        %dma_start3A_1057 = arith.constant 0 : i32
        %dma_start3A_1058 = tpu.memref_slice %arg7[%dma_start3A_1054, %dma_start3A_1055, %dma_start3A_1056, %dma_start3A_1057] : memref<4x4x128x32xf32, #tpu.memory_space<vmem>> -> memref<1x1x128x32xf32, #tpu.memory_space<vmem>>
        %dma_start3A_1059 = tpu.memref_squeeze %dma_start3A_1058 : memref<1x1x128x32xf32, #tpu.memory_space<vmem>> -> memref<128x32xf32, #tpu.memory_space<vmem>>
        %dma_start3A_1060 = arith.constant 0 : i32
        %dma_start3A_1061 = tpu.memref_slice %arg6[%dma_start3A_1052, %dma_start3A_1053, %dma_start3A_1060] : memref<4x4x128xi32, #tpu.memory_space<vmem>> -> memref<1x1x128xi32, #tpu.memory_space<vmem>>
        %dma_start3A_1062 = tpu.memref_squeeze %dma_start3A_1061 : memref<1x1x128xi32, #tpu.memory_space<vmem>> -> memref<128xi32, #tpu.memory_space<vmem>>
        %dma_start3A_1063 = arith.constant 0 : i32
        %dma_start3A_1064 = tpu.memref_slice %arg3[%mul3A_1035, %dma_start3A_1063] : memref<1000000x32xf32, #tpu.memory_space<hbm>> -> memref<10000x32xf32, #tpu.memory_space<hbm>>
        %dma_start3A_1065 = arith.constant 0 : i32
        %dma_start3A_1066 = arith.constant 0 : i32
        %dma_start3A_1067 = tpu.memref_slice %dma_start3A_1064[%dma_start3A_1065, %dma_start3A_1066] : memref<10000x32xf32, #tpu.memory_space<hbm>> -> memref<10000x32xf32, #tpu.memory_space<hbm>>
        tpu.enqueue_indirect_dma source(%dma_start3A_1067 : memref<10000x32xf32, #tpu.memory_space<hbm>>) target(%dma_start3A_1059 : memref<128x32xf32, #tpu.memory_space<vmem>>) offsets(%dma_start3A_1062 : memref<128xi32, #tpu.memory_space<vmem>>) semaphore(%arg15 : memref<!tpu.dma_semaphore, #tpu.memory_space<semaphore_mem>>)
        %dma_start3A_1068 = arith.constant 1 : i32
        %dma_start3A_1069 = arith.constant 2 : i32
        %dma_start3A_1070 = arith.constant 1 : i32
        %dma_start3A_1071 = arith.constant 2 : i32
        %dma_start3A_1072 = arith.constant 0 : i32
        %dma_start3A_1073 = arith.constant 0 : i32
        %dma_start3A_1074 = tpu.memref_slice %arg7[%dma_start3A_1070, %dma_start3A_1071, %dma_start3A_1072, %dma_start3A_1073] : memref<4x4x128x32xf32, #tpu.memory_space<vmem>> -> memref<1x1x128x32xf32, #tpu.memory_space<vmem>>
        %dma_start3A_1075 = tpu.memref_squeeze %dma_start3A_1074 : memref<1x1x128x32xf32, #tpu.memory_space<vmem>> -> memref<128x32xf32, #tpu.memory_space<vmem>>
        %dma_start3A_1076 = arith.constant 0 : i32
        %dma_start3A_1077 = tpu.memref_slice %arg6[%dma_start3A_1068, %dma_start3A_1069, %dma_start3A_1076] : memref<4x4x128xi32, #tpu.memory_space<vmem>> -> memref<1x1x128xi32, #tpu.memory_space<vmem>>
        %dma_start3A_1078 = tpu.memref_squeeze %dma_start3A_1077 : memref<1x1x128xi32, #tpu.memory_space<vmem>> -> memref<128xi32, #tpu.memory_space<vmem>>
        %dma_start3A_1079 = arith.constant 0 : i32
        %dma_start3A_1080 = tpu.memref_slice %arg3[%mul3A_1035, %dma_start3A_1079] : memref<1000000x32xf32, #tpu.memory_space<hbm>> -> memref<10000x32xf32, #tpu.memory_space<hbm>>
        %dma_start3A_1081 = arith.constant 0 : i32
        %dma_start3A_1082 = arith.constant 0 : i32
        %dma_start3A_1083 = tpu.memref_slice %dma_start3A_1080[%dma_start3A_1081, %dma_start3A_1082] : memref<10000x32xf32, #tpu.memory_space<hbm>> -> memref<10000x32xf32, #tpu.memory_space<hbm>>
        tpu.enqueue_indirect_dma source(%dma_start3A_1083 : memref<10000x32xf32, #tpu.memory_space<hbm>>) target(%dma_start3A_1075 : memref<128x32xf32, #tpu.memory_space<vmem>>) offsets(%dma_start3A_1078 : memref<128xi32, #tpu.memory_space<vmem>>) semaphore(%arg15 : memref<!tpu.dma_semaphore, #tpu.memory_space<semaphore_mem>>)
        %dma_start3A_1084 = arith.constant 1 : i32
        %dma_start3A_1085 = arith.constant 3 : i32
        %dma_start3A_1086 = arith.constant 1 : i32
        %dma_start3A_1087 = arith.constant 3 : i32
        %dma_start3A_1088 = arith.constant 0 : i32
        %dma_start3A_1089 = arith.constant 0 : i32
        %dma_start3A_1090 = tpu.memref_slice %arg7[%dma_start3A_1086, %dma_start3A_1087, %dma_start3A_1088, %dma_start3A_1089] : memref<4x4x128x32xf32, #tpu.memory_space<vmem>> -> memref<1x1x128x32xf32, #tpu.memory_space<vmem>>
        %dma_start3A_1091 = tpu.memref_squeeze %dma_start3A_1090 : memref<1x1x128x32xf32, #tpu.memory_space<vmem>> -> memref<128x32xf32, #tpu.memory_space<vmem>>
        %dma_start3A_1092 = arith.constant 0 : i32
        %dma_start3A_1093 = tpu.memref_slice %arg6[%dma_start3A_1084, %dma_start3A_1085, %dma_start3A_1092] : memref<4x4x128xi32, #tpu.memory_space<vmem>> -> memref<1x1x128xi32, #tpu.memory_space<vmem>>
        %dma_start3A_1094 = tpu.memref_squeeze %dma_start3A_1093 : memref<1x1x128xi32, #tpu.memory_space<vmem>> -> memref<128xi32, #tpu.memory_space<vmem>>
        %dma_start3A_1095 = arith.constant 0 : i32
        %dma_start3A_1096 = tpu.memref_slice %arg3[%mul3A_1035, %dma_start3A_1095] : memref<1000000x32xf32, #tpu.memory_space<hbm>> -> memref<10000x32xf32, #tpu.memory_space<hbm>>
        %dma_start3A_1097 = arith.constant 0 : i32
        %dma_start3A_1098 = arith.constant 0 : i32
        %dma_start3A_1099 = tpu.memref_slice %dma_start3A_1096[%dma_start3A_1097, %dma_start3A_1098] : memref<10000x32xf32, #tpu.memory_space<hbm>> -> memref<10000x32xf32, #tpu.memory_space<hbm>>
        tpu.enqueue_indirect_dma source(%dma_start3A_1099 : memref<10000x32xf32, #tpu.memory_space<hbm>>) target(%dma_start3A_1091 : memref<128x32xf32, #tpu.memory_space<vmem>>) offsets(%dma_start3A_1094 : memref<128xi32, #tpu.memory_space<vmem>>) semaphore(%arg15 : memref<!tpu.dma_semaphore, #tpu.memory_space<semaphore_mem>>)
      } else {
      }
      %ge3A_847 = arith.constant 2 : i32
      %ge3A_848 = arith.cmpi sge, %add3A_839, %ge3A_847 : i32
      %convert_element_type3A_849 = arith.extui %ge3A_848 : i1 to i32
      %cond3A_850 = arith.constant 0 : i32
      %cond3A_851 = arith.cmpi ne, %convert_element_type3A_849, %cond3A_850 : i32
      scf.if %cond3A_851 {
        %dma_wait3A_1007 = arith.constant 16384 : i32
        %dma_wait3A_1008 = tpu.memref_slice %arg8[%dma_wait3A_1007] : memref<32768xf32, #tpu.memory_space<vmem>> -> memref<4096xf32, #tpu.memory_space<vmem>>
        %dma_wait3A_1009 = arith.constant 0 : i32
        %dma_wait3A_1010 = tpu.memref_slice %arg5[%dma_wait3A_1009] : memref<52428800xf32, #tpu.memory_space<hbm>> -> memref<4096xf32, #tpu.memory_space<hbm>>
        %dma_wait3A_1011 = arith.constant 0 : i32
        %dma_wait3A_1012 = tpu.memref_slice %arg5[%dma_wait3A_1011] : memref<52428800xf32, #tpu.memory_space<hbm>> -> memref<4096xf32, #tpu.memory_space<hbm>>
        %dma_wait3A_1013 = arith.constant 16384 : i32
        %dma_wait3A_1014 = tpu.memref_slice %arg8[%dma_wait3A_1013] : memref<32768xf32, #tpu.memory_space<vmem>> -> memref<4096xf32, #tpu.memory_space<vmem>>
        tpu.wait_dma2 semaphore(%arg19 : memref<!tpu.dma_semaphore, #tpu.memory_space<semaphore_mem>>) src(%dma_wait3A_1014 : memref<4096xf32, #tpu.memory_space<vmem>>) dst(%dma_wait3A_1012 : memref<4096xf32, #tpu.memory_space<hbm>>)
        %dma_wait3A_1015 = arith.constant 16384 : i32
        %dma_wait3A_1016 = tpu.memref_slice %arg8[%dma_wait3A_1015] : memref<32768xf32, #tpu.memory_space<vmem>> -> memref<4096xf32, #tpu.memory_space<vmem>>
        %dma_wait3A_1017 = arith.constant 0 : i32
        %dma_wait3A_1018 = tpu.memref_slice %arg5[%dma_wait3A_1017] : memref<52428800xf32, #tpu.memory_space<hbm>> -> memref<4096xf32, #tpu.memory_space<hbm>>
        %dma_wait3A_1019 = arith.constant 0 : i32
        %dma_wait3A_1020 = tpu.memref_slice %arg5[%dma_wait3A_1019] : memref<52428800xf32, #tpu.memory_space<hbm>> -> memref<4096xf32, #tpu.memory_space<hbm>>
        %dma_wait3A_1021 = arith.constant 16384 : i32
        %dma_wait3A_1022 = tpu.memref_slice %arg8[%dma_wait3A_1021] : memref<32768xf32, #tpu.memory_space<vmem>> -> memref<4096xf32, #tpu.memory_space<vmem>>
        tpu.wait_dma2 semaphore(%arg19 : memref<!tpu.dma_semaphore, #tpu.memory_space<semaphore_mem>>) src(%dma_wait3A_1022 : memref<4096xf32, #tpu.memory_space<vmem>>) dst(%dma_wait3A_1020 : memref<4096xf32, #tpu.memory_space<hbm>>)
        %dma_wait3A_1023 = arith.constant 16384 : i32
        %dma_wait3A_1024 = tpu.memref_slice %arg8[%dma_wait3A_1023] : memref<32768xf32, #tpu.memory_space<vmem>> -> memref<4096xf32, #tpu.memory_space<vmem>>
        %dma_wait3A_1025 = arith.constant 0 : i32
        %dma_wait3A_1026 = tpu.memref_slice %arg5[%dma_wait3A_1025] : memref<52428800xf32, #tpu.memory_space<hbm>> -> memref<4096xf32, #tpu.memory_space<hbm>>
        %dma_wait3A_1027 = arith.constant 0 : i32
        %dma_wait3A_1028 = tpu.memref_slice %arg5[%dma_wait3A_1027] : memref<52428800xf32, #tpu.memory_space<hbm>> -> memref<4096xf32, #tpu.memory_space<hbm>>
        %dma_wait3A_1029 = arith.constant 16384 : i32
        %dma_wait3A_1030 = tpu.memref_slice %arg8[%dma_wait3A_1029] : memref<32768xf32, #tpu.memory_space<vmem>> -> memref<4096xf32, #tpu.memory_space<vmem>>
        tpu.wait_dma2 semaphore(%arg19 : memref<!tpu.dma_semaphore, #tpu.memory_space<semaphore_mem>>) src(%dma_wait3A_1030 : memref<4096xf32, #tpu.memory_space<vmem>>) dst(%dma_wait3A_1028 : memref<4096xf32, #tpu.memory_space<hbm>>)
        %dma_wait3A_1031 = arith.constant 16384 : i32
        %dma_wait3A_1032 = tpu.memref_slice %arg8[%dma_wait3A_1031] : memref<32768xf32, #tpu.memory_space<vmem>> -> memref<4096xf32, #tpu.memory_space<vmem>>
        %dma_wait3A_1033 = arith.constant 0 : i32
        %dma_wait3A_1034 = tpu.memref_slice %arg5[%dma_wait3A_1033] : memref<52428800xf32, #tpu.memory_space<hbm>> -> memref<4096xf32, #tpu.memory_space<hbm>>
        %dma_wait3A_1035 = arith.constant 0 : i32
        %dma_wait3A_1036 = tpu.memref_slice %arg5[%dma_wait3A_1035] : memref<52428800xf32, #tpu.memory_space<hbm>> -> memref<4096xf32, #tpu.memory_space<hbm>>
        %dma_wait3A_1037 = arith.constant 16384 : i32
        %dma_wait3A_1038 = tpu.memref_slice %arg8[%dma_wait3A_1037] : memref<32768xf32, #tpu.memory_space<vmem>> -> memref<4096xf32, #tpu.memory_space<vmem>>
        tpu.wait_dma2 semaphore(%arg19 : memref<!tpu.dma_semaphore, #tpu.memory_space<semaphore_mem>>) src(%dma_wait3A_1038 : memref<4096xf32, #tpu.memory_space<vmem>>) dst(%dma_wait3A_1036 : memref<4096xf32, #tpu.memory_space<hbm>>)
      } else {
      }
      %dma_wait3A_852 = arith.constant 3 : i32
      %dma_wait3A_853 = arith.constant 0 : i32
      %dma_wait3A_854 = arith.constant 3 : i32
      %dma_wait3A_855 = arith.constant 0 : i32
      %dma_wait3A_856 = arith.constant 0 : i32
      %dma_wait3A_857 = arith.constant 0 : i32
      %dma_wait3A_858 = tpu.memref_slice %arg7[%dma_wait3A_854, %dma_wait3A_855, %dma_wait3A_856, %dma_wait3A_857] : memref<4x4x128x32xf32, #tpu.memory_space<vmem>> -> memref<1x1x128x32xf32, #tpu.memory_space<vmem>>
      %dma_wait3A_859 = tpu.memref_squeeze %dma_wait3A_858 : memref<1x1x128x32xf32, #tpu.memory_space<vmem>> -> memref<128x32xf32, #tpu.memory_space<vmem>>
      %dma_wait3A_860 = arith.constant 0 : i32
      %dma_wait3A_861 = tpu.memref_slice %arg6[%dma_wait3A_852, %dma_wait3A_853, %dma_wait3A_860] : memref<4x4x128xi32, #tpu.memory_space<vmem>> -> memref<1x1x128xi32, #tpu.memory_space<vmem>>
      %dma_wait3A_862 = tpu.memref_squeeze %dma_wait3A_861 : memref<1x1x128xi32, #tpu.memory_space<vmem>> -> memref<128xi32, #tpu.memory_space<vmem>>
      %dma_wait3A_863 = arith.constant 0 : i32
      %dma_wait3A_864 = arith.constant 0 : i32
      %dma_wait3A_865 = tpu.memref_slice %arg3[%dma_wait3A_863, %dma_wait3A_864] : memref<1000000x32xf32, #tpu.memory_space<hbm>> -> memref<1000000x32xf32, #tpu.memory_space<hbm>>
      tpu.wait_indirect_dma semaphore(%arg17 : memref<!tpu.dma_semaphore, #tpu.memory_space<semaphore_mem>>) src(%dma_wait3A_865 : memref<1000000x32xf32, #tpu.memory_space<hbm>>) dst(%dma_wait3A_859 : memref<128x32xf32, #tpu.memory_space<vmem>>)
      %dma_wait3A_866 = arith.constant 3 : i32
      %dma_wait3A_867 = arith.constant 1 : i32
      %dma_wait3A_868 = arith.constant 3 : i32
      %dma_wait3A_869 = arith.constant 1 : i32
      %dma_wait3A_870 = arith.constant 0 : i32
      %dma_wait3A_871 = arith.constant 0 : i32
      %dma_wait3A_872 = tpu.memref_slice %arg7[%dma_wait3A_868, %dma_wait3A_869, %dma_wait3A_870, %dma_wait3A_871] : memref<4x4x128x32xf32, #tpu.memory_space<vmem>> -> memref<1x1x128x32xf32, #tpu.memory_space<vmem>>
      %dma_wait3A_873 = tpu.memref_squeeze %dma_wait3A_872 : memref<1x1x128x32xf32, #tpu.memory_space<vmem>> -> memref<128x32xf32, #tpu.memory_space<vmem>>
      %dma_wait3A_874 = arith.constant 0 : i32
      %dma_wait3A_875 = tpu.memref_slice %arg6[%dma_wait3A_866, %dma_wait3A_867, %dma_wait3A_874] : memref<4x4x128xi32, #tpu.memory_space<vmem>> -> memref<1x1x128xi32, #tpu.memory_space<vmem>>
      %dma_wait3A_876 = tpu.memref_squeeze %dma_wait3A_875 : memref<1x1x128xi32, #tpu.memory_space<vmem>> -> memref<128xi32, #tpu.memory_space<vmem>>
      %dma_wait3A_877 = arith.constant 0 : i32
      %dma_wait3A_878 = arith.constant 0 : i32
      %dma_wait3A_879 = tpu.memref_slice %arg3[%dma_wait3A_877, %dma_wait3A_878] : memref<1000000x32xf32, #tpu.memory_space<hbm>> -> memref<1000000x32xf32, #tpu.memory_space<hbm>>
      tpu.wait_indirect_dma semaphore(%arg17 : memref<!tpu.dma_semaphore, #tpu.memory_space<semaphore_mem>>) src(%dma_wait3A_879 : memref<1000000x32xf32, #tpu.memory_space<hbm>>) dst(%dma_wait3A_873 : memref<128x32xf32, #tpu.memory_space<vmem>>)
      %dma_wait3A_880 = arith.constant 3 : i32
      %dma_wait3A_881 = arith.constant 2 : i32
      %dma_wait3A_882 = arith.constant 3 : i32
      %dma_wait3A_883 = arith.constant 2 : i32
      %dma_wait3A_884 = arith.constant 0 : i32
      %dma_wait3A_885 = arith.constant 0 : i32
      %dma_wait3A_886 = tpu.memref_slice %arg7[%dma_wait3A_882, %dma_wait3A_883, %dma_wait3A_884, %dma_wait3A_885] : memref<4x4x128x32xf32, #tpu.memory_space<vmem>> -> memref<1x1x128x32xf32, #tpu.memory_space<vmem>>
      %dma_wait3A_887 = tpu.memref_squeeze %dma_wait3A_886 : memref<1x1x128x32xf32, #tpu.memory_space<vmem>> -> memref<128x32xf32, #tpu.memory_space<vmem>>
      %dma_wait3A_888 = arith.constant 0 : i32
      %dma_wait3A_889 = tpu.memref_slice %arg6[%dma_wait3A_880, %dma_wait3A_881, %dma_wait3A_888] : memref<4x4x128xi32, #tpu.memory_space<vmem>> -> memref<1x1x128xi32, #tpu.memory_space<vmem>>
      %dma_wait3A_890 = tpu.memref_squeeze %dma_wait3A_889 : memref<1x1x128xi32, #tpu.memory_space<vmem>> -> memref<128xi32, #tpu.memory_space<vmem>>
      %dma_wait3A_891 = arith.constant 0 : i32
      %dma_wait3A_892 = arith.constant 0 : i32
      %dma_wait3A_893 = tpu.memref_slice %arg3[%dma_wait3A_891, %dma_wait3A_892] : memref<1000000x32xf32, #tpu.memory_space<hbm>> -> memref<1000000x32xf32, #tpu.memory_space<hbm>>
      tpu.wait_indirect_dma semaphore(%arg17 : memref<!tpu.dma_semaphore, #tpu.memory_space<semaphore_mem>>) src(%dma_wait3A_893 : memref<1000000x32xf32, #tpu.memory_space<hbm>>) dst(%dma_wait3A_887 : memref<128x32xf32, #tpu.memory_space<vmem>>)
      %dma_wait3A_894 = arith.constant 3 : i32
      %dma_wait3A_895 = arith.constant 3 : i32
      %dma_wait3A_896 = arith.constant 3 : i32
      %dma_wait3A_897 = arith.constant 3 : i32
      %dma_wait3A_898 = arith.constant 0 : i32
      %dma_wait3A_899 = arith.constant 0 : i32
      %dma_wait3A_900 = tpu.memref_slice %arg7[%dma_wait3A_896, %dma_wait3A_897, %dma_wait3A_898, %dma_wait3A_899] : memref<4x4x128x32xf32, #tpu.memory_space<vmem>> -> memref<1x1x128x32xf32, #tpu.memory_space<vmem>>
      %dma_wait3A_901 = tpu.memref_squeeze %dma_wait3A_900 : memref<1x1x128x32xf32, #tpu.memory_space<vmem>> -> memref<128x32xf32, #tpu.memory_space<vmem>>
      %dma_wait3A_902 = arith.constant 0 : i32
      %dma_wait3A_903 = tpu.memref_slice %arg6[%dma_wait3A_894, %dma_wait3A_895, %dma_wait3A_902] : memref<4x4x128xi32, #tpu.memory_space<vmem>> -> memref<1x1x128xi32, #tpu.memory_space<vmem>>
      %dma_wait3A_904 = tpu.memref_squeeze %dma_wait3A_903 : memref<1x1x128xi32, #tpu.memory_space<vmem>> -> memref<128xi32, #tpu.memory_space<vmem>>
      %dma_wait3A_905 = arith.constant 0 : i32
      %dma_wait3A_906 = arith.constant 0 : i32
      %dma_wait3A_907 = tpu.memref_slice %arg3[%dma_wait3A_905, %dma_wait3A_906] : memref<1000000x32xf32, #tpu.memory_space<hbm>> -> memref<1000000x32xf32, #tpu.memory_space<hbm>>
      tpu.wait_indirect_dma semaphore(%arg17 : memref<!tpu.dma_semaphore, #tpu.memory_space<semaphore_mem>>) src(%dma_wait3A_907 : memref<1000000x32xf32, #tpu.memory_space<hbm>>) dst(%dma_wait3A_901 : memref<128x32xf32, #tpu.memory_space<vmem>>)
      %mul3A_908 = arith.constant 4 : i32
      %mul3A_909 = arith.muli %add3A_839, %mul3A_908 : i32
      %add3A_910 = arith.addi %mul3A_4, %mul3A_909 : i32
      %div3A_911 = arith.constant 128 : i32
      %div3A_912 = arith.divsi %add3A_910, %div3A_911 : i32
      %rem3A_913 = arith.constant 128 : i32
      %rem3A_914 = arith.remsi %add3A_910, %rem3A_913 : i32
      %get3A_915 = arith.index_cast %div3A_912 : i32 to index
      %get3A_916 = arith.constant 0 : index
      %get3A_917 = tpu.vector_load %arg9[%get3A_915, %get3A_916] {strides = array<i32>} : memref<100x32xf32, #tpu.memory_space<vmem>>, vector<16xf32>,
      %get3A_918 = arith.index_cast %div3A_912 : i32 to index
      %get3A_919 = arith.constant 16 : index
      %get3A_920 = tpu.vector_load %arg9[%get3A_918, %get3A_919] {strides = array<i32>} : memref<100x32xf32, #tpu.memory_space<vmem>>, vector<16xf32>,
      %iota3A_921 = tpu.iota {dimensions = array<i32: 0>} : vector<16xi32>
      %shift_right_arithmetic3A_922 = arith.constant 3 : i32
      %shift_right_arithmetic3A_923 = vector.broadcast %shift_right_arithmetic3A_922 : i32 to vector<16xi32>
      %shift_right_arithmetic3A_924 = arith.shrsi %iota3A_921, %shift_right_arithmetic3A_923 : vector<16xi32>
      %mul3A_925 = arith.constant 4096 : i32
      %mul3A_926 = vector.broadcast %mul3A_925 : i32 to vector<16xi32>
      %mul3A_927 = arith.muli %shift_right_arithmetic3A_924, %mul3A_926 : vector<16xi32>
      %and3A_928 = arith.constant 7 : i32
      %and3A_929 = vector.broadcast %and3A_928 : i32 to vector<16xi32>
      %and3A_930 = arith.andi %iota3A_921, %and3A_929 : vector<16xi32>
      %mul3A_931 = arith.constant 128 : i32
      %mul3A_932 = vector.broadcast %mul3A_931 : i32 to vector<16xi32>
      %mul3A_933 = arith.muli %and3A_930, %mul3A_932 : vector<16xi32>
      %add3A_934 = arith.addi %mul3A_927, %mul3A_933 : vector<16xi32>
      %add3A_935 = arith.constant 16384 : i32
      %add3A_936 = vector.broadcast %add3A_935 : i32 to vector<16xi32>
      %add3A_937 = arith.addi %add3A_934, %add3A_936 : vector<16xi32>
      %add3A_938 = arith.constant 16 : i32
      %add3A_939 = vector.broadcast %add3A_938 : i32 to vector<16xi32>
      %add3A_940 = arith.addi %iota3A_921, %add3A_939 : vector<16xi32>
      %shift_right_arithmetic3A_941 = arith.constant 3 : i32
      %shift_right_arithmetic3A_942 = vector.broadcast %shift_right_arithmetic3A_941 : i32 to vector<16xi32>
      %shift_right_arithmetic3A_943 = arith.shrsi %add3A_940, %shift_right_arithmetic3A_942 : vector<16xi32>
      %mul3A_944 = arith.constant 4096 : i32
      %mul3A_945 = vector.broadcast %mul3A_944 : i32 to vector<16xi32>
      %mul3A_946 = arith.muli %shift_right_arithmetic3A_943, %mul3A_945 : vector<16xi32>
      %add3A_947 = arith.constant 16 : i32
      %add3A_948 = vector.broadcast %add3A_947 : i32 to vector<16xi32>
      %add3A_949 = arith.addi %iota3A_921, %add3A_948 : vector<16xi32>
      %and3A_950 = arith.constant 7 : i32
      %and3A_951 = vector.broadcast %and3A_950 : i32 to vector<16xi32>
      %and3A_952 = arith.andi %add3A_949, %and3A_951 : vector<16xi32>
      %mul3A_953 = arith.constant 128 : i32
      %mul3A_954 = vector.broadcast %mul3A_953 : i32 to vector<16xi32>
      %mul3A_955 = arith.muli %and3A_952, %mul3A_954 : vector<16xi32>
      %add3A_956 = arith.addi %mul3A_946, %mul3A_955 : vector<16xi32>
      %add3A_957 = arith.constant 16384 : i32
      %add3A_958 = vector.broadcast %add3A_957 : i32 to vector<16xi32>
      %add3A_959 = arith.addi %add3A_956, %add3A_958 : vector<16xi32>
      %parallel_loop3A_960 = arith.constant 0 : i32
      %parallel_loop3A_961 = arith.constant 512 : i32
      %parallel_loop3A_962 = arith.constant 1 : i32
      scf.for %parallel_loop3A_1007 = %parallel_loop3A_960 to %parallel_loop3A_961 step %parallel_loop3A_962  : i32 {
        %parallel_loop3A_1008 = arith.constant 7 : i32
        %parallel_loop3A_1009 = arith.shrsi %parallel_loop3A_1007, %parallel_loop3A_1008 : i32
        %parallel_loop3A_1010 = arith.constant 127 : i32
        %parallel_loop3A_1011 = arith.andi %parallel_loop3A_1007, %parallel_loop3A_1010 : i32
        %parallel_loop3A_1012 = arith.constant 1024 : i32
        %parallel_loop3A_1013 = arith.muli %parallel_loop3A_1009, %parallel_loop3A_1012 : i32
        %parallel_loop3A_1014 = arith.addi %parallel_loop3A_1013, %parallel_loop3A_1011 : i32
        %parallel_loop3A_1015 = vector.broadcast %parallel_loop3A_1014 : i32 to vector<16xi32>
        %parallel_loop3A_1016 = arith.addi %add3A_937, %parallel_loop3A_1015 : vector<16xi32>
        %parallel_loop3A_1017 = arith.constant 3 : i32
        %parallel_loop3A_1018 = arith.index_cast %parallel_loop3A_1017 : i32 to index
        %parallel_loop3A_1019 = arith.index_cast %parallel_loop3A_1009 : i32 to index
        %parallel_loop3A_1020 = arith.index_cast %parallel_loop3A_1011 : i32 to index
        %parallel_loop3A_1021 = arith.constant 0 : index
        %parallel_loop3A_1022 = tpu.vector_load %arg7[%parallel_loop3A_1018, %parallel_loop3A_1019, %parallel_loop3A_1020, %parallel_loop3A_1021] {strides = array<i32>} : memref<4x4x128x32xf32, #tpu.memory_space<vmem>>, vector<16xf32>,
        %parallel_loop3A_1023 = arith.addf %parallel_loop3A_1022, %get3A_917 : vector<16xf32>
        tpu.vector_store_idx %arg8[%parallel_loop3A_1016], %parallel_loop3A_1023 : memref<32768xf32, #tpu.memory_space<vmem>>[vector<16xi32>], vector<16xf32>,
        %parallel_loop3A_1024 = arith.addi %add3A_959, %parallel_loop3A_1015 : vector<16xi32>
        %parallel_loop3A_1025 = arith.constant 3 : i32
        %parallel_loop3A_1026 = arith.index_cast %parallel_loop3A_1025 : i32 to index
        %parallel_loop3A_1027 = arith.index_cast %parallel_loop3A_1009 : i32 to index
        %parallel_loop3A_1028 = arith.index_cast %parallel_loop3A_1011 : i32 to index
        %parallel_loop3A_1029 = arith.constant 16 : index
        %parallel_loop3A_1030 = tpu.vector_load %arg7[%parallel_loop3A_1026, %parallel_loop3A_1027, %parallel_loop3A_1028, %parallel_loop3A_1029] {strides = array<i32>} : memref<4x4x128x32xf32, #tpu.memory_space<vmem>>, vector<16xf32>,
        %parallel_loop3A_1031 = arith.addf %parallel_loop3A_1030, %get3A_920 : vector<16xf32>
        tpu.vector_store_idx %arg8[%parallel_loop3A_1024], %parallel_loop3A_1031 : memref<32768xf32, #tpu.memory_space<vmem>>[vector<16xi32>], vector<16xf32>,
      } {sc.loop_unroll_factor = 4 : i64, sc.parallel_access}
      %mul3A_963 = arith.constant 524288 : i32
      %mul3A_964 = arith.muli %div3A_912, %mul3A_963 : i32
      %mul3A_965 = arith.constant 1024 : i32
      %mul3A_966 = arith.muli %rem3A_914, %mul3A_965 : i32
      %add3A_967 = arith.addi %mul3A_964, %mul3A_966 : i32
      %add3A_968 = arith.constant 0 : i32
      %add3A_969 = arith.addi %add3A_967, %add3A_968 : i32
      %dma_start3A_970 = arith.constant 16384 : i32
      %dma_start3A_971 = tpu.memref_slice %arg8[%dma_start3A_970] : memref<32768xf32, #tpu.memory_space<vmem>> -> memref<4096xf32, #tpu.memory_space<vmem>>
      %dma_start3A_972 = tpu.memref_slice %arg5[%add3A_969] : memref<52428800xf32, #tpu.memory_space<hbm>> -> memref<4096xf32, #tpu.memory_space<hbm>>
      %dma_start3A_973 = tpu.memref_slice %arg5[%add3A_969] : memref<52428800xf32, #tpu.memory_space<hbm>> -> memref<4096xf32, #tpu.memory_space<hbm>>
      %dma_start3A_974 = arith.constant 16384 : i32
      %dma_start3A_975 = tpu.memref_slice %arg8[%dma_start3A_974] : memref<32768xf32, #tpu.memory_space<vmem>> -> memref<4096xf32, #tpu.memory_space<vmem>>
      tpu.enqueue_dma source(%dma_start3A_975 : memref<4096xf32, #tpu.memory_space<vmem>>) target(%dma_start3A_973 : memref<4096xf32, #tpu.memory_space<hbm>>) target_semaphore(%arg19 : memref<!tpu.dma_semaphore, #tpu.memory_space<semaphore_mem>>)
      %add3A_976 = arith.constant 131072 : i32
      %add3A_977 = arith.addi %add3A_967, %add3A_976 : i32
      %dma_start3A_978 = arith.constant 20480 : i32
      %dma_start3A_979 = tpu.memref_slice %arg8[%dma_start3A_978] : memref<32768xf32, #tpu.memory_space<vmem>> -> memref<4096xf32, #tpu.memory_space<vmem>>
      %dma_start3A_980 = tpu.memref_slice %arg5[%add3A_977] : memref<52428800xf32, #tpu.memory_space<hbm>> -> memref<4096xf32, #tpu.memory_space<hbm>>
      %dma_start3A_981 = tpu.memref_slice %arg5[%add3A_977] : memref<52428800xf32, #tpu.memory_space<hbm>> -> memref<4096xf32, #tpu.memory_space<hbm>>
      %dma_start3A_982 = arith.constant 20480 : i32
      %dma_start3A_983 = tpu.memref_slice %arg8[%dma_start3A_982] : memref<32768xf32, #tpu.memory_space<vmem>> -> memref<4096xf32, #tpu.memory_space<vmem>>
      tpu.enqueue_dma source(%dma_start3A_983 : memref<4096xf32, #tpu.memory_space<vmem>>) target(%dma_start3A_981 : memref<4096xf32, #tpu.memory_space<hbm>>) target_semaphore(%arg19 : memref<!tpu.dma_semaphore, #tpu.memory_space<semaphore_mem>>)
      %add3A_984 = arith.constant 262144 : i32
      %add3A_985 = arith.addi %add3A_967, %add3A_984 : i32
      %dma_start3A_986 = arith.constant 24576 : i32
      %dma_start3A_987 = tpu.memref_slice %arg8[%dma_start3A_986] : memref<32768xf32, #tpu.memory_space<vmem>> -> memref<4096xf32, #tpu.memory_space<vmem>>
      %dma_start3A_988 = tpu.memref_slice %arg5[%add3A_985] : memref<52428800xf32, #tpu.memory_space<hbm>> -> memref<4096xf32, #tpu.memory_space<hbm>>
      %dma_start3A_989 = tpu.memref_slice %arg5[%add3A_985] : memref<52428800xf32, #tpu.memory_space<hbm>> -> memref<4096xf32, #tpu.memory_space<hbm>>
      %dma_start3A_990 = arith.constant 24576 : i32
      %dma_start3A_991 = tpu.memref_slice %arg8[%dma_start3A_990] : memref<32768xf32, #tpu.memory_space<vmem>> -> memref<4096xf32, #tpu.memory_space<vmem>>
      tpu.enqueue_dma source(%dma_start3A_991 : memref<4096xf32, #tpu.memory_space<vmem>>) target(%dma_start3A_989 : memref<4096xf32, #tpu.memory_space<hbm>>) target_semaphore(%arg19 : memref<!tpu.dma_semaphore, #tpu.memory_space<semaphore_mem>>)
      %add3A_992 = arith.constant 393216 : i32
      %add3A_993 = arith.addi %add3A_967, %add3A_992 : i32
      %dma_start3A_994 = arith.constant 28672 : i32
      %dma_start3A_995 = tpu.memref_slice %arg8[%dma_start3A_994] : memref<32768xf32, #tpu.memory_space<vmem>> -> memref<4096xf32, #tpu.memory_space<vmem>>
      %dma_start3A_996 = tpu.memref_slice %arg5[%add3A_993] : memref<52428800xf32, #tpu.memory_space<hbm>> -> memref<4096xf32, #tpu.memory_space<hbm>>
      %dma_start3A_997 = tpu.memref_slice %arg5[%add3A_993] : memref<52428800xf32, #tpu.memory_space<hbm>> -> memref<4096xf32, #tpu.memory_space<hbm>>
      %dma_start3A_998 = arith.constant 28672 : i32
      %dma_start3A_999 = tpu.memref_slice %arg8[%dma_start3A_998] : memref<32768xf32, #tpu.memory_space<vmem>> -> memref<4096xf32, #tpu.memory_space<vmem>>
      tpu.enqueue_dma source(%dma_start3A_999 : memref<4096xf32, #tpu.memory_space<vmem>>) target(%dma_start3A_997 : memref<4096xf32, #tpu.memory_space<hbm>>) target_semaphore(%arg19 : memref<!tpu.dma_semaphore, #tpu.memory_space<semaphore_mem>>)
      %add3A_1000 = arith.constant 4 : i32
      %add3A_1001 = arith.addi %add3A_839, %add3A_1000 : i32
      %lt3A_1002 = arith.constant 100 : i32
      %lt3A_1003 = arith.cmpi slt, %add3A_1001, %lt3A_1002 : i32
      %convert_element_type3A_1004 = arith.extui %lt3A_1003 : i1 to i32
      %cond3A_1005 = arith.constant 0 : i32
      %cond3A_1006 = arith.cmpi ne, %convert_element_type3A_1004, %cond3A_1005 : i32
      scf.if %cond3A_1006 {
        %add3A_1007 = arith.constant 4 : i32
        %add3A_1008 = arith.addi %add3A_839, %add3A_1007 : i32
        %mul3A_1009 = arith.constant 4 : i32
        %mul3A_1010 = arith.muli %add3A_1008, %mul3A_1009 : i32
        %add3A_1011 = arith.addi %mul3A_4, %mul3A_1010 : i32
        %div3A_1012 = arith.constant 128 : i32
        %div3A_1013 = arith.divsi %add3A_1011, %div3A_1012 : i32
        %rem3A_1014 = arith.constant 128 : i32
        %rem3A_1015 = arith.remsi %add3A_1011, %rem3A_1014 : i32
        %dma_start3A_1016 = arith.constant 3 : i32
        %dma_start3A_1017 = arith.constant 0 : i32
        %dma_start3A_1018 = arith.constant 0 : i32
        %dma_start3A_1019 = tpu.memref_slice %arg6[%dma_start3A_1016, %dma_start3A_1017, %dma_start3A_1018] : memref<4x4x128xi32, #tpu.memory_space<vmem>> -> memref<1x4x128xi32, #tpu.memory_space<vmem>>
        %dma_start3A_1020 = tpu.memref_squeeze %dma_start3A_1019 : memref<1x4x128xi32, #tpu.memory_space<vmem>> -> memref<4x128xi32, #tpu.memory_space<vmem>>
        %dma_start3A_1021 = arith.constant 0 : i32
        %dma_start3A_1022 = tpu.memref_slice %arg2[%div3A_1013, %rem3A_1015, %dma_start3A_1021] : memref<100x128x128xi32, #tpu.memory_space<hbm>> -> memref<1x4x128xi32, #tpu.memory_space<hbm>>
        %dma_start3A_1023 = tpu.memref_squeeze %dma_start3A_1022 : memref<1x4x128xi32, #tpu.memory_space<hbm>> -> memref<4x128xi32, #tpu.memory_space<hbm>>
        %dma_start3A_1024 = arith.constant 0 : i32
        %dma_start3A_1025 = arith.constant 0 : i32
        %dma_start3A_1026 = tpu.memref_slice %arg6[%dma_start3A_1016, %dma_start3A_1024, %dma_start3A_1025] : memref<4x4x128xi32, #tpu.memory_space<vmem>> -> memref<1x4x128xi32, #tpu.memory_space<vmem>>
        %dma_start3A_1027 = tpu.memref_squeeze %dma_start3A_1026 : memref<1x4x128xi32, #tpu.memory_space<vmem>> -> memref<4x128xi32, #tpu.memory_space<vmem>>
        %dma_start3A_1028 = arith.constant 0 : i32
        %dma_start3A_1029 = tpu.memref_slice %arg2[%div3A_1013, %rem3A_1015, %dma_start3A_1028] : memref<100x128x128xi32, #tpu.memory_space<hbm>> -> memref<1x4x128xi32, #tpu.memory_space<hbm>>
        %dma_start3A_1030 = tpu.memref_squeeze %dma_start3A_1029 : memref<1x4x128xi32, #tpu.memory_space<hbm>> -> memref<4x128xi32, #tpu.memory_space<hbm>>
        tpu.enqueue_dma source(%dma_start3A_1030 : memref<4x128xi32, #tpu.memory_space<hbm>>) target(%dma_start3A_1027 : memref<4x128xi32, #tpu.memory_space<vmem>>) target_semaphore(%arg13 : memref<!tpu.dma_semaphore, #tpu.memory_space<semaphore_mem>>)
      } else {
      }
    }
    %scan3A_268 = arith.constant 25 : i32
    %dma_wait3A_269 = arith.constant 0 : i32
    %dma_wait3A_270 = tpu.memref_slice %arg8[%dma_wait3A_269] : memref<32768xf32, #tpu.memory_space<vmem>> -> memref<4096xf32, #tpu.memory_space<vmem>>
    %dma_wait3A_271 = arith.constant 0 : i32
    %dma_wait3A_272 = tpu.memref_slice %arg5[%dma_wait3A_271] : memref<52428800xf32, #tpu.memory_space<hbm>> -> memref<4096xf32, #tpu.memory_space<hbm>>
    %dma_wait3A_273 = arith.constant 0 : i32
    %dma_wait3A_274 = tpu.memref_slice %arg5[%dma_wait3A_273] : memref<52428800xf32, #tpu.memory_space<hbm>> -> memref<4096xf32, #tpu.memory_space<hbm>>
    %dma_wait3A_275 = arith.constant 0 : i32
    %dma_wait3A_276 = tpu.memref_slice %arg8[%dma_wait3A_275] : memref<32768xf32, #tpu.memory_space<vmem>> -> memref<4096xf32, #tpu.memory_space<vmem>>
    tpu.wait_dma2 semaphore(%arg18 : memref<!tpu.dma_semaphore, #tpu.memory_space<semaphore_mem>>) src(%dma_wait3A_276 : memref<4096xf32, #tpu.memory_space<vmem>>) dst(%dma_wait3A_274 : memref<4096xf32, #tpu.memory_space<hbm>>)
    %dma_wait3A_277 = arith.constant 0 : i32
    %dma_wait3A_278 = tpu.memref_slice %arg8[%dma_wait3A_277] : memref<32768xf32, #tpu.memory_space<vmem>> -> memref<4096xf32, #tpu.memory_space<vmem>>
    %dma_wait3A_279 = arith.constant 0 : i32
    %dma_wait3A_280 = tpu.memref_slice %arg5[%dma_wait3A_279] : memref<52428800xf32, #tpu.memory_space<hbm>> -> memref<4096xf32, #tpu.memory_space<hbm>>
    %dma_wait3A_281 = arith.constant 0 : i32
    %dma_wait3A_282 = tpu.memref_slice %arg5[%dma_wait3A_281] : memref<52428800xf32, #tpu.memory_space<hbm>> -> memref<4096xf32, #tpu.memory_space<hbm>>
    %dma_wait3A_283 = arith.constant 0 : i32
    %dma_wait3A_284 = tpu.memref_slice %arg8[%dma_wait3A_283] : memref<32768xf32, #tpu.memory_space<vmem>> -> memref<4096xf32, #tpu.memory_space<vmem>>
    tpu.wait_dma2 semaphore(%arg18 : memref<!tpu.dma_semaphore, #tpu.memory_space<semaphore_mem>>) src(%dma_wait3A_284 : memref<4096xf32, #tpu.memory_space<vmem>>) dst(%dma_wait3A_282 : memref<4096xf32, #tpu.memory_space<hbm>>)
    %dma_wait3A_285 = arith.constant 0 : i32
    %dma_wait3A_286 = tpu.memref_slice %arg8[%dma_wait3A_285] : memref<32768xf32, #tpu.memory_space<vmem>> -> memref<4096xf32, #tpu.memory_space<vmem>>
    %dma_wait3A_287 = arith.constant 0 : i32
    %dma_wait3A_288 = tpu.memref_slice %arg5[%dma_wait3A_287] : memref<52428800xf32, #tpu.memory_space<hbm>> -> memref<4096xf32, #tpu.memory_space<hbm>>
    %dma_wait3A_289 = arith.constant 0 : i32
    %dma_wait3A_290 = tpu.memref_slice %arg5[%dma_wait3A_289] : memref<52428800xf32, #tpu.memory_space<hbm>> -> memref<4096xf32, #tpu.memory_space<hbm>>
    %dma_wait3A_291 = arith.constant 0 : i32
    %dma_wait3A_292 = tpu.memref_slice %arg8[%dma_wait3A_291] : memref<32768xf32, #tpu.memory_space<vmem>> -> memref<4096xf32, #tpu.memory_space<vmem>>
    tpu.wait_dma2 semaphore(%arg18 : memref<!tpu.dma_semaphore, #tpu.memory_space<semaphore_mem>>) src(%dma_wait3A_292 : memref<4096xf32, #tpu.memory_space<vmem>>) dst(%dma_wait3A_290 : memref<4096xf32, #tpu.memory_space<hbm>>)
    %dma_wait3A_293 = arith.constant 0 : i32
    %dma_wait3A_294 = tpu.memref_slice %arg8[%dma_wait3A_293] : memref<32768xf32, #tpu.memory_space<vmem>> -> memref<4096xf32, #tpu.memory_space<vmem>>
    %dma_wait3A_295 = arith.constant 0 : i32
    %dma_wait3A_296 = tpu.memref_slice %arg5[%dma_wait3A_295] : memref<52428800xf32, #tpu.memory_space<hbm>> -> memref<4096xf32, #tpu.memory_space<hbm>>
    %dma_wait3A_297 = arith.constant 0 : i32
    %dma_wait3A_298 = tpu.memref_slice %arg5[%dma_wait3A_297] : memref<52428800xf32, #tpu.memory_space<hbm>> -> memref<4096xf32, #tpu.memory_space<hbm>>
    %dma_wait3A_299 = arith.constant 0 : i32
    %dma_wait3A_300 = tpu.memref_slice %arg8[%dma_wait3A_299] : memref<32768xf32, #tpu.memory_space<vmem>> -> memref<4096xf32, #tpu.memory_space<vmem>>
    tpu.wait_dma2 semaphore(%arg18 : memref<!tpu.dma_semaphore, #tpu.memory_space<semaphore_mem>>) src(%dma_wait3A_300 : memref<4096xf32, #tpu.memory_space<vmem>>) dst(%dma_wait3A_298 : memref<4096xf32, #tpu.memory_space<hbm>>)
    %dma_wait3A_301 = arith.constant 16384 : i32
    %dma_wait3A_302 = tpu.memref_slice %arg8[%dma_wait3A_301] : memref<32768xf32, #tpu.memory_space<vmem>> -> memref<4096xf32, #tpu.memory_space<vmem>>
    %dma_wait3A_303 = arith.constant 0 : i32
    %dma_wait3A_304 = tpu.memref_slice %arg5[%dma_wait3A_303] : memref<52428800xf32, #tpu.memory_space<hbm>> -> memref<4096xf32, #tpu.memory_space<hbm>>
    %dma_wait3A_305 = arith.constant 0 : i32
    %dma_wait3A_306 = tpu.memref_slice %arg5[%dma_wait3A_305] : memref<52428800xf32, #tpu.memory_space<hbm>> -> memref<4096xf32, #tpu.memory_space<hbm>>
    %dma_wait3A_307 = arith.constant 16384 : i32
    %dma_wait3A_308 = tpu.memref_slice %arg8[%dma_wait3A_307] : memref<32768xf32, #tpu.memory_space<vmem>> -> memref<4096xf32, #tpu.memory_space<vmem>>
    tpu.wait_dma2 semaphore(%arg19 : memref<!tpu.dma_semaphore, #tpu.memory_space<semaphore_mem>>) src(%dma_wait3A_308 : memref<4096xf32, #tpu.memory_space<vmem>>) dst(%dma_wait3A_306 : memref<4096xf32, #tpu.memory_space<hbm>>)
    %dma_wait3A_309 = arith.constant 16384 : i32
    %dma_wait3A_310 = tpu.memref_slice %arg8[%dma_wait3A_309] : memref<32768xf32, #tpu.memory_space<vmem>> -> memref<4096xf32, #tpu.memory_space<vmem>>
    %dma_wait3A_311 = arith.constant 0 : i32
    %dma_wait3A_312 = tpu.memref_slice %arg5[%dma_wait3A_311] : memref<52428800xf32, #tpu.memory_space<hbm>> -> memref<4096xf32, #tpu.memory_space<hbm>>
    %dma_wait3A_313 = arith.constant 0 : i32
    %dma_wait3A_314 = tpu.memref_slice %arg5[%dma_wait3A_313] : memref<52428800xf32, #tpu.memory_space<hbm>> -> memref<4096xf32, #tpu.memory_space<hbm>>
    %dma_wait3A_315 = arith.constant 16384 : i32
    %dma_wait3A_316 = tpu.memref_slice %arg8[%dma_wait3A_315] : memref<32768xf32, #tpu.memory_space<vmem>> -> memref<4096xf32, #tpu.memory_space<vmem>>
    tpu.wait_dma2 semaphore(%arg19 : memref<!tpu.dma_semaphore, #tpu.memory_space<semaphore_mem>>) src(%dma_wait3A_316 : memref<4096xf32, #tpu.memory_space<vmem>>) dst(%dma_wait3A_314 : memref<4096xf32, #tpu.memory_space<hbm>>)
    %dma_wait3A_317 = arith.constant 16384 : i32
    %dma_wait3A_318 = tpu.memref_slice %arg8[%dma_wait3A_317] : memref<32768xf32, #tpu.memory_space<vmem>> -> memref<4096xf32, #tpu.memory_space<vmem>>
    %dma_wait3A_319 = arith.constant 0 : i32
    %dma_wait3A_320 = tpu.memref_slice %arg5[%dma_wait3A_319] : memref<52428800xf32, #tpu.memory_space<hbm>> -> memref<4096xf32, #tpu.memory_space<hbm>>
    %dma_wait3A_321 = arith.constant 0 : i32
    %dma_wait3A_322 = tpu.memref_slice %arg5[%dma_wait3A_321] : memref<52428800xf32, #tpu.memory_space<hbm>> -> memref<4096xf32, #tpu.memory_space<hbm>>
    %dma_wait3A_323 = arith.constant 16384 : i32
    %dma_wait3A_324 = tpu.memref_slice %arg8[%dma_wait3A_323] : memref<32768xf32, #tpu.memory_space<vmem>> -> memref<4096xf32, #tpu.memory_space<vmem>>
    tpu.wait_dma2 semaphore(%arg19 : memref<!tpu.dma_semaphore, #tpu.memory_space<semaphore_mem>>) src(%dma_wait3A_324 : memref<4096xf32, #tpu.memory_space<vmem>>) dst(%dma_wait3A_322 : memref<4096xf32, #tpu.memory_space<hbm>>)
    %dma_wait3A_325 = arith.constant 16384 : i32
    %dma_wait3A_326 = tpu.memref_slice %arg8[%dma_wait3A_325] : memref<32768xf32, #tpu.memory_space<vmem>> -> memref<4096xf32, #tpu.memory_space<vmem>>
    %dma_wait3A_327 = arith.constant 0 : i32
    %dma_wait3A_328 = tpu.memref_slice %arg5[%dma_wait3A_327] : memref<52428800xf32, #tpu.memory_space<hbm>> -> memref<4096xf32, #tpu.memory_space<hbm>>
    %dma_wait3A_329 = arith.constant 0 : i32
    %dma_wait3A_330 = tpu.memref_slice %arg5[%dma_wait3A_329] : memref<52428800xf32, #tpu.memory_space<hbm>> -> memref<4096xf32, #tpu.memory_space<hbm>>
    %dma_wait3A_331 = arith.constant 16384 : i32
    %dma_wait3A_332 = tpu.memref_slice %arg8[%dma_wait3A_331] : memref<32768xf32, #tpu.memory_space<vmem>> -> memref<4096xf32, #tpu.memory_space<vmem>>
    tpu.wait_dma2 semaphore(%arg19 : memref<!tpu.dma_semaphore, #tpu.memory_space<semaphore_mem>>) src(%dma_wait3A_332 : memref<4096xf32, #tpu.memory_space<vmem>>) dst(%dma_wait3A_330 : memref<4096xf32, #tpu.memory_space<hbm>>)
    return
  }
}

</mosaic_0001>

<sc_bundles>
// kernel: kernel.3.cloned.1.call-start
scs
__scs_entry_jumppad:
0x0: {  	(pc) =	sbr.rel $0x88, $3  }
0x1: {  	(tag) =	ssettag $0x0;
	lr =	simm.s32 $0x1  }
0x2: {  	[smem:$0x3F9E] =	sst lr;
	_ =	strace $0xD0000000  }
0x3: {  	_ = 	snop  }
0x4: {  	_ = 	snop  }
0x5: {  	_ = 	snop  }
0x6: {  	_ = 	snop  }
0x7: {  	_ = 	snop  }
__scs_overlays_trampoline_lowered:
0x8: {  	[smem:$0x3FAD] =	sst s0  }
0x9: {  	[smem:$0x3FAE] =	sst s1  }
0xa: {  	[smem:$0x3FAF] =	sst s2  }
0xb: {  	[smem:$0x3FB0] =	sst s3  }
0xc: {  	[smem:$0x3FB1] =	sst s4  }
0xd: {  	[smem:$0x3FB2] =	sst s5  }
0xe: {  	[smem:$0x3FB3] =	sst s6  }
0xf: {  	[smem:$0x3FB4] =	sst s7  }
0x10: {  	[smem:$0x3FB5] =	sst s8  }
0x11: {  	[smem:$0x3FB6] =	sst s9;
	s0 =	simm.s32 @!p0 $0x0  }
0x12: {  	s1 =	sld [smem:$0x3F9C];
	s0 =	simm.s32 @p0 $0x1  }
0x13: {  	[smem:$0x3FB7] =	sst s0;
	s0 =	simm.s32 @!p1 $0x0  }
0x14: {  	s2 =	sld [smem:$0x3F9B];
	s0 =	simm.s32 @p1 $0x1  }
0x15: {  	[smem:$0x3FB8] =	sst s0;
	s0 =	simm.s32 @!p2 $0x0  }
0x16: {  	s3 =	sld [smem:$0x3FDB];
	s0 =	simm.s32 @p2 $0x1  }
0x17: {  	s4 =	simm.s32 $0x1BF5;
	[smem:$0x3FBA] =	sst s0  }
0x18: {  	s0 =	sld [smem:$0x3F9D];
	_ =	swait.ge [sflag:s4], $0x0  }
0x19: {  	s7 =	sld [smem:$0x3F9E]  }
0x1a: {  	s8 =	sadd.s32 $0xFFFFE003, lr  }
0x1b: {  	s9 =	sadd.s32 $0xFFFFFEF7, lr;
	s5 =	simm.s32 $0xFFFFFFFF;
	p2 =	slt.u32 s8, $0xFFFFF086  }
0x1c: {  	p1 =	slt.u32 s9, $0xF7A;
	s5 =	simm.s32 @!p2 $0x0  }
0x1d: {  	s5 =	simm.s32 @p1 $0x1;
	p0 =	seq.s32 s7, s2  }
0x1e: {  	s7 =	smul.u32 @!p0 $0xF7A, s2;
	p2 =	seq.s32 @!p0 s5, $0x0  }
0x1f: {  	s9 =	smul.u32 $0xF7A, s1;
	s8 =	simm.s32 @!p0 $0x1BF5;
	p2 =	por !p2, p0  }
0x20: {  	[sflag:s8] =	ssyncset.s32 @!p0 $0xFFFFF086;
	s6 =	sadd.s32 @!p0 s3, s7;
	s7 =	simm.s32 @!p0 $0x108  }
0x21: {  	s3 =	sadd.s32 s3, s9;
	s6 =	sadd.s32 @!p0 $0x88, s6;
	s7 =	simm.s32 @p2 $0x1082  }
0x22: {  	[simem:s7], [sflag:s8] =	dma.local @!p0 [hbm:s6], $0xF7A  }
0x23: {  	s9 =	sor.u32 $0xD0000000, s2;
	s6 =	simm.s32 $0x108;
	_ =	swait.ge @!p0 [sflag:s8], $0x0  }
0x24: {  	s3 =	sadd.s32 $0x88, s3;
	s6 =	simm.s32 @!p1 $0x1082;
	[sflag:s4] =	ssyncset.s32 $0xFFFFF086  }
0x25: {  	[simem:s6], [sflag:s4] =	dma.local [hbm:s3], $0xF7A  }
0x26: {  	[smem:$0x3F9E] =	sst s1;
	(tag) =	ssettag s2;
	_ =	strace s9  }
0x27: {  	s1 =	sld [smem:$0x3FAE]  }
0x28: {  	s2 =	sld [smem:$0x3FAF]  }
0x29: {  	s4 =	sld [smem:$0x3FB1]  }
0x2a: {  	p0 =	seq.s32 s5, $0x0;
	s5 =	sld [smem:$0x3FB2]  }
0x2b: {  	s6 =	sld [smem:$0x3FB3]  }
0x2c: {  	s7 =	sld [smem:$0x3FB4]  }
0x2d: {  	s3 =	simm.s32 $0x108;
	s8 =	sld [smem:$0x3FB5]  }
0x2e: {  	s3 =	simm.s32 @!p0 $0x1082;
	s9 =	sld [smem:$0x3FB6]  }
0x2f: {  	lr =	sadd.s32 s0, s3;
	s0 =	sld [smem:$0x3FAD]  }
0x30: {  	s3 =	sld [smem:$0x3FB0]  }
0x31: {  	[smem:$0x3FB9] =	sst s10  }
0x32: {  	s10 =	sld [smem:$0x3FB7];
	_ =	sdelay $0x3  }
0x33: {  	p0 =	seq.s32 s10, $0x1;
	s10 =	sld [smem:$0x3FB9];
	_ =	sdelay $0x3  }
0x34: {  	[smem:$0x3FB9] =	sst s10  }
0x35: {  	s10 =	sld [smem:$0x3FB8];
	_ =	sdelay $0x3  }
0x36: {  	p1 =	seq.s32 s10, $0x1;
	s10 =	sld [smem:$0x3FB9];
	_ =	sdelay $0x3  }
0x37: {  	[smem:$0x3FB9] =	sst s10  }
0x38: {  	s10 =	sld [smem:$0x3FBA]  }
0x39: {  	_ = 	snop;
	(pc) =	sbr.ind lr, $3  }
0x3a: {  	_ = 	snop  }
0x3b: {  	_ = 	snop  }
0x3c: {  	p2 =	seq.s32 s10, $0x1;
	s10 =	sld [smem:$0x3FB9]  }
0x3d: {  	_ =	shalt  }
0x3e: {  	_ =	shalt  }
0x3f: {  	_ =	shalt  }
0x40: {  	_ =	shalt  }
0x41: {  	_ =	shalt  }
0x42: {  	_ =	shalt  }
0x43: {  	_ =	shalt  }
0x44: {  	_ =	shalt  }
0x45: {  	_ =	shalt  }
0x46: {  	_ =	shalt  }
0x47: {  	_ =	shalt  }
0x48: {  	_ =	shalt  }
0x49: {  	_ =	shalt  }
0x4a: {  	_ =	shalt  }
0x4b: {  	_ =	shalt  }
0x4c: {  	_ =	shalt  }
0x4d: {  	_ =	shalt  }
0x4e: {  	_ =	shalt  }
0x4f: {  	_ =	shalt  }
0x50: {  	_ =	shalt  }
0x51: {  	_ =	shalt  }
0x52: {  	_ =	shalt  }
0x53: {  	_ =	shalt  }
0x54: {  	_ =	shalt  }
0x55: {  	_ =	shalt  }
0x56: {  	_ =	shalt  }
0x57: {  	_ =	shalt  }
0x58: {  	_ =	shalt  }
0x59: {  	_ =	shalt  }
0x5a: {  	_ =	shalt  }
0x5b: {  	_ =	shalt  }
0x5c: {  	_ =	shalt  }
0x5d: {  	_ =	shalt  }
0x5e: {  	_ =	shalt  }
0x5f: {  	_ =	shalt  }
0x60: {  	_ =	shalt  }
0x61: {  	_ =	shalt  }
0x62: {  	_ =	shalt  }
0x63: {  	_ =	shalt  }
0x64: {  	_ =	shalt  }
0x65: {  	_ =	shalt  }
0x66: {  	_ =	shalt  }
0x67: {  	_ =	shalt  }
0x68: {  	_ =	shalt  }
0x69: {  	_ =	shalt  }
0x6a: {  	_ =	shalt  }
0x6b: {  	_ =	shalt  }
0x6c: {  	_ =	shalt  }
0x6d: {  	_ =	shalt  }
0x6e: {  	_ =	shalt  }
0x6f: {  	_ =	shalt  }
0x70: {  	_ =	shalt  }
0x71: {  	_ =	shalt  }
0x72: {  	_ =	shalt  }
0x73: {  	_ =	shalt  }
0x74: {  	_ =	shalt  }
0x75: {  	_ =	shalt  }
0x76: {  	_ =	shalt  }
0x77: {  	_ =	shalt  }
0x78: {  	_ =	shalt  }
0x79: {  	_ =	shalt  }
0x7a: {  	_ =	shalt  }
0x7b: {  	_ =	shalt  }
0x7c: {  	_ =	shalt  }
0x7d: {  	_ =	shalt  }
0x7e: {  	_ =	shalt  }
0x7f: {  	_ =	shalt  }
0x80: {  	_ =	shalt  }
0x81: {  	_ =	shalt  }
0x82: {  	_ =	shalt  }
0x83: {  	_ =	shalt  }
0x84: {  	_ =	shalt  }
0x85: {  	_ =	shalt  }
0x86: {  	_ =	shalt  }
0x87: {  	_ =	shalt  }
.Lfunc_end0:
.L_simem_size_0:
called_computation_lowered:
.L_overlay_start_0:
0x88: {  	s2 =	sld [smem:$0x3FD9]  }
0x89: {  	s3 =	sld [smem:$0x3FFE];
	_ =	sdelay $0x1  }
0x8a: {  	s1 =	srdreg.scid  }
0x8b: {  	s0 =	sand.u32 $0x1, s1  }
0x8c: {  	s17 =	sshll.u32 s0, $0xA;
	s2 =	sadd.s32 s3, s2  }
0x8d: {  	s2 =	sadd.s32 s2, s17  }
0x8e: {  	[smem:$0x3FC5] =	sst s2  }
0x8f: {  	_ = 	snop  }
0x90: {  	s2 =	sld [smem:$0x3FD0];
	(tm) =	ssettm $0x1  }
0x91: {  	s18 =	sld [smem:$0x3FFB];
	_ =	sdelay $0x3  }
0x92: {  	_ =	strace s18  }
0x93: {  	s3 =	sld [smem:$0x3FFC];
	_ =	sdelay $0x3  }
0x94: {  	_ =	strace s3  }
0x95: {  	s3 =	sld [smem:$0x3FFD];
	_ =	sdelay $0x3  }
0x96: {  	_ =	strace s3  }
0x97: {  	_ =	strace $0x8FFFFFFF  }
0x98: {  	s19 =	sld [smem:$0x3FDB];
	_ =	sdelay $0x1  }
0x99: {  	s4 =	simm.s32 $_scs_section_size  }
0x9a: {  	s5 =	simm.s32 $_size__tile_overlayer_lowered;
	s6 =	simm.s32 $_tile_overlayer_lowered  }
0x9b: {  	s22 =	simm.s32 $0x1BFF;
	s21 =	sshll.u32 s6, $0x1;
	s3 =	sadd.s32 s4, s19  }
0x9c: {  	s7 =	simm.s32 $0x0;
	s20 =	sshll.u32 s5, $0x1;
	s5 =	sadd.s32 s21, s3  }
0x9d: {  	[timem:s7], [sflag:s22] =	dma.local [hbm:s5], s20  }
0x9e: {  	_ =	swait.ge [sflag:s22], s20  }
0x9f: {  	s4 =	ssub.s32 $0x0, s20;
	[sflag:s22] =	ssyncset.done $0x0  }
0xa0: {  	[sflag:s22] =	ssyncadd.s32 s4;
	_ =	sdelay $0x1  }
0xa1: {  	s23 =	simm.s32 $0x1B8B  }
0xa2: {  	_ =	swait.ge [sflag:s23], $0x1  }
0xa3: {  	[sflag:s23] =	ssyncset.done $0x0  }
0xa4: {  	s25 =	simm.s32 $0x1B8E;
	s24 =	sld [smem:$0x3FFE];
	[sflag:s23] =	ssyncadd.s32 $0xFFFFFFFF  }
0xa5: {  	s26 =	simm.s32 $execute0_lowered;
	[smem:$0x3FD2] =	sst s25  }
0xa6: {  	s5 =	sshll.u32 s26, $0x1;
	_ =	strace $0x80000046;
	[dreg:$0x1] =	wrdreg $0xFFFFFFFF  }
0xa7: {  	s28 =	simm.s32 $_size_execute0_lowered;
	s3 =	sadd.s32 s3, s5;
	[dreg:$0x0] =	wrdreg $0x0  }
0xa8: {  	s5 =	sshll.u32 s28, $0x1;
	[dreg:$0x2] =	wrdreg s3  }
0xa9: {  	[dreg:$0x3] =	wrdreg s5  }
0xaa: {  	[dreg:$0x4] =	wrdreg $0xC0  }
0xab: {  	_ =	task [dreg:s7], $0x5FFFF  }
0xac: {  	[dreg:$0x1] =	wrdreg $0xFFFFFFFF  }
0xad: {  	[dreg:$0x0] =	wrdreg $0x60  }
0xae: {  	[dreg:$0x2] =	wrdreg s24  }
0xaf: {  	[dreg:$0x3] =	wrdreg s2  }
0xb0: {  	[dreg:$0x4] =	wrdreg $0x9  }
0xb1: {  	_ =	task.clear_ibuf [dreg:s7], $0x5FFFF;
	_ =	strace $0x90000046  }
0xb2: {  	s29 =	simm.s32 $0x9;
	_ =	strace $0x80000048  }
0xb3: {  	_ =	swait.ge [sflag:s29], $0x1  }
0xb4: {  	[sflag:s29] =	ssyncadd.s32 $0xFFFFFFFF  }
0xb5: {  	_ =	strace $0x90000048  }
0xb6: {  	_ =	sfence  }
0xb7: {  	s30 =	sld [smem:$0x0];
	_ =	sdelay $0x2  }
0xb8: {  	s31 =	sshll.u32 s1, $0xD;
	s1 =	sshrl.u32 s1, $0x2  }
0xb9: {  	s3 =	sand.u32 $0x4000, s31;
	s1 =	sadd.s32 s1, s30  }
0xba: {  	s0 =	sor.u32 s3, s0;
	s1 =	sshll.u32 s1, $0x11  }
0xbb: {  	s0 =	sor.u32 s1, s0  }
0xbc: {  	s0 =	sadd.s32 $0x8F2B, s0  }
0xbd: {  	[sflag:s0] =	ssyncadd.remote.s32 $0x1  }
0xbe: {  	_ =	sfence.sel $0xFFFF  }
0xbf: {  	[dreg:$0x0] =	wrdreg $0xFFFFFFFF;
	(pc) =	sbr.abs _section_cstart, $3  }
0xc0: {  	[dreg:$0x1] =	wrdreg $0xFFFFFFFF  }
0xc1: {  	_ =	task.clear_ibuf [dreg:s7], $0x2FFFF;
	_ =	strace $0x9FFFFFFF  }
0xc2: {  	(tm) =	ssettm $0x7FFFFFFF  }
0xc3: {  	_ =	shalt  }
tec
execute0_lowered:
.L_overlay_start_1:
0x0: {  	(tag) =	ssettag $0x1  }
0x1: {  	v0 =	vimm.s32 $0x1380;
	vm14 =	vcmask $0x300  }
0x2: {  	s0 =	rddreg [dreg:$0x0];
	vm13 =	vcmask $0x704;
	vm12 =	vcmask $0xB08;
	vm11 =	vcmask $0xF0C  }
0x3: {  	s8 =	rddreg [dreg:$0x1];
	s3 =	simm.s32 $0x0;
	vm10 =	vcmask $0x1310;
	vm9 =	vcmask $0x1714;
	vm8 =	vcmask $0x1B18  }
0x4: {  	vm7 =	vcmask $0x1F1C;
	vm6 =	vcmask $0x2320;
	vm5 =	vcmask $0x2724;
	[smem:$0x7FF] =	sst s3  }
0x5: {  	vm4 =	vcmask $0x2B28;
	vm3 =	vcmask $0x2F2C;
	s9 =	sadd.s32 $0x800, s0;
	s11 =	sadd.s32 $0xF42C00, s0;
	s0 =	sadd.s32 $0x32800, s0  }
0x6: {  	s1 =	srdreg.scid;
	vm2 =	vcmask $0x3330;
	vm1 =	vcmask $0x3734;
	vm0 =	vcmask $0x3B38;
	_ =	strace $0x80000047;
	[dreg:$0x6] =	wrdreg s0  }
0x7: {  	s2 =	stileid.u32;
	v1 =	vimm.s32 $0x3380;
	v2 =	vimm.s32 $0x5380;
	v3 =	vimm.s32 $0x7380;
	s24 =	sadd.s32 $0x4000, s8;
	[dreg:$0x5] =	wrdreg s11  }
0x8: {  	s1 =	sand.u32 $0x1, s1;
	v0 =	vsel vm14, $0x0, v0;
	s25 =	sadd.s32 $0x8000, s8;
	v1 =	vsel vm14, $0x2000, v1;
	v2 =	vsel vm14, $0x4000, v2;
	[dreg:$0xd] =	wrdreg s24  }
0x9: {  	s2 =	sshll.u32 s2, $0x1;
	s26 =	sadd.s32 $0xC000, s8;
	v3 =	vsel vm14, $0x6000, v3;
	v0 =	vsel vm13, $0x80, v0;
	[dreg:$0xe] =	wrdreg s25;
	v1 =	vsel vm13, $0x2080, v1  }
0xa: {  	s2 =	sor.u32 s1, s2;
	[dreg:$0xf] =	wrdreg s26;
	v2 =	vsel vm13, $0x4080, v2;
	v3 =	vsel vm13, $0x6080, v3;
	v0 =	vsel vm12, $0x100, v0  }
0xb: {  	s1 =	ssub.s32 $0x2, s1;
	[dreg:$0x3] =	wrdreg s9;
	s26 =	simm.s32 $0x600;
	v1 =	vsel vm12, $0x2100, v1;
	v2 =	vsel vm12, $0x4100, v2;
	v3 =	vsel vm12, $0x6100, v3  }
0xc: {  	s24 =	simm.s32 $0x5;
	s25 =	simm.s32 $0x9;
	s10 =	smul.u32 $0x190, s2;
	v0 =	vsel vm11, $0x180, v0;
	v1 =	vsel vm11, $0x2180, v1;
	v2 =	vsel vm11, $0x4180, v2  }
0xd: {  	s18 =	smul.u32 $0xC800, s2;
	s5 =	sshll.u32 s2, $0xB;
	s7 =	sshrl.u32 s1, $0x1;
	v3 =	vsel vm11, $0x6180, v3;
	v0 =	vsel vm10, $0x200, v0;
	v1 =	vsel vm10, $0x2200, v1  }
0xe: {  	s23 =	smul.u32 $0x1900, s2;
	s5 =	sand.u32 $0x3800, s5;
	s1 =	ssub.s32 s1, s7;
	v2 =	vsel vm10, $0x4200, v2;
	v3 =	vsel vm10, $0x6200, v3;
	v0 =	vsel vm9, $0x280, v0  }
0xf: {  	s7 =	simm.s32 $0xA;
	s22 =	sor.u32 $0x8, s10;
	[dreg:$0x4] =	wrdreg s10;
	v1 =	vsel vm9, $0x2280, v1;
	v2 =	vsel vm9, $0x4280, v2;
	v3 =	vsel vm9, $0x6280, v3  }
0x10: {  	s4 =	sshrl.u32 s10, $0x7;
	s28 =	sor.u32 $0xC, s10;
	[dreg:$0xc] =	wrdreg s22;
	v0 =	vsel vm8, $0x300, v0;
	v1 =	vsel vm8, $0x2300, v1;
	v2 =	vsel vm8, $0x4300, v2  }
0x11: {  	s0 =	sand.u32 $0x1FC000, s18;
	s29 =	sadd.s32 $0x18, s10;
	[dreg:$0x11] =	wrdreg s28;
	v3 =	vsel vm8, $0x6300, v3;
	v0 =	vsel vm7, $0x380, v0;
	v1 =	vsel vm7, $0x2380, v1  }
0x12: {  	s30 =	sadd.s32 $0x1C, s10;
	s31 =	smax.u32 s1, $0x1;
	[dreg:$0x12] =	wrdreg s29;
	v2 =	vsel vm7, $0x4380, v2;
	v3 =	vsel vm7, $0x6380, v3;
	v0 =	vsel vm6, $0x1000, v0  }
0x13: {  	s6 =	sshll.u32 s4, $0xE;
	s4 =	smul.u32 $0x9C40, s4;
	[dreg:$0x13] =	wrdreg s30;
	v1 =	vsel vm6, $0x3000, v1;
	v2 =	vsel vm6, $0x5000, v2;
	v3 =	vsel vm6, $0x7000, v3  }
0x14: {  	s0 =	sor.u32 s5, s0;
	[dreg:$0x14] =	wrdreg s31;
	s6 =	sor.u32 s5, s6;
	v0 =	vsel vm5, $0x1080, v0;
	v1 =	vsel vm5, $0x3080, v1;
	v2 =	vsel vm5, $0x5080, v2  }
0x15: {  	s0 =	sshrl.u32 s0, $0x3;
	s19 =	sshrl.u32 s6, $0x3;
	s21 =	sadd.s32 s11, s4;
	v3 =	vsel vm5, $0x7080, v3;
	v0 =	vsel vm4, $0x1100, v0;
	v1 =	vsel vm4, $0x3100, v1  }
0x16: {  	s0 =	sadd.s32 s0, s9;
	s5 =	sadd.s32 s9, s19;
	[dreg:$0xb] =	wrdreg s21;
	v2 =	vsel vm4, $0x5100, v2;
	v3 =	vsel vm4, $0x7100, v3;
	v0 =	vsel vm3, $0x1180, v0  }
.Ltmp0:
0x17: {  	s20 =	sadd.s32 $0x80, s0;
	[dreg:$0x7] =	wrdreg s5;
	v1 =	vsel vm3, $0x3180, v1;
	v2 =	vsel vm3, $0x5180, v2;
	v3 =	vsel vm3, $0x7180, v3;
	(pc) =	sbr.rel .LBB2_1-.Ltmp0, $4  }
0x18: {  	s10 =	simm.s32 $0x6;
	s0 =	sadd.s32 $0xC0, s0;
	[dreg:$0x9] =	wrdreg s20;
	v0 =	vsel vm2, $0x1200, v0;
	v1 =	vsel vm2, $0x3200, v1;
	v2 =	vsel vm2, $0x5200, v2  }
0x19: {  	s1 =	simm.s32 $0x0;
	s5 =	sadd.s32 $0x40, s5;
	[dreg:$0xa] =	wrdreg s0;
	v3 =	vsel vm2, $0x7200, v3;
	v0 =	vsel vm1, $0x1280, v0;
	v1 =	vsel vm1, $0x3280, v1  }
0x1a: {  	s22 =	simm.s32 $0x7;
	s0 =	sadd.s32 s9, s23;
	[dreg:$0x8] =	wrdreg s5;
	v2 =	vsel vm1, $0x5280, v2;
	v3 =	vsel vm1, $0x7280, v3;
	v0 =	vsel vm0, $0x1300, v0  }
0x1b: {  	s21 =	simm.s32 $0x10800;
	s9 =	simm.s32 $0x8;
	[dreg:$0x10] =	wrdreg s0;
	v1 =	vsel vm0, $0x3300, v1;
	v2 =	vsel vm0, $0x5300, v2;
	v3 =	vsel vm0, $0x7300, v3  }
.LBB2_12:
0x1c: {  	_ =	swait.ge [sflag:s25], $0x1000  }
0x1d: {  	[sflag:s25] =	ssyncset.done $0x0  }
0x1e: {  	[sflag:s25] =	ssyncadd.s32 $0xFFFFF000  }
0x1f: {  	_ =	swait.ge [sflag:s25], $0x1000  }
0x20: {  	[sflag:s25] =	ssyncset.done $0x0  }
0x21: {  	[sflag:s25] =	ssyncadd.s32 $0xFFFFF000  }
0x22: {  	_ =	swait.ge [sflag:s25], $0x1000  }
0x23: {  	[sflag:s25] =	ssyncset.done $0x0  }
0x24: {  	[sflag:s25] =	ssyncadd.s32 $0xFFFFF000  }
0x25: {  	_ =	swait.ge [sflag:s25], $0x1000  }
0x26: {  	[sflag:s25] =	ssyncset.done $0x0  }
0x27: {  	[sflag:s25] =	ssyncadd.s32 $0xFFFFF000  }
0x28: {  	_ =	swait.ge [sflag:s7], $0x1000  }
0x29: {  	[sflag:s7] =	ssyncset.done $0x0  }
0x2a: {  	[sflag:s7] =	ssyncadd.s32 $0xFFFFF000  }
0x2b: {  	_ =	swait.ge [sflag:s7], $0x1000  }
0x2c: {  	[sflag:s7] =	ssyncset.done $0x0  }
0x2d: {  	[sflag:s7] =	ssyncadd.s32 $0xFFFFF000  }
0x2e: {  	_ =	swait.ge [sflag:s7], $0x1000  }
0x2f: {  	[sflag:s7] =	ssyncset.done $0x0  }
0x30: {  	[sflag:s7] =	ssyncadd.s32 $0xFFFFF000  }
0x31: {  	_ =	swait.ge [sflag:s7], $0x1000  }
0x32: {  	s1 =	rddreg [dreg:$0x15]  }
0x33: {  	s0 =	rddreg [dreg:$0x14];
	s1 =	sadd.s32 $0x1, s1  }
0x34: {  	p0 =	sne.s32 s1, s0  }
.Ltmp1:
0x35: {  	_ = 	snop;
	(pc) =	sbr.rel @!p0 .LBB2_13-.Ltmp1, $3  }
0x36: {  	_ =	sdelay $0x1  }
0x37: {  	[sflag:s7] =	ssyncset.done $0x0  }
0x38: {  	[sflag:s7] =	ssyncadd.s32 $0xFFFFF000  }
.LBB2_1:
0x39: {  	[dreg:$0x15] =	wrdreg s1  }
0x3a: {  	s0 =	rddreg [dreg:$0x6];
	s23 =	simm.s32 $0x18800;
	s28 =	simm.s32 $0xB  }
0x3b: {  	[tilespmem:s23], [sflag:$0xB] =	stream.linear.gather [hbm4b:s0+s3], $0xC80, $0x38;
	[tilespmem:$0x19480] =	vst v63  }
0x3c: {  	_ =	swait.ge [sflag:s28], $0xC80  }
0x3d: {  	[sflag:s28] =	ssyncset.done $0x0  }
0x3e: {  	s29 =	rddreg [dreg:$0x7];
	[sflag:s28] =	ssyncadd.s32 $0xFFFFF380  }
0x3f: {  	[tilespmem:s3], [sflag:$0x1] =	stream.linear.gather [hbm4b:s29+s3], $0x200, $0x38;
	[tilespmem:$0x19480] =	vst v63  }
0x40: {  	s31 =	simm.s32 $0x200;
	s30 =	rddreg [dreg:$0x8]  }
0x41: {  	[tilespmem:s31], [sflag:$0x2] =	stream.linear.gather [hbm4b:s30+s3], $0x200, $0x38;
	[tilespmem:$0x19480] =	vst v63  }
0x42: {  	s2 =	simm.s32 $0x400;
	s6 =	rddreg [dreg:$0x9]  }
0x43: {  	[tilespmem:s2], [sflag:$0x3] =	stream.linear.gather [hbm4b:s6+s3], $0x200, $0x38;
	[tilespmem:$0x19480] =	vst v63  }
0x44: {  	s11 =	simm.s32 $0x1;
	s8 =	rddreg [dreg:$0xa]  }
0x45: {  	[tilespmem:s26], [sflag:$0x4] =	stream.linear.gather [hbm4b:s8+s3], $0x200, $0x38;
	[tilespmem:$0x19480] =	vst v63  }
0x46: {  	_ =	swait.ge [sflag:s11], $0x200  }
0x47: {  	s13 =	simm.s32 $0x80;
	[sflag:s11] =	ssyncset.done $0x0  }
0x48: {  	s4 =	simm.s32 $0x800;
	s12 =	rddreg [dreg:$0xb];
	[sflag:s11] =	ssyncadd.s32 $0xFFFFFE00  }
0x49: {  	[tilespmem:s4], [sflag:$0x5] =	stream.indirect.gather [hbm4b:s12+s13], $0x20, s3, s13, $0xb8;
	[tilespmem:$0x19480] =	vst v63  }
0x4a: {  	s14 =	simm.s32 $0x1800  }
0x4b: {  	[tilespmem:s14], [sflag:$0x5] =	stream.indirect.gather [hbm4b:s12+s13], $0x20, s13, s13, $0xb8;
	[tilespmem:$0x19480] =	vst v63  }
0x4c: {  	s15 =	simm.s32 $0x100;
	s5 =	simm.s32 $0x2800  }
0x4d: {  	[tilespmem:s5], [sflag:$0x5] =	stream.indirect.gather [hbm4b:s12+s13], $0x20, s15, s13, $0xb8;
	[tilespmem:$0x19480] =	vst v63  }
0x4e: {  	s16 =	simm.s32 $0x180;
	s17 =	simm.s32 $0x3800;
	s18 =	simm.s32 $0x2  }
0x4f: {  	[tilespmem:s17], [sflag:$0x5] =	stream.indirect.gather [hbm4b:s12+s13], $0x20, s16, s13, $0xb8;
	[tilespmem:$0x19480] =	vst v63  }
0x50: {  	_ =	swait.ge [sflag:s18], $0x200  }
0x51: {  	[sflag:s18] =	ssyncset.done $0x0  }
0x52: {  	s19 =	simm.s32 $0x4800;
	[sflag:s18] =	ssyncadd.s32 $0xFFFFFE00  }
0x53: {  	[tilespmem:s19], [sflag:$0x6] =	stream.indirect.gather [hbm4b:s12+s13], $0x20, s31, s13, $0xb8;
	[tilespmem:$0x19480] =	vst v63  }
0x54: {  	s20 =	simm.s32 $0x280;
	s23 =	simm.s32 $0x5800  }
0x55: {  	[tilespmem:s23], [sflag:$0x6] =	stream.indirect.gather [hbm4b:s12+s13], $0x20, s20, s13, $0xb8;
	[tilespmem:$0x19480] =	vst v63  }
0x56: {  	s28 =	simm.s32 $0x300;
	s29 =	simm.s32 $0x6800  }
0x57: {  	[tilespmem:s29], [sflag:$0x6] =	stream.indirect.gather [hbm4b:s12+s13], $0x20, s28, s13, $0xb8;
	[tilespmem:$0x19480] =	vst v63  }
0x58: {  	s30 =	simm.s32 $0x380;
	s31 =	simm.s32 $0x7800;
	s20 =	simm.s32 $0x0  }
0x59: {  	[tilespmem:s31], [sflag:$0x6] =	stream.indirect.gather [hbm4b:s12+s13], $0x20, s30, s13, $0xb8;
	[tilespmem:$0x19480] =	vst v63  }
.LBB2_2:
0x5a: {  	s13 =	sshll.u32 s20, $0x4;
	s0 =	rddreg [dreg:$0xc]  }
0x5b: {  	s8 =	sadd.s32 s13, s0  }
0x5c: {  	s1 =	simm.s32 $0x3;
	s16 =	simm.s32 $0x400;
	s0 =	sshrl.u32 s8, $0x7  }
0x5d: {  	_ =	swait.ge [sflag:s1], $0x200;
	[dreg:$0x18] =	wrdreg s0;
	s0 =	smul.u32 $0x9C40, s0  }
0x5e: {  	s2 =	simm.s32 $0x80;
	[sflag:s1] =	ssyncset.done $0x0;
	s15 =	rddreg [dreg:$0x5]  }
0x5f: {  	s4 =	simm.s32 $0x8800;
	[sflag:s1] =	ssyncadd.s32 $0xFFFFFE00;
	s0 =	sadd.s32 s15, s0  }
0x60: {  	[tilespmem:s4], [sflag:$0x7] =	stream.indirect.gather [hbm4b:s0+s2], $0x20, s16, s2, $0xb8;
	[tilespmem:$0x19480] =	vst v63  }
0x61: {  	s17 =	simm.s32 $0x480;
	s18 =	simm.s32 $0x9800  }
0x62: {  	[tilespmem:s18], [sflag:$0x7] =	stream.indirect.gather [hbm4b:s0+s2], $0x20, s17, s2, $0xb8;
	[tilespmem:$0x19480] =	vst v63  }
0x63: {  	s19 =	simm.s32 $0x500;
	s23 =	simm.s32 $0xA800  }
0x64: {  	[tilespmem:s23], [sflag:$0x7] =	stream.indirect.gather [hbm4b:s0+s2], $0x20, s19, s2, $0xb8;
	[tilespmem:$0x19480] =	vst v63  }
0x65: {  	s29 =	simm.s32 $0x580;
	s31 =	simm.s32 $0xB800;
	p1 =	seq.s32 s20, $0x0  }
0x66: {  	[tilespmem:s31], [sflag:$0x7] =	stream.indirect.gather [hbm4b:s0+s2], $0x20, s29, s2, $0xb8;
	[tilespmem:$0x19480] =	vst v63  }
0x67: {  	s0 =	simm.s32 @!p1 $0x9  }
0x68: {  	_ =	swait.ge @!p1 [sflag:s0], $0x1000  }
0x69: {  	[sflag:s0] =	ssyncset.done @!p1 $0x0  }
0x6a: {  	[sflag:s0] =	ssyncadd.s32 @!p1 $0xFFFFF000  }
0x6b: {  	_ =	swait.ge @!p1 [sflag:s0], $0x1000  }
0x6c: {  	[sflag:s0] =	ssyncset.done @!p1 $0x0  }
0x6d: {  	[sflag:s0] =	ssyncadd.s32 @!p1 $0xFFFFF000  }
0x6e: {  	_ =	swait.ge @!p1 [sflag:s0], $0x1000  }
0x6f: {  	[sflag:s0] =	ssyncset.done @!p1 $0x0  }
0x70: {  	[sflag:s0] =	ssyncadd.s32 @!p1 $0xFFFFF000  }
0x71: {  	_ =	swait.ge @!p1 [sflag:s0], $0x1000  }
0x72: {  	[sflag:s0] =	ssyncset.done @!p1 $0x0  }
0x73: {  	[sflag:s0] =	ssyncadd.s32 @!p1 $0xFFFFF000  }
0x74: {  	_ =	swait.ge [sflag:s24], $0x1000  }
0x75: {  	[sflag:s24] =	ssyncset.done $0x0  }
0x76: {  	[sflag:s24] =	ssyncadd.s32 $0xFFFFF000  }
0x77: {  	_ =	swait.ge [sflag:s24], $0x1000  }
0x78: {  	[sflag:s24] =	ssyncset.done $0x0  }
0x79: {  	[sflag:s24] =	ssyncadd.s32 $0xFFFFF000  }
0x7a: {  	_ =	swait.ge [sflag:s24], $0x1000  }
0x7b: {  	[sflag:s24] =	ssyncset.done $0x0  }
0x7c: {  	s6 =	simm.s32 $0x0;
	s4 =	simm.s32 $0x0;
	[sflag:s24] =	ssyncadd.s32 $0xFFFFF000  }
0x7d: {  	s1 =	sand.u32 $0x3FFFF000, s6;
	s0 =	sand.u32 $0x7C, s4;
	_ =	swait.ge [sflag:s24], $0x1000  }
0x7e: {  	s1 =	sor.u32 $0x800, s1;
	s12 =	sor.u32 $0x3, s0;
	s5 =	rddreg [dreg:$0x4]  }
0x7f: {  	[sflag:s24] =	ssyncset.done $0x0;
	s18 =	sadd.s32 s5, s13;
	s5 =	sshll.u32 s12, $0x5  }
0x80: {  	[sflag:s24] =	ssyncadd.s32 $0xFFFFF000;
	s11 =	sand.u32 $0x7F80, s18;
	s5 =	sadd.s32 s5, s1  }
0x81: {  	s6 =	simm.s32 $0x0;
	s2 =	sshrl.u32 s11, $0x2;
	v6 =	vld [tilespmem:s5+$0x0]  }
0x82: {  	s6 =	sand.u32 $0xFFFFFC00, s6;
	v5 =	vld [tilespmem:s2+$0x18800]  }
0x83: {  	s4 =	sor.u32 s12, s6;
	s11 =	sshll.u32 s0, $0x5  }
0x84: {  	s14 =	simm.s32 $0x4;
	v7 =	vor.u32 s4, v0;
	s11 =	sadd.s32 s11, s1  }
0x85: {  	s15 =	simm.s32 $0x80;
	s17 =	sor.u32 $0x2, s0;
	s12 =	sor.u32 $0x1, s0;
	v8 =	vld [tilespmem:s11+$0x0]  }
0x86: {  	s28 =	sor.u32 s0, s6;
	s23 =	sshll.u32 s17, $0x5;
	s19 =	sshll.u32 s12, $0x5  }
0x87: {  	v9 =	vor.u32 s28, v0;
	s19 =	sadd.s32 s19, s1;
	v4 =	vld [tilespmem:s2+$0x18810];
	s2 =	sor.u32 s12, s6;
	s12 =	sand.u32 $0x7C, s14;
	v6 =	vadd.f32 v6, v5  }
0x88: {  	s16 =	sand.u32 $0x3FFFF000, s15;
	s1 =	sadd.s32 s23, s1;
	v10 =	vld [tilespmem:s19+$0x0];
	s30 =	sor.u32 $0x3, s12  }
0x89: {  	s15 =	simm.s32 $0x20;
	s29 =	sor.u32 $0x800, s16;
	v11 =	vld [tilespmem:s1+$0x0];
	s14 =	sshll.u32 s30, $0x5;
	[tilespmem:v7+s21+$0x0] =	vst.idx.msk $0xffff, v6  }
0x8a: {  	s0 =	sor.u32 s17, s6;
	s16 =	sshll.u32 s12, $0x5;
	s17 =	sadd.s32 s14, s29;
	v6 =	vor.u32 s2, v0;
	v7 =	vadd.f32 v8, v5;
	v8 =	vld [tilespmem:s5+$0x10]  }
0x8b: {  	v12 =	vor.u32 s0, v0;
	s23 =	sand.u32 $0xFFFFFC00, s15;
	s31 =	sor.u32 $0x1, s12;
	v13 =	vld [tilespmem:s17+$0x0];
	s5 =	sadd.s32 s16, s29  }
0x8c: {  	s15 =	sshll.u32 s31, $0x5;
	s30 =	sor.u32 s30, s23;
	s14 =	sor.u32 $0x2, s12;
	[tilespmem:v9+s21+$0x0] =	vst.idx.msk $0xffff, v7;
	v7 =	vor.u32 s4, v1;
	v9 =	vld [tilespmem:s5+$0x0]  }
0x8d: {  	v15 =	vor.u32 s30, v0;
	v10 =	vadd.f32 v10, v5;
	s16 =	sshll.u32 s14, $0x5;
	s4 =	sadd.s32 s15, s29;
	s15 =	sor.u32 s12, s23;
	v14 =	vld [tilespmem:s11+$0x10]  }
0x8e: {  	v11 =	vadd.f32 v11, v5;
	s11 =	sadd.s32 s16, s29;
	v16 =	vor.u32 s15, v0;
	v17 =	vld [tilespmem:s4+$0x0]  }
0x8f: {  	v18 =	vor.u32 s28, v1;
	s6 =	sor.u32 s31, s23;
	s12 =	simm.s32 $0x8;
	[tilespmem:v6+s21+$0x0] =	vst.idx.msk $0xffff, v10;
	v6 =	vld [tilespmem:s11+$0x0];
	v8 =	vadd.f32 v8, v4  }
0x90: {  	[tilespmem:v12+s21+$0x0] =	vst.idx.msk $0xffff, v11;
	s14 =	sor.u32 s14, s23;
	v11 =	vadd.f32 v13, v5;
	s16 =	sand.u32 $0x7C, s12;
	s29 =	simm.s32 $0x100;
	v10 =	vor.u32 s6, v0;
	v13 =	vld [tilespmem:s19+$0x10]  }
0x91: {  	v19 =	vor.u32 s14, v0;
	s31 =	sand.u32 $0x3FFFF000, s29;
	s23 =	sor.u32 $0x1, s16;
	[tilespmem:v7+s21+$0x0] =	vst.idx.msk $0xffff, v8;
	v7 =	vadd.f32 v9, v5  }
0x92: {  	v21 =	vor.u32 s2, v1;
	v20 =	vld [tilespmem:s1+$0x10];
	s2 =	sor.u32 $0x3, s16;
	s29 =	sor.u32 $0x2, s16;
	[tilespmem:v15+s21+$0x0] =	vst.idx.msk $0xffff, v11;
	s31 =	sor.u32 $0x800, s31;
	v8 =	vadd.f32 v14, v4  }
0x93: {  	s1 =	sshll.u32 s2, $0x5;
	v11 =	vld [tilespmem:s17+$0x10];
	s17 =	sshll.u32 s23, $0x5;
	s19 =	simm.s32 $0x40;
	v14 =	vadd.f32 v17, v5;
	[tilespmem:v16+s21+$0x0] =	vst.idx.msk $0xffff, v7  }
0x94: {  	v9 =	vor.u32 s0, v1;
	s0 =	sadd.s32 s1, s31;
	v7 =	vor.u32 s15, v1;
	[tilespmem:v18+s21+$0x0] =	vst.idx.msk $0xffff, v8;
	s15 =	sand.u32 $0xFFFFFC00, s19;
	v15 =	vadd.f32 v6, v5;
	v12 =	vld [tilespmem:s5+$0x10];
	s5 =	sshll.u32 s16, $0x5  }
0x95: {  	v6 =	vor.u32 s6, v1;
	v8 =	vor.u32 s14, v1;
	s14 =	sshll.u32 s29, $0x5;
	v16 =	vld [tilespmem:s0+$0x0];
	[tilespmem:v10+s21+$0x0] =	vst.idx.msk $0xffff, v14;
	v22 =	vadd.f32 v13, v4;
	s19 =	sor.u32 s16, s15;
	s1 =	sadd.s32 s5, s31  }
0x96: {  	v13 =	vor.u32 s30, v1;
	s28 =	sor.u32 s2, s15;
	v14 =	vor.u32 s19, v0;
	v10 =	vor.u32 s19, v1;
	s19 =	sadd.s32 s17, s31;
	s5 =	sor.u32 s23, s15;
	[tilespmem:v19+s21+$0x0] =	vst.idx.msk $0xffff, v15;
	v17 =	vld [tilespmem:s1+$0x0]  }
0x97: {  	v20 =	vadd.f32 v20, v4;
	s2 =	sadd.s32 s14, s31;
	s30 =	sor.u32 s29, s15;
	s23 =	sshll.u32 s20, $0x2;
	v18 =	vor.u32 s28, v0;
	v15 =	vor.u32 s5, v0;
	v19 =	vld [tilespmem:s19+$0x0];
	[tilespmem:v21+s21+$0x0] =	vst.idx.msk $0xffff, v22  }
.LBB2_3:
0x98: {  	s12 =	sadd.s32 $0x4, s12  }
0x99: {  	v21 =	vor.u32 s5, v1;
	v22 =	vor.u32 s30, v0;
	v23 =	vld [tilespmem:s2+$0x0];
	v11 =	vadd.f32 v11, v4;
	[tilespmem:v9+s21+$0x0] =	vst.idx.msk $0xffff, v20;
	v9 =	vmovc v8;
	s5 =	smov.u32 s11;
	s11 =	smov.u32 s2;
	s2 =	sand.u32 $0x7C, s12  }
0x9a: {  	v8 =	vor.u32 s30, v1;
	s6 =	sshll.u32 s12, $0x5;
	p0 =	slt.u32 s12, $0x1FC;
	v16 =	vadd.f32 v16, v5;
	v20 =	vld [tilespmem:s4+$0x10];
	s16 =	sshll.u32 s12, $0x3  }
0x9b: {  	s4 =	sand.u32 $0x3FFFF000, s6;
	s6 =	sor.u32 $0x1, s2;
	s14 =	sor.u32 $0x3, s2;
	v12 =	vadd.f32 v12, v4;
	v24 =	vld [tilespmem:s5+$0x10];
	[tilespmem:v13+s21+$0x0] =	vst.idx.msk $0xffff, v11  }
0x9c: {  	s15 =	sor.u32 $0x2, s2;
	s4 =	sor.u32 $0x800, s4;
	s5 =	sshll.u32 s14, $0x5;
	v13 =	vadd.f32 v17, v5;
	[tilespmem:v18+s21+$0x0] =	vst.idx.msk $0xffff, v16  }
.Ltmp2:
0x9d: {  	s17 =	sshll.u32 s6, $0x5;
	v17 =	vadd.f32 v19, v5;
	v11 =	vld [tilespmem:s0+$0x10];
	s0 =	sadd.s32 s5, s4;
	[tilespmem:v7+s21+$0x0] =	vst.idx.msk $0xffff, v12;
	(pc) =	sbr.rel @p0 .LBB2_3-.Ltmp2, $4  }
0x9e: {  	s16 =	sand.u32 $0xFFFFFC00, s16;
	s29 =	sshll.u32 s15, $0x5;
	s5 =	sshll.u32 s2, $0x5;
	v7 =	vmov v10;
	v16 =	vld [tilespmem:s0+$0x0];
	[tilespmem:v14+s21+$0x0] =	vst.idx.msk $0xffff, v13;
	v14 =	vadd.f32 v23, v5  }
0x9f: {  	s17 =	sadd.s32 s17, s4;
	v13 =	vor.u32 s28, v1;
	s28 =	sor.u32 s14, s16;
	v12 =	vld [tilespmem:s1+$0x10];
	s1 =	sadd.s32 s5, s4;
	[tilespmem:v15+s21+$0x0] =	vst.idx.msk $0xffff, v17;
	v23 =	vadd.f32 v20, v4  }
0xa0: {  	s14 =	sor.u32 s2, s16;
	s2 =	sadd.s32 s29, s4;
	s5 =	sor.u32 s6, s16;
	v18 =	vor.u32 s28, v0;
	v17 =	vld [tilespmem:s1+$0x0];
	[tilespmem:v22+s21+$0x0] =	vst.idx.msk $0xffff, v14;
	v20 =	vadd.f32 v24, v4  }
0xa1: {  	s30 =	sor.u32 s15, s16;
	v10 =	vor.u32 s14, v1;
	s4 =	smov.u32 s19;
	s19 =	smov.u32 s17;
	v14 =	vor.u32 s14, v0;
	v15 =	vor.u32 s5, v0;
	v19 =	vld [tilespmem:s17+$0x0];
	[tilespmem:v6+s21+$0x0] =	vst.idx.msk $0xffff, v23;
	v6 =	vmovc v21  }
0xa2: {  	_ = 	snop  }
0xa3: {  	v21 =	vld [tilespmem:s2+$0x0];
	_ =	sdelay $0x1  }
0xa4: {  	v22 =	vor.u32 s30, v0;
	v16 =	vadd.f32 v16, v5  }
0xa5: {  	[tilespmem:v9+s21+$0x0] =	vst.idx.msk $0xffff, v20;
	v9 =	vld [tilespmem:s4+$0x10];
	v17 =	vadd.f32 v17, v5  }
0xa6: {  	v20 =	vld [tilespmem:s11+$0x10];
	[tilespmem:v18+s21+$0x0] =	vst.idx.msk $0xffff, v16;
	v16 =	vadd.f32 v19, v5  }
0xa7: {  	v18 =	vld [tilespmem:s0+$0x10];
	[tilespmem:v14+s21+$0x0] =	vst.idx.msk $0xffff, v17;
	v5 =	vadd.f32 v21, v5  }
0xa8: {  	v11 =	vadd.f32 v11, v4;
	v14 =	vld [tilespmem:s1+$0x10];
	[tilespmem:v15+s21+$0x0] =	vst.idx.msk $0xffff, v16  }
0xa9: {  	v12 =	vadd.f32 v12, v4;
	v15 =	vor.u32 s28, v1;
	[tilespmem:v22+s21+$0x0] =	vst.idx.msk $0xffff, v5;
	v5 =	vld [tilespmem:s19+$0x10]  }
0xaa: {  	[tilespmem:v13+s21+$0x0] =	vst.idx.msk $0xffff, v11;
	v9 =	vadd.f32 v9, v4;
	v11 =	vld [tilespmem:s2+$0x10]  }
0xab: {  	v13 =	vor.u32 s5, v1;
	[tilespmem:v7+s21+$0x0] =	vst.idx.msk $0xffff, v12;
	v7 =	vadd.f32 v20, v4  }
0xac: {  	v12 =	vor.u32 s30, v1;
	[tilespmem:v6+s21+$0x0] =	vst.idx.msk $0xffff, v9;
	v6 =	vadd.f32 v18, v4  }
0xad: {  	[tilespmem:v8+s21+$0x0] =	vst.idx.msk $0xffff, v7;
	v7 =	vadd.f32 v14, v4  }
0xae: {  	s11 =	sshll.u32 s18, $0x9;
	s12 =	sshll.u32 s18, $0x7;
	[tilespmem:v15+s21+$0x0] =	vst.idx.msk $0xffff, v6;
	v5 =	vadd.f32 v5, v4  }
0xaf: {  	s0 =	sand.u32 $0xFFF0000, s11;
	s1 =	sand.u32 $0x3800, s12;
	[tilespmem:v10+s21+$0x0] =	vst.idx.msk $0xffff, v7;
	v4 =	vadd.f32 v11, v4  }
0xb0: {  	s14 =	rddreg [dreg:$0x1];
	s0 =	sor.u32 s1, s0;
	[tilespmem:v13+s21+$0x0] =	vst.idx.msk $0xffff, v5  }
0xb1: {  	s1 =	sadd.s32 s14, s0;
	[tilespmem:v12+s21+$0x0] =	vst.idx.msk $0xffff, v4  }
0xb2: {  	[hbm4b:s1+s3] =	stream.linear.scatter [tilespmem:s21], [sflag:$0x9], $0x1000, $0x38;
	[tilespmem:$0x19480] =	vst v63  }
0xb3: {  	s16 =	simm.s32 $0x11800;
	s15 =	rddreg [dreg:$0xd]  }
0xb4: {  	s18 =	simm.s32 $0x12800;
	s17 =	rddreg [dreg:$0xe];
	s1 =	sadd.s32 s0, s15  }
0xb5: {  	[hbm4b:s1+s3] =	stream.linear.scatter [tilespmem:s16], [sflag:$0x9], $0x1000, $0x38;
	[tilespmem:$0x19480] =	vst v63  }
0xb6: {  	s29 =	simm.s32 $0x13800;
	s19 =	rddreg [dreg:$0xf];
	s1 =	sadd.s32 s0, s17  }
0xb7: {  	[hbm4b:s1+s3] =	stream.linear.scatter [tilespmem:s18], [sflag:$0x9], $0x1000, $0x38;
	[tilespmem:$0x19480] =	vst v63  }
0xb8: {  	p0 =	seq.s32 s20, $0x18;
	s28 =	sadd.s32 $0x4, s23;
	s0 =	sadd.s32 s0, s19  }
0xb9: {  	[hbm4b:s0+s3] =	stream.linear.scatter [tilespmem:s29], [sflag:$0x9], $0x1000, $0x38;
	[tilespmem:$0x19480] =	vst v63  }
0xba: {  	s1 =	rddreg [dreg:$0x10];
	s0 =	sshll.u32 @!p0 s28, $0x6  }
0xbb: {  	s2 =	rddreg [dreg:$0x11];
	s0 =	sadd.s32 @!p0 s0, s1;
	s1 =	simm.s32 @!p0 $0x0  }
0xbc: {  	[tilespmem:s1], [sflag:$0x1] =	stream.linear.gather @!p0 [hbm4b:s0+s1], $0x200, $0x38;
	[tilespmem:$0x19480] =	vst v63  }
0xbd: {  	s0 =	sadd.s32 s13, s2  }
0xbe: {  	s4 =	simm.s32 $0x4;
	[dreg:$0x17] =	wrdreg s0;
	s0 =	sshrl.u32 s0, $0x7  }
0xbf: {  	_ =	swait.ge [sflag:s4], $0x200;
	[dreg:$0x16] =	wrdreg s0;
	s0 =	smul.u32 $0x9C40, s0  }
0xc0: {  	s6 =	simm.s32 $0x80;
	[sflag:s4] =	ssyncset.done $0x0;
	s5 =	rddreg [dreg:$0x5]  }
0xc1: {  	s11 =	simm.s32 $0xC800;
	[sflag:s4] =	ssyncadd.s32 $0xFFFFFE00;
	s0 =	sadd.s32 s5, s0  }
0xc2: {  	[tilespmem:s11], [sflag:$0x8] =	stream.indirect.gather [hbm4b:s0+s6], $0x20, s26, s6, $0xb8;
	[tilespmem:$0x19480] =	vst v63  }
0xc3: {  	s12 =	simm.s32 $0x680;
	s14 =	simm.s32 $0xD800  }
0xc4: {  	[tilespmem:s14], [sflag:$0x8] =	stream.indirect.gather [hbm4b:s0+s6], $0x20, s12, s6, $0xb8;
	[tilespmem:$0x19480] =	vst v63  }
0xc5: {  	s15 =	simm.s32 $0x700;
	s16 =	simm.s32 $0xE800  }
0xc6: {  	[tilespmem:s16], [sflag:$0x8] =	stream.indirect.gather [hbm4b:s0+s6], $0x20, s15, s6, $0xb8;
	[tilespmem:$0x19480] =	vst v63  }
0xc7: {  	s17 =	simm.s32 $0x780;
	s18 =	simm.s32 $0xF800  }
0xc8: {  	[tilespmem:s18], [sflag:$0x8] =	stream.indirect.gather [hbm4b:s0+s6], $0x20, s17, s6, $0xb8;
	[tilespmem:$0x19480] =	vst v63  }
0xc9: {  	s0 =	simm.s32 @!p1 $0xA  }
0xca: {  	_ =	swait.ge @!p1 [sflag:s0], $0x1000  }
0xcb: {  	[sflag:s0] =	ssyncset.done @!p1 $0x0  }
0xcc: {  	[sflag:s0] =	ssyncadd.s32 @!p1 $0xFFFFF000  }
0xcd: {  	_ =	swait.ge @!p1 [sflag:s0], $0x1000  }
0xce: {  	[sflag:s0] =	ssyncset.done @!p1 $0x0  }
0xcf: {  	[sflag:s0] =	ssyncadd.s32 @!p1 $0xFFFFF000  }
0xd0: {  	_ =	swait.ge @!p1 [sflag:s0], $0x1000  }
0xd1: {  	[sflag:s0] =	ssyncset.done @!p1 $0x0  }
0xd2: {  	[sflag:s0] =	ssyncadd.s32 @!p1 $0xFFFFF000  }
0xd3: {  	_ =	swait.ge @!p1 [sflag:s0], $0x1000  }
0xd4: {  	[sflag:s0] =	ssyncset.done @!p1 $0x0  }
0xd5: {  	[sflag:s0] =	ssyncadd.s32 @!p1 $0xFFFFF000  }
0xd6: {  	_ =	swait.ge [sflag:s10], $0x1000  }
0xd7: {  	[sflag:s10] =	ssyncset.done $0x0  }
0xd8: {  	[sflag:s10] =	ssyncadd.s32 $0xFFFFF000  }
0xd9: {  	_ =	swait.ge [sflag:s10], $0x1000  }
0xda: {  	[sflag:s10] =	ssyncset.done $0x0  }
0xdb: {  	[sflag:s10] =	ssyncadd.s32 $0xFFFFF000  }
0xdc: {  	_ =	swait.ge [sflag:s10], $0x1000  }
0xdd: {  	[sflag:s10] =	ssyncset.done $0x0  }
0xde: {  	[sflag:s10] =	ssyncadd.s32 $0xFFFFF000  }
0xdf: {  	s26 =	simm.s32 $0x0;
	s16 =	simm.s32 $0x0;
	_ =	swait.ge [sflag:s10], $0x1000  }
0xe0: {  	s29 =	sand.u32 $0x7C, s26;
	s1 =	sand.u32 $0x3FFFF000, s16;
	s19 =	rddreg [dreg:$0x4]  }
0xe1: {  	s18 =	sor.u32 $0x3, s29;
	s1 =	sor.u32 $0x800, s1;
	s0 =	sadd.s32 s13, s19  }
0xe2: {  	[sflag:s10] =	ssyncset.done $0x0;
	s19 =	sshll.u32 s18, $0x5;
	s11 =	sadd.s32 $0x4, s0  }
0xe3: {  	[sflag:s10] =	ssyncadd.s32 $0xFFFFF000;
	s5 =	sadd.s32 s19, s1;
	s17 =	sand.u32 $0x7F80, s11  }
0xe4: {  	s6 =	simm.s32 $0x0;
	v6 =	vld [tilespmem:s5+$0x4000];
	s2 =	sshrl.u32 s17, $0x2  }
0xe5: {  	s6 =	sand.u32 $0xFFFFFC00, s6;
	v5 =	vld [tilespmem:s2+$0x18800]  }
0xe6: {  	s12 =	sshll.u32 s29, $0x5;
	s4 =	sor.u32 s18, s6  }
0xe7: {  	s14 =	sor.u32 $0x1, s29;
	s12 =	sadd.s32 s12, s1;
	v7 =	vor.u32 s4, v2  }
0xe8: {  	s26 =	simm.s32 $0x80;
	s15 =	sor.u32 $0x2, s29;
	s16 =	sshll.u32 s14, $0x5;
	v8 =	vld [tilespmem:s12+$0x4000]  }
0xe9: {  	s16 =	sadd.s32 s16, s1;
	s0 =	sor.u32 s29, s6;
	s29 =	simm.s32 $0x4  }
0xea: {  	s14 =	sor.u32 s14, s6;
	v10 =	vld [tilespmem:s16+$0x4000];
	v9 =	vor.u32 s0, v2;
	s29 =	sand.u32 $0x7C, s29;
	s17 =	sshll.u32 s15, $0x5;
	v6 =	vadd.f32 v6, v5  }
0xeb: {  	s30 =	sor.u32 $0x3, s29;
	v4 =	vld [tilespmem:s2+$0x18810];
	s17 =	sadd.s32 s17, s1;
	s2 =	sand.u32 $0x3FFFF000, s26  }
0xec: {  	s1 =	sor.u32 s15, s6;
	s15 =	sshll.u32 s30, $0x5;
	v11 =	vld [tilespmem:s17+$0x4000];
	s6 =	sor.u32 $0x800, s2;
	[tilespmem:v7+s21+$0x0] =	vst.idx.msk $0xffff, v6  }
0xed: {  	s18 =	simm.s32 $0x20;
	s19 =	sshll.u32 s29, $0x5;
	s31 =	sadd.s32 s15, s6;
	v6 =	vor.u32 s14, v2;
	v7 =	vadd.f32 v8, v5;
	v8 =	vld [tilespmem:s5+$0x4010]  }
0xee: {  	v12 =	vor.u32 s1, v2;
	s15 =	sand.u32 $0xFFFFFC00, s18;
	s18 =	sadd.s32 s19, s6;
	v13 =	vld [tilespmem:s31+$0x4000];
	s5 =	sor.u32 $0x1, s29  }
0xef: {  	s26 =	sor.u32 $0x2, s29;
	s19 =	sor.u32 s30, s15;
	s2 =	sshll.u32 s5, $0x5;
	[tilespmem:v9+s21+$0x0] =	vst.idx.msk $0xffff, v7;
	v7 =	vor.u32 s4, v3;
	v9 =	vld [tilespmem:s18+$0x4000]  }
0xf0: {  	v15 =	vor.u32 s19, v2;
	v10 =	vadd.f32 v10, v5;
	s29 =	sor.u32 s29, s15;
	s4 =	sshll.u32 s26, $0x5;
	s2 =	sadd.s32 s2, s6;
	v14 =	vld [tilespmem:s12+$0x4010]  }
0xf1: {  	v11 =	vadd.f32 v11, v5;
	v16 =	vor.u32 s29, v2;
	s12 =	sadd.s32 s4, s6;
	v17 =	vld [tilespmem:s2+$0x4000]  }
0xf2: {  	v18 =	vor.u32 s0, v3;
	s0 =	simm.s32 $0x8;
	s4 =	sor.u32 s5, s15;
	[tilespmem:v6+s21+$0x0] =	vst.idx.msk $0xffff, v10;
	v6 =	vld [tilespmem:s12+$0x4000];
	v8 =	vadd.f32 v8, v4  }
0xf3: {  	[tilespmem:v12+s21+$0x0] =	vst.idx.msk $0xffff, v11;
	v11 =	vadd.f32 v13, v5;
	s5 =	sor.u32 s26, s15;
	s6 =	sand.u32 $0x7C, s0;
	s26 =	simm.s32 $0x100;
	v10 =	vor.u32 s4, v2;
	v13 =	vld [tilespmem:s16+$0x4010]  }
0xf4: {  	v21 =	vor.u32 s14, v3;
	v20 =	vld [tilespmem:s17+$0x4010];
	v19 =	vor.u32 s5, v2;
	s15 =	sand.u32 $0x3FFFF000, s26;
	s14 =	sor.u32 $0x3, s6;
	[tilespmem:v7+s21+$0x0] =	vst.idx.msk $0xffff, v8;
	v7 =	vadd.f32 v9, v5  }
0xf5: {  	[tilespmem:v15+s21+$0x0] =	vst.idx.msk $0xffff, v11;
	s15 =	sor.u32 $0x800, s15;
	s17 =	sshll.u32 s14, $0x5;
	s16 =	sor.u32 $0x1, s6;
	v8 =	vadd.f32 v14, v4  }
0xf6: {  	s30 =	simm.s32 $0x40;
	v11 =	vld [tilespmem:s31+$0x4010];
	s31 =	sshll.u32 s16, $0x5;
	v9 =	vor.u32 s1, v3;
	s1 =	sadd.s32 s17, s15;
	v14 =	vadd.f32 v17, v5;
	[tilespmem:v16+s21+$0x0] =	vst.idx.msk $0xffff, v7  }
0xf7: {  	s26 =	sor.u32 $0x2, s6;
	s31 =	sadd.s32 s31, s15;
	v7 =	vor.u32 s29, v3;
	[tilespmem:v18+s21+$0x0] =	vst.idx.msk $0xffff, v8;
	s29 =	sand.u32 $0xFFFFFC00, s30;
	v15 =	vadd.f32 v6, v5;
	v16 =	vld [tilespmem:s1+$0x4000]  }
0xf8: {  	v6 =	vor.u32 s4, v3;
	v8 =	vor.u32 s5, v3;
	s5 =	sshll.u32 s26, $0x5;
	v12 =	vld [tilespmem:s18+$0x4010];
	s18 =	sshll.u32 s6, $0x5;
	[tilespmem:v10+s21+$0x0] =	vst.idx.msk $0xffff, v14;
	v22 =	vadd.f32 v13, v4;
	s4 =	sor.u32 s14, s29  }
0xf9: {  	v20 =	vadd.f32 v20, v4;
	v13 =	vor.u32 s19, v3;
	s30 =	sadd.s32 s18, s15;
	s18 =	sor.u32 s6, s29;
	s6 =	sor.u32 s16, s29;
	[tilespmem:v19+s21+$0x0] =	vst.idx.msk $0xffff, v15;
	v18 =	vor.u32 s4, v2;
	v19 =	vld [tilespmem:s31+$0x4000]  }
0xfa: {  	s17 =	sadd.s32 s5, s15;
	s5 =	sor.u32 s26, s29;
	v14 =	vor.u32 s18, v2;
	v10 =	vor.u32 s18, v3;
	v17 =	vld [tilespmem:s30+$0x4000];
	v15 =	vor.u32 s6, v2;
	[tilespmem:v21+s21+$0x0] =	vst.idx.msk $0xffff, v22  }
.LBB2_5:
0xfb: {  	s0 =	sadd.s32 $0x4, s0  }
0xfc: {  	v21 =	vor.u32 s6, v3;
	v22 =	vor.u32 s5, v2;
	v23 =	vld [tilespmem:s17+$0x4000];
	v11 =	vadd.f32 v11, v4;
	[tilespmem:v9+s21+$0x0] =	vst.idx.msk $0xffff, v20;
	v9 =	vmovc v8;
	s6 =	smov.u32 s12;
	s12 =	smov.u32 s17;
	s14 =	sand.u32 $0x7C, s0  }
0xfd: {  	v8 =	vor.u32 s5, v3;
	s15 =	sshll.u32 s0, $0x5;
	p1 =	slt.u32 s0, $0x1FC;
	v16 =	vadd.f32 v16, v5;
	v20 =	vld [tilespmem:s2+$0x4010];
	s17 =	sshll.u32 s0, $0x3  }
0xfe: {  	s2 =	sand.u32 $0x3FFFF000, s15;
	s5 =	sor.u32 $0x1, s14;
	s15 =	sor.u32 $0x3, s14;
	v12 =	vadd.f32 v12, v4;
	v24 =	vld [tilespmem:s6+$0x4010];
	[tilespmem:v13+s21+$0x0] =	vst.idx.msk $0xffff, v11  }
0xff: {  	s16 =	sor.u32 $0x2, s14;
	s2 =	sor.u32 $0x800, s2;
	s6 =	sshll.u32 s15, $0x5;
	v13 =	vadd.f32 v17, v5;
	[tilespmem:v18+s21+$0x0] =	vst.idx.msk $0xffff, v16  }
.Ltmp3:
0x100: {  	s18 =	sshll.u32 s5, $0x5;
	v17 =	vadd.f32 v19, v5;
	v11 =	vld [tilespmem:s1+$0x4010];
	s1 =	sadd.s32 s6, s2;
	[tilespmem:v7+s21+$0x0] =	vst.idx.msk $0xffff, v12;
	(pc) =	sbr.rel @p1 .LBB2_5-.Ltmp3, $4  }
0x101: {  	s19 =	sand.u32 $0xFFFFFC00, s17;
	s17 =	sshll.u32 s16, $0x5;
	s6 =	sshll.u32 s14, $0x5;
	v7 =	vmov v10;
	v16 =	vld [tilespmem:s1+$0x4000];
	[tilespmem:v14+s21+$0x0] =	vst.idx.msk $0xffff, v13;
	v14 =	vadd.f32 v23, v5  }
0x102: {  	s18 =	sadd.s32 s18, s2;
	v13 =	vor.u32 s4, v3;
	s4 =	sor.u32 s15, s19;
	v12 =	vld [tilespmem:s30+$0x4010];
	s30 =	sadd.s32 s6, s2;
	[tilespmem:v15+s21+$0x0] =	vst.idx.msk $0xffff, v17;
	v23 =	vadd.f32 v20, v4  }
0x103: {  	s14 =	sor.u32 s14, s19;
	s17 =	sadd.s32 s17, s2;
	s6 =	sor.u32 s5, s19;
	v18 =	vor.u32 s4, v2;
	v17 =	vld [tilespmem:s30+$0x4000];
	[tilespmem:v22+s21+$0x0] =	vst.idx.msk $0xffff, v14;
	v20 =	vadd.f32 v24, v4  }
0x104: {  	v10 =	vor.u32 s14, v3;
	s5 =	sor.u32 s16, s19;
	s2 =	smov.u32 s31;
	s31 =	smov.u32 s18;
	v14 =	vor.u32 s14, v2;
	v15 =	vor.u32 s6, v2;
	v19 =	vld [tilespmem:s18+$0x4000];
	[tilespmem:v6+s21+$0x0] =	vst.idx.msk $0xffff, v23;
	v6 =	vmovc v21  }
0x105: {  	_ = 	snop  }
0x106: {  	v21 =	vld [tilespmem:s17+$0x4000];
	_ =	sdelay $0x1  }
0x107: {  	v22 =	vor.u32 s5, v2;
	v16 =	vadd.f32 v16, v5  }
0x108: {  	[tilespmem:v9+s21+$0x0] =	vst.idx.msk $0xffff, v20;
	v9 =	vld [tilespmem:s2+$0x4010];
	v17 =	vadd.f32 v17, v5  }
0x109: {  	v20 =	vld [tilespmem:s12+$0x4010];
	[tilespmem:v18+s21+$0x0] =	vst.idx.msk $0xffff, v16;
	v16 =	vadd.f32 v19, v5  }
0x10a: {  	v18 =	vld [tilespmem:s1+$0x4010];
	[tilespmem:v14+s21+$0x0] =	vst.idx.msk $0xffff, v17;
	v5 =	vadd.f32 v21, v5  }
0x10b: {  	v11 =	vadd.f32 v11, v4;
	v14 =	vld [tilespmem:s30+$0x4010];
	[tilespmem:v15+s21+$0x0] =	vst.idx.msk $0xffff, v16  }
0x10c: {  	v12 =	vadd.f32 v12, v4;
	v15 =	vor.u32 s4, v3;
	[tilespmem:v22+s21+$0x0] =	vst.idx.msk $0xffff, v5;
	v5 =	vld [tilespmem:s31+$0x4010]  }
0x10d: {  	[tilespmem:v13+s21+$0x0] =	vst.idx.msk $0xffff, v11;
	v9 =	vadd.f32 v9, v4;
	v11 =	vld [tilespmem:s17+$0x4010]  }
0x10e: {  	v13 =	vor.u32 s6, v3;
	[tilespmem:v7+s21+$0x0] =	vst.idx.msk $0xffff, v12;
	v7 =	vadd.f32 v20, v4  }
0x10f: {  	v12 =	vor.u32 s5, v3;
	[tilespmem:v6+s21+$0x0] =	vst.idx.msk $0xffff, v9;
	v6 =	vadd.f32 v18, v4  }
0x110: {  	[tilespmem:v8+s21+$0x0] =	vst.idx.msk $0xffff, v7;
	v7 =	vadd.f32 v14, v4  }
0x111: {  	s0 =	sshll.u32 s11, $0x9;
	s17 =	sshll.u32 s11, $0x7;
	[tilespmem:v15+s21+$0x0] =	vst.idx.msk $0xffff, v6;
	v5 =	vadd.f32 v5, v4  }
0x112: {  	s0 =	sand.u32 $0xFFF0000, s0;
	s1 =	sand.u32 $0x3A00, s17;
	[tilespmem:v10+s21+$0x0] =	vst.idx.msk $0xffff, v7;
	v4 =	vadd.f32 v11, v4  }
0x113: {  	s31 =	rddreg [dreg:$0x1];
	s0 =	sor.u32 s1, s0;
	[tilespmem:v13+s21+$0x0] =	vst.idx.msk $0xffff, v5  }
0x114: {  	s18 =	simm.s32 $0x14800;
	s1 =	sadd.s32 s31, s0;
	[tilespmem:v12+s21+$0x0] =	vst.idx.msk $0xffff, v4  }
0x115: {  	[hbm4b:s1+s3] =	stream.linear.scatter [tilespmem:s18], [sflag:$0xA], $0x1000, $0x38;
	[tilespmem:$0x19480] =	vst v63  }
0x116: {  	s19 =	rddreg [dreg:$0xd]  }
0x117: {  	s26 =	simm.s32 $0x15800;
	s29 =	rddreg [dreg:$0xe];
	s1 =	sadd.s32 s0, s19  }
0x118: {  	[hbm4b:s1+s3] =	stream.linear.scatter [tilespmem:s26], [sflag:$0xA], $0x1000, $0x38;
	[tilespmem:$0x19480] =	vst v63  }
0x119: {  	s30 =	simm.s32 $0x16800;
	s4 =	rddreg [dreg:$0xf];
	s1 =	sadd.s32 s0, s29  }
0x11a: {  	[hbm4b:s1+s3] =	stream.linear.scatter [tilespmem:s30], [sflag:$0xA], $0x1000, $0x38;
	[tilespmem:$0x19480] =	vst v63  }
0x11b: {  	s23 =	sadd.s32 $0x5, s23;
	s5 =	simm.s32 $0x17800;
	s0 =	sadd.s32 s0, s4  }
0x11c: {  	[hbm4b:s0+s3] =	stream.linear.scatter [tilespmem:s5], [sflag:$0xA], $0x1000, $0x38;
	[tilespmem:$0x19480] =	vst v63  }
0x11d: {  	s1 =	rddreg [dreg:$0x10];
	s0 =	sshll.u32 @!p0 s23, $0x6  }
0x11e: {  	s2 =	simm.s32 @!p0 $0x200;
	s0 =	sadd.s32 @!p0 s0, s1;
	s1 =	simm.s32 @!p0 $0x0  }
0x11f: {  	[tilespmem:s2], [sflag:$0x2] =	stream.linear.gather @!p0 [hbm4b:s0+s1], $0x200, $0x38;
	[tilespmem:$0x19480] =	vst v63  }
0x120: {  	s4 =	rddreg [dreg:$0x4];
	s0 =	sshll.u32 @!p0 s28, $0x2  }
0x121: {  	s2 =	simm.s32 @!p0 $0x1;
	s0 =	sadd.s32 @!p0 s4, s0  }
0x122: {  	_ =	swait.ge @!p0 [sflag:s2], $0x200;
	s0 =	sshrl.u32 @!p0 s0, $0x7  }
0x123: {  	[sflag:s2] =	ssyncset.done @!p0 $0x0;
	s0 =	smul.u32 @!p0 $0x9C40, s0  }
0x124: {  	[sflag:s2] =	ssyncadd.s32 @!p0 $0xFFFFFE00;
	s2 =	rddreg [dreg:$0x5]  }
0x125: {  	s4 =	simm.s32 @!p0 $0x800;
	s0 =	sadd.s32 @!p0 s2, s0;
	s2 =	simm.s32 @!p0 $0x80  }
0x126: {  	[tilespmem:s4], [sflag:$0x5] =	stream.indirect.gather @!p0 [hbm4b:s0+s2], $0x20, s1, s2, $0xb8;
	[tilespmem:$0x19480] =	vst v63  }
0x127: {  	s1 =	simm.s32 @!p0 $0x1800  }
0x128: {  	[tilespmem:s1], [sflag:$0x5] =	stream.indirect.gather @!p0 [hbm4b:s0+s2], $0x20, s2, s2, $0xb8;
	[tilespmem:$0x19480] =	vst v63  }
0x129: {  	s4 =	simm.s32 @!p0 $0x2800;
	s1 =	simm.s32 @!p0 $0x100  }
0x12a: {  	[tilespmem:s4], [sflag:$0x5] =	stream.indirect.gather @!p0 [hbm4b:s0+s2], $0x20, s1, s2, $0xb8;
	[tilespmem:$0x19480] =	vst v63  }
0x12b: {  	s1 =	simm.s32 @!p0 $0x180;
	s4 =	simm.s32 @!p0 $0x3800  }
0x12c: {  	[tilespmem:s4], [sflag:$0x5] =	stream.indirect.gather @!p0 [hbm4b:s0+s2], $0x20, s1, s2, $0xb8;
	[tilespmem:$0x19480] =	vst v63  }
0x12d: {  	_ =	swait.ge [sflag:s25], $0x1000  }
0x12e: {  	[sflag:s25] =	ssyncset.done $0x0  }
0x12f: {  	[sflag:s25] =	ssyncadd.s32 $0xFFFFF000  }
0x130: {  	_ =	swait.ge [sflag:s25], $0x1000  }
0x131: {  	[sflag:s25] =	ssyncset.done $0x0  }
0x132: {  	[sflag:s25] =	ssyncadd.s32 $0xFFFFF000  }
0x133: {  	_ =	swait.ge [sflag:s25], $0x1000  }
0x134: {  	[sflag:s25] =	ssyncset.done $0x0  }
0x135: {  	[sflag:s25] =	ssyncadd.s32 $0xFFFFF000  }
0x136: {  	_ =	swait.ge [sflag:s25], $0x1000  }
0x137: {  	[sflag:s25] =	ssyncset.done $0x0  }
0x138: {  	[sflag:s25] =	ssyncadd.s32 $0xFFFFF000  }
0x139: {  	_ =	swait.ge [sflag:s22], $0x1000  }
0x13a: {  	[sflag:s22] =	ssyncset.done $0x0  }
0x13b: {  	[sflag:s22] =	ssyncadd.s32 $0xFFFFF000  }
0x13c: {  	_ =	swait.ge [sflag:s22], $0x1000  }
0x13d: {  	[sflag:s22] =	ssyncset.done $0x0  }
0x13e: {  	[sflag:s22] =	ssyncadd.s32 $0xFFFFF000  }
0x13f: {  	_ =	swait.ge [sflag:s22], $0x1000  }
0x140: {  	s12 =	sand.u32 $0x7F80, s8;
	[sflag:s22] =	ssyncset.done $0x0  }
0x141: {  	s6 =	simm.s32 $0x0;
	s11 =	simm.s32 $0x0;
	[sflag:s22] =	ssyncadd.s32 $0xFFFFF000  }
0x142: {  	s0 =	sand.u32 $0x7C, s6;
	s1 =	sand.u32 $0x3FFFF000, s11;
	_ =	swait.ge [sflag:s22], $0x1000  }
0x143: {  	s2 =	sshrl.u32 s12, $0x2;
	s14 =	sor.u32 $0x3, s0;
	[sflag:s22] =	ssyncset.done $0x0  }
0x144: {  	s1 =	sor.u32 $0x800, s1;
	s15 =	sshll.u32 s14, $0x5;
	[sflag:s22] =	ssyncadd.s32 $0xFFFFF000  }
0x145: {  	s16 =	simm.s32 $0x0;
	s5 =	sadd.s32 s15, s1;
	v5 =	vld [tilespmem:s2+$0x18800]  }
0x146: {  	s6 =	sand.u32 $0xFFFFFC00, s16;
	v6 =	vld [tilespmem:s5+$0x8000]  }
0x147: {  	s17 =	sshll.u32 s0, $0x5;
	s4 =	sor.u32 s14, s6  }
0x148: {  	s19 =	simm.s32 $0x4;
	s11 =	sadd.s32 s17, s1;
	v7 =	vor.u32 s4, v0  }
0x149: {  	s26 =	simm.s32 $0x80;
	s18 =	sor.u32 $0x1, s0;
	s14 =	sor.u32 $0x2, s0;
	v8 =	vld [tilespmem:s11+$0x8000]  }
0x14a: {  	s0 =	sor.u32 s0, s6;
	s12 =	sor.u32 s18, s6;
	s15 =	sshll.u32 s18, $0x5  }
0x14b: {  	s17 =	sand.u32 $0x7C, s19;
	s16 =	sshll.u32 s14, $0x5;
	v9 =	vor.u32 s0, v0;
	s15 =	sadd.s32 s15, s1;
	v4 =	vld [tilespmem:s2+$0x18810];
	v6 =	vadd.f32 v6, v5  }
0x14c: {  	s18 =	sor.u32 $0x3, s17;
	s16 =	sadd.s32 s16, s1;
	v10 =	vld [tilespmem:s15+$0x8000];
	s2 =	sand.u32 $0x3FFFF000, s26  }
0x14d: {  	s1 =	sor.u32 s14, s6;
	s29 =	sshll.u32 s18, $0x5;
	v11 =	vld [tilespmem:s16+$0x8000];
	s6 =	sor.u32 $0x800, s2;
	[tilespmem:v7+s21+$0x0] =	vst.idx.msk $0xffff, v6  }
0x14e: {  	s30 =	simm.s32 $0x20;
	s26 =	sshll.u32 s17, $0x5;
	s19 =	sadd.s32 s29, s6;
	v6 =	vor.u32 s12, v0;
	v7 =	vadd.f32 v8, v5;
	v8 =	vld [tilespmem:s5+$0x8010]  }
0x14f: {  	s14 =	sand.u32 $0xFFFFFC00, s30;
	v12 =	vor.u32 s1, v0;
	s26 =	sadd.s32 s26, s6;
	v13 =	vld [tilespmem:s19+$0x8000];
	s5 =	sor.u32 $0x1, s17  }
0x150: {  	s28 =	sor.u32 $0x2, s17;
	s18 =	sor.u32 s18, s14;
	s29 =	sshll.u32 s5, $0x5;
	[tilespmem:v9+s21+$0x0] =	vst.idx.msk $0xffff, v7;
	v7 =	vor.u32 s4, v1;
	v9 =	vld [tilespmem:s26+$0x8000]  }
0x151: {  	s30 =	sshll.u32 s28, $0x5;
	v15 =	vor.u32 s18, v0;
	v10 =	vadd.f32 v10, v5;
	s17 =	sor.u32 s17, s14;
	s2 =	sadd.s32 s29, s6;
	v14 =	vld [tilespmem:s11+$0x8010]  }
0x152: {  	v11 =	vadd.f32 v11, v5;
	v16 =	vor.u32 s17, v0;
	s11 =	sadd.s32 s30, s6;
	v17 =	vld [tilespmem:s2+$0x8000]  }
0x153: {  	v18 =	vor.u32 s0, v1;
	s0 =	simm.s32 $0x8;
	s4 =	sor.u32 s5, s14;
	[tilespmem:v6+s21+$0x0] =	vst.idx.msk $0xffff, v10;
	v6 =	vld [tilespmem:s11+$0x8000];
	v8 =	vadd.f32 v8, v4  }
0x154: {  	[tilespmem:v12+s21+$0x0] =	vst.idx.msk $0xffff, v11;
	v11 =	vadd.f32 v13, v5;
	s5 =	sor.u32 s28, s14;
	s6 =	sand.u32 $0x7C, s0;
	s29 =	simm.s32 $0x100;
	v10 =	vor.u32 s4, v0;
	v13 =	vld [tilespmem:s15+$0x8010]  }
0x155: {  	v20 =	vld [tilespmem:s16+$0x8010];
	v19 =	vor.u32 s5, v0;
	s14 =	sand.u32 $0x3FFFF000, s29;
	s29 =	sor.u32 $0x3, s6;
	[tilespmem:v7+s21+$0x0] =	vst.idx.msk $0xffff, v8;
	v7 =	vadd.f32 v9, v5  }
0x156: {  	v21 =	vor.u32 s12, v1;
	[tilespmem:v15+s21+$0x0] =	vst.idx.msk $0xffff, v11;
	s14 =	sor.u32 $0x800, s14;
	s30 =	sshll.u32 s29, $0x5;
	s15 =	sor.u32 $0x1, s6;
	v8 =	vadd.f32 v14, v4  }
0x157: {  	s28 =	simm.s32 $0x40;
	v11 =	vld [tilespmem:s19+$0x8010];
	s19 =	sshll.u32 s15, $0x5;
	v9 =	vor.u32 s1, v1;
	s1 =	sadd.s32 s30, s14;
	v14 =	vadd.f32 v17, v5;
	[tilespmem:v16+s21+$0x0] =	vst.idx.msk $0xffff, v7  }
0x158: {  	s16 =	sor.u32 $0x2, s6;
	s30 =	sand.u32 $0xFFFFFC00, s28;
	s28 =	sadd.s32 s19, s14;
	v7 =	vor.u32 s17, v1;
	[tilespmem:v18+s21+$0x0] =	vst.idx.msk $0xffff, v8;
	v15 =	vadd.f32 v6, v5;
	v16 =	vld [tilespmem:s1+$0x8000]  }
0x159: {  	v6 =	vor.u32 s4, v1;
	v8 =	vor.u32 s5, v1;
	s17 =	sshll.u32 s16, $0x5;
	s4 =	sor.u32 s29, s30;
	v12 =	vld [tilespmem:s26+$0x8010];
	s26 =	sshll.u32 s6, $0x5;
	[tilespmem:v10+s21+$0x0] =	vst.idx.msk $0xffff, v14;
	v22 =	vadd.f32 v13, v4  }
0x15a: {  	v20 =	vadd.f32 v20, v4;
	v13 =	vor.u32 s18, v1;
	v18 =	vor.u32 s4, v0;
	s12 =	sadd.s32 s26, s14;
	s26 =	sor.u32 s6, s30;
	s6 =	sor.u32 s15, s30;
	[tilespmem:v19+s21+$0x0] =	vst.idx.msk $0xffff, v15;
	v19 =	vld [tilespmem:s28+$0x8000]  }
0x15b: {  	s5 =	sor.u32 s16, s30;
	s17 =	sadd.s32 s17, s14;
	v14 =	vor.u32 s26, v0;
	v10 =	vor.u32 s26, v1;
	v17 =	vld [tilespmem:s12+$0x8000];
	v15 =	vor.u32 s6, v0;
	[tilespmem:v21+s21+$0x0] =	vst.idx.msk $0xffff, v22  }
.LBB2_7:
0x15c: {  	s0 =	sadd.s32 $0x4, s0  }
0x15d: {  	v21 =	vor.u32 s6, v1;
	v22 =	vor.u32 s5, v0;
	v23 =	vld [tilespmem:s17+$0x8000];
	v11 =	vadd.f32 v11, v4;
	[tilespmem:v9+s21+$0x0] =	vst.idx.msk $0xffff, v20;
	v9 =	vmovc v8;
	s6 =	smov.u32 s11;
	s11 =	smov.u32 s17;
	s14 =	sand.u32 $0x7C, s0  }
0x15e: {  	v8 =	vor.u32 s5, v1;
	s15 =	sshll.u32 s0, $0x5;
	p1 =	slt.u32 s0, $0x1FC;
	v16 =	vadd.f32 v16, v5;
	v20 =	vld [tilespmem:s2+$0x8010];
	s17 =	sshll.u32 s0, $0x3  }
0x15f: {  	s2 =	sand.u32 $0x3FFFF000, s15;
	s5 =	sor.u32 $0x1, s14;
	s15 =	sor.u32 $0x3, s14;
	v12 =	vadd.f32 v12, v4;
	v24 =	vld [tilespmem:s6+$0x8010];
	[tilespmem:v13+s21+$0x0] =	vst.idx.msk $0xffff, v11  }
0x160: {  	s16 =	sor.u32 $0x2, s14;
	s2 =	sor.u32 $0x800, s2;
	s6 =	sshll.u32 s15, $0x5;
	v13 =	vadd.f32 v17, v5;
	[tilespmem:v18+s21+$0x0] =	vst.idx.msk $0xffff, v16  }
.Ltmp4:
0x161: {  	s18 =	sshll.u32 s5, $0x5;
	v17 =	vadd.f32 v19, v5;
	v11 =	vld [tilespmem:s1+$0x8010];
	s1 =	sadd.s32 s6, s2;
	[tilespmem:v7+s21+$0x0] =	vst.idx.msk $0xffff, v12;
	(pc) =	sbr.rel @p1 .LBB2_7-.Ltmp4, $4  }
0x162: {  	s19 =	sand.u32 $0xFFFFFC00, s17;
	s17 =	sshll.u32 s16, $0x5;
	s6 =	sshll.u32 s14, $0x5;
	v7 =	vmov v10;
	v16 =	vld [tilespmem:s1+$0x8000];
	[tilespmem:v14+s21+$0x0] =	vst.idx.msk $0xffff, v13;
	v14 =	vadd.f32 v23, v5  }
0x163: {  	s18 =	sadd.s32 s18, s2;
	v13 =	vor.u32 s4, v1;
	s4 =	sor.u32 s15, s19;
	v12 =	vld [tilespmem:s12+$0x8010];
	s12 =	sadd.s32 s6, s2;
	[tilespmem:v15+s21+$0x0] =	vst.idx.msk $0xffff, v17;
	v23 =	vadd.f32 v20, v4  }
0x164: {  	s14 =	sor.u32 s14, s19;
	s17 =	sadd.s32 s17, s2;
	s6 =	sor.u32 s5, s19;
	v18 =	vor.u32 s4, v0;
	v17 =	vld [tilespmem:s12+$0x8000];
	[tilespmem:v22+s21+$0x0] =	vst.idx.msk $0xffff, v14;
	v20 =	vadd.f32 v24, v4  }
0x165: {  	v10 =	vor.u32 s14, v1;
	s5 =	sor.u32 s16, s19;
	s2 =	smov.u32 s28;
	s28 =	smov.u32 s18;
	v14 =	vor.u32 s14, v0;
	v15 =	vor.u32 s6, v0;
	v19 =	vld [tilespmem:s18+$0x8000];
	[tilespmem:v6+s21+$0x0] =	vst.idx.msk $0xffff, v23;
	v6 =	vmovc v21  }
0x166: {  	_ =	sdelay $0x1  }
0x167: {  	v21 =	vld [tilespmem:s17+$0x8000]  }
0x168: {  	v16 =	vadd.f32 v16, v5  }
0x169: {  	v22 =	vor.u32 s5, v0;
	[tilespmem:v9+s21+$0x0] =	vst.idx.msk $0xffff, v20;
	v9 =	vld [tilespmem:s2+$0x8010];
	v17 =	vadd.f32 v17, v5  }
0x16a: {  	v20 =	vld [tilespmem:s11+$0x8010];
	v11 =	vadd.f32 v11, v4;
	[tilespmem:v18+s21+$0x0] =	vst.idx.msk $0xffff, v16  }
0x16b: {  	v16 =	vadd.f32 v19, v5;
	v18 =	vld [tilespmem:s1+$0x8010];
	[tilespmem:v14+s21+$0x0] =	vst.idx.msk $0xffff, v17  }
0x16c: {  	[tilespmem:v13+s21+$0x0] =	vst.idx.msk $0xffff, v11;
	v5 =	vadd.f32 v21, v5;
	v14 =	vld [tilespmem:s12+$0x8010]  }
0x16d: {  	v12 =	vadd.f32 v12, v4;
	[tilespmem:v15+s21+$0x0] =	vst.idx.msk $0xffff, v16;
	v15 =	vor.u32 s4, v1  }
0x16e: {  	v9 =	vadd.f32 v9, v4;
	[tilespmem:v22+s21+$0x0] =	vst.idx.msk $0xffff, v5;
	v5 =	vld [tilespmem:s28+$0x8010]  }
0x16f: {  	[tilespmem:v7+s21+$0x0] =	vst.idx.msk $0xffff, v12;
	v7 =	vadd.f32 v20, v4;
	v11 =	vld [tilespmem:s17+$0x8010]  }
0x170: {  	v13 =	vor.u32 s6, v1;
	[tilespmem:v6+s21+$0x0] =	vst.idx.msk $0xffff, v9;
	v6 =	vadd.f32 v18, v4  }
0x171: {  	v12 =	vor.u32 s5, v1;
	[tilespmem:v8+s21+$0x0] =	vst.idx.msk $0xffff, v7;
	v7 =	vadd.f32 v14, v4  }
0x172: {  	[tilespmem:v15+s21+$0x0] =	vst.idx.msk $0xffff, v6  }
0x173: {  	v5 =	vadd.f32 v5, v4;
	[tilespmem:v10+s21+$0x0] =	vst.idx.msk $0xffff, v7  }
0x174: {  	s0 =	sshll.u32 s8, $0x7;
	v4 =	vadd.f32 v11, v4;
	s26 =	rddreg [dreg:$0x18]  }
0x175: {  	s0 =	sand.u32 $0x3C00, s0;
	[tilespmem:v13+s21+$0x0] =	vst.idx.msk $0xffff, v5;
	s1 =	sshll.u32 s26, $0x10  }
0x176: {  	[tilespmem:v12+s21+$0x0] =	vst.idx.msk $0xffff, v4;
	s0 =	sor.u32 s0, s1  }
0x177: {  	s29 =	rddreg [dreg:$0xd];
	s1 =	sadd.s32 s31, s0  }
0x178: {  	[hbm4b:s1+s3] =	stream.linear.scatter [tilespmem:s21], [sflag:$0x9], $0x1000, $0x38;
	[tilespmem:$0x19480] =	vst v63  }
0x179: {  	s30 =	simm.s32 $0x11800;
	s4 =	rddreg [dreg:$0xe];
	s1 =	sadd.s32 s0, s29  }
0x17a: {  	[hbm4b:s1+s3] =	stream.linear.scatter [tilespmem:s30], [sflag:$0x9], $0x1000, $0x38;
	[tilespmem:$0x19480] =	vst v63  }
0x17b: {  	s5 =	simm.s32 $0x12800;
	s6 =	rddreg [dreg:$0xf];
	s1 =	sadd.s32 s0, s4  }
0x17c: {  	[hbm4b:s1+s3] =	stream.linear.scatter [tilespmem:s5], [sflag:$0x9], $0x1000, $0x38;
	[tilespmem:$0x19480] =	vst v63  }
0x17d: {  	s8 =	simm.s32 $0x13800;
	s0 =	sadd.s32 s0, s6  }
0x17e: {  	[hbm4b:s0+s3] =	stream.linear.scatter [tilespmem:s8], [sflag:$0x9], $0x1000, $0x38;
	[tilespmem:$0x19480] =	vst v63  }
0x17f: {  	s0 =	rddreg [dreg:$0x12]  }
0x180: {  	s0 =	sadd.s32 @!p0 s13, s0  }
0x181: {  	s0 =	sshll.u32 @!p0 s0, $0x4  }
0x182: {  	s1 =	rddreg [dreg:$0x3];
	s0 =	sand.u32 @!p0 $0xFFFFF80, s0  }
0x183: {  	s2 =	simm.s32 @!p0 $0x400;
	s0 =	sadd.s32 @!p0 s1, s0;
	s1 =	simm.s32 @!p0 $0x0  }
0x184: {  	[tilespmem:s2], [sflag:$0x3] =	stream.linear.gather @!p0 [hbm4b:s0+s1], $0x200, $0x38;
	[tilespmem:$0x19480] =	vst v63  }
0x185: {  	s0 =	sshll.u32 @!p0 s23, $0x2;
	s1 =	rddreg [dreg:$0x4]  }
0x186: {  	s0 =	sadd.s32 @!p0 s1, s0;
	s1 =	simm.s32 @!p0 $0x2  }
0x187: {  	s0 =	sshrl.u32 @!p0 s0, $0x7;
	_ =	swait.ge @!p0 [sflag:s1], $0x200  }
0x188: {  	s0 =	smul.u32 @!p0 $0x9C40, s0;
	[sflag:s1] =	ssyncset.done @!p0 $0x0  }
0x189: {  	s4 =	simm.s32 @!p0 $0x4800;
	[sflag:s1] =	ssyncadd.s32 @!p0 $0xFFFFFE00;
	s1 =	rddreg [dreg:$0x5]  }
0x18a: {  	s2 =	simm.s32 @!p0 $0x200;
	s0 =	sadd.s32 @!p0 s1, s0;
	s1 =	simm.s32 @!p0 $0x80  }
0x18b: {  	[tilespmem:s4], [sflag:$0x6] =	stream.indirect.gather @!p0 [hbm4b:s0+s1], $0x20, s2, s1, $0xb8;
	[tilespmem:$0x19480] =	vst v63  }
0x18c: {  	s2 =	simm.s32 @!p0 $0x280;
	s4 =	simm.s32 @!p0 $0x5800  }
0x18d: {  	[tilespmem:s4], [sflag:$0x6] =	stream.indirect.gather @!p0 [hbm4b:s0+s1], $0x20, s2, s1, $0xb8;
	[tilespmem:$0x19480] =	vst v63  }
0x18e: {  	s2 =	simm.s32 @!p0 $0x300;
	s4 =	simm.s32 @!p0 $0x6800  }
0x18f: {  	[tilespmem:s4], [sflag:$0x6] =	stream.indirect.gather @!p0 [hbm4b:s0+s1], $0x20, s2, s1, $0xb8;
	[tilespmem:$0x19480] =	vst v63  }
0x190: {  	s2 =	simm.s32 @!p0 $0x380;
	s4 =	simm.s32 @!p0 $0x7800  }
0x191: {  	[tilespmem:s4], [sflag:$0x6] =	stream.indirect.gather @!p0 [hbm4b:s0+s1], $0x20, s2, s1, $0xb8;
	[tilespmem:$0x19480] =	vst v63  }
0x192: {  	_ =	swait.ge [sflag:s7], $0x1000  }
0x193: {  	[sflag:s7] =	ssyncset.done $0x0  }
0x194: {  	[sflag:s7] =	ssyncadd.s32 $0xFFFFF000  }
0x195: {  	_ =	swait.ge [sflag:s7], $0x1000  }
0x196: {  	[sflag:s7] =	ssyncset.done $0x0  }
0x197: {  	[sflag:s7] =	ssyncadd.s32 $0xFFFFF000  }
0x198: {  	_ =	swait.ge [sflag:s7], $0x1000  }
0x199: {  	[sflag:s7] =	ssyncset.done $0x0  }
0x19a: {  	[sflag:s7] =	ssyncadd.s32 $0xFFFFF000  }
0x19b: {  	_ =	swait.ge [sflag:s7], $0x1000  }
0x19c: {  	[sflag:s7] =	ssyncset.done $0x0  }
0x19d: {  	[sflag:s7] =	ssyncadd.s32 $0xFFFFF000  }
0x19e: {  	_ =	swait.ge [sflag:s9], $0x1000  }
0x19f: {  	[sflag:s9] =	ssyncset.done $0x0  }
0x1a0: {  	[sflag:s9] =	ssyncadd.s32 $0xFFFFF000  }
0x1a1: {  	_ =	swait.ge [sflag:s9], $0x1000  }
0x1a2: {  	[sflag:s9] =	ssyncset.done $0x0  }
0x1a3: {  	[sflag:s9] =	ssyncadd.s32 $0xFFFFF000  }
0x1a4: {  	_ =	swait.ge [sflag:s9], $0x1000  }
0x1a5: {  	s11 =	simm.s32 $0x0;
	s12 =	simm.s32 $0x0;
	[sflag:s9] =	ssyncset.done $0x0  }
0x1a6: {  	s0 =	sand.u32 $0x7C, s11;
	s1 =	sand.u32 $0x3FFFF000, s12;
	[sflag:s9] =	ssyncadd.s32 $0xFFFFF000  }
0x1a7: {  	s15 =	sor.u32 $0x3, s0;
	s1 =	sor.u32 $0x800, s1;
	_ =	swait.ge [sflag:s9], $0x1000  }
0x1a8: {  	s16 =	sshll.u32 s15, $0x5;
	[sflag:s9] =	ssyncset.done $0x0;
	s28 =	rddreg [dreg:$0x17]  }
0x1a9: {  	s5 =	sadd.s32 s16, s1;
	[sflag:s9] =	ssyncadd.s32 $0xFFFFF000;
	s14 =	sand.u32 $0x7F80, s28  }
0x1aa: {  	s17 =	simm.s32 $0x0;
	s2 =	sshrl.u32 s14, $0x2;
	v6 =	vld [tilespmem:s5+$0xC000]  }
0x1ab: {  	s6 =	sand.u32 $0xFFFFFC00, s17;
	v5 =	vld [tilespmem:s2+$0x18800]  }
0x1ac: {  	s18 =	sshll.u32 s0, $0x5;
	s4 =	sor.u32 s15, s6  }
0x1ad: {  	s26 =	simm.s32 $0x80;
	s8 =	sadd.s32 s18, s1;
	v7 =	vor.u32 s4, v2  }
0x1ae: {  	s19 =	sor.u32 $0x1, s0;
	s23 =	sor.u32 $0x2, s0;
	s0 =	sor.u32 s0, s6;
	v8 =	vld [tilespmem:s8+$0xC000]  }
0x1af: {  	s15 =	sshll.u32 s23, $0x5;
	s16 =	simm.s32 $0x4;
	s14 =	sshll.u32 s19, $0x5  }
0x1b0: {  	s11 =	sor.u32 s19, s6;
	v9 =	vor.u32 s0, v2;
	s16 =	sand.u32 $0x7C, s16;
	s14 =	sadd.s32 s14, s1;
	v4 =	vld [tilespmem:s2+$0x18810];
	v6 =	vadd.f32 v6, v5  }
0x1b1: {  	s15 =	sadd.s32 s15, s1;
	s17 =	sor.u32 $0x3, s16;
	s2 =	sand.u32 $0x3FFFF000, s26;
	v10 =	vld [tilespmem:s14+$0xC000]  }
0x1b2: {  	s29 =	sshll.u32 s17, $0x5;
	v11 =	vld [tilespmem:s15+$0xC000];
	s1 =	sor.u32 s23, s6;
	s6 =	sor.u32 $0x800, s2;
	[tilespmem:v7+s21+$0x0] =	vst.idx.msk $0xffff, v6  }
0x1b3: {  	s30 =	simm.s32 $0x20;
	s19 =	sshll.u32 s16, $0x5;
	s18 =	sadd.s32 s29, s6;
	v6 =	vor.u32 s11, v2;
	v7 =	vadd.f32 v8, v5;
	v8 =	vld [tilespmem:s5+$0xC010]  }
0x1b4: {  	s12 =	sand.u32 $0xFFFFFC00, s30;
	s23 =	sor.u32 $0x1, s16;
	v12 =	vor.u32 s1, v2;
	s19 =	sadd.s32 s19, s6;
	v13 =	vld [tilespmem:s18+$0xC000]  }
0x1b5: {  	s17 =	sor.u32 s17, s12;
	s26 =	sor.u32 $0x2, s16;
	s29 =	sshll.u32 s23, $0x5;
	[tilespmem:v9+s21+$0x0] =	vst.idx.msk $0xffff, v7;
	v7 =	vor.u32 s4, v3;
	v9 =	vld [tilespmem:s19+$0xC000]  }
0x1b6: {  	v15 =	vor.u32 s17, v2;
	s16 =	sor.u32 s16, s12;
	s30 =	sshll.u32 s26, $0x5;
	s2 =	sadd.s32 s29, s6;
	v10 =	vadd.f32 v10, v5;
	v14 =	vld [tilespmem:s8+$0xC010]  }
0x1b7: {  	v16 =	vor.u32 s16, v2;
	v17 =	vld [tilespmem:s2+$0xC000];
	v11 =	vadd.f32 v11, v5;
	s8 =	sadd.s32 s30, s6  }
0x1b8: {  	v18 =	vor.u32 s0, v3;
	s0 =	simm.s32 $0x8;
	s4 =	sor.u32 s23, s12;
	[tilespmem:v6+s21+$0x0] =	vst.idx.msk $0xffff, v10;
	v6 =	vld [tilespmem:s8+$0xC000];
	v8 =	vadd.f32 v8, v4  }
0x1b9: {  	[tilespmem:v12+s21+$0x0] =	vst.idx.msk $0xffff, v11;
	s5 =	sor.u32 s26, s12;
	s26 =	simm.s32 $0x100;
	v11 =	vadd.f32 v13, v5;
	s6 =	sand.u32 $0x7C, s0;
	v10 =	vor.u32 s4, v2;
	v13 =	vld [tilespmem:s14+$0xC010]  }
0x1ba: {  	v19 =	vor.u32 s5, v2;
	s12 =	sand.u32 $0x3FFFF000, s26;
	s23 =	sor.u32 $0x3, s6;
	[tilespmem:v7+s21+$0x0] =	vst.idx.msk $0xffff, v8;
	v7 =	vadd.f32 v9, v5  }
0x1bb: {  	v21 =	vor.u32 s11, v3;
	v20 =	vld [tilespmem:s15+$0xC010];
	s15 =	sor.u32 $0x800, s12;
	[tilespmem:v15+s21+$0x0] =	vst.idx.msk $0xffff, v11;
	s30 =	simm.s32 $0x40;
	s29 =	sshll.u32 s23, $0x5;
	v8 =	vadd.f32 v14, v4  }
0x1bc: {  	s26 =	sor.u32 $0x2, s6;
	v11 =	vld [tilespmem:s18+$0xC010];
	s14 =	sor.u32 $0x1, s6;
	v14 =	vadd.f32 v17, v5;
	v9 =	vor.u32 s1, v3;
	s1 =	sadd.s32 s29, s15;
	[tilespmem:v16+s21+$0x0] =	vst.idx.msk $0xffff, v7  }
0x1bd: {  	s18 =	sshll.u32 s14, $0x5;
	s29 =	sshll.u32 s26, $0x5;
	v7 =	vor.u32 s16, v3;
	[tilespmem:v18+s21+$0x0] =	vst.idx.msk $0xffff, v8;
	s16 =	sand.u32 $0xFFFFFC00, s30;
	v15 =	vadd.f32 v6, v5;
	v16 =	vld [tilespmem:s1+$0xC000]  }
0x1be: {  	s12 =	sadd.s32 s18, s15;
	v6 =	vor.u32 s4, v3;
	v8 =	vor.u32 s5, v3;
	[tilespmem:v10+s21+$0x0] =	vst.idx.msk $0xffff, v14;
	v12 =	vld [tilespmem:s19+$0xC010];
	s19 =	sshll.u32 s6, $0x5;
	v22 =	vadd.f32 v13, v4;
	s30 =	sor.u32 s6, s16  }
0x1bf: {  	v13 =	vor.u32 s17, v3;
	s4 =	sor.u32 s23, s16;
	s6 =	sor.u32 s14, s16;
	s11 =	sadd.s32 s19, s15;
	v14 =	vor.u32 s30, v2;
	v10 =	vor.u32 s30, v3;
	[tilespmem:v19+s21+$0x0] =	vst.idx.msk $0xffff, v15;
	v19 =	vld [tilespmem:s12+$0xC000]  }
0x1c0: {  	v20 =	vadd.f32 v20, v4;
	s17 =	sadd.s32 s29, s15;
	s5 =	sor.u32 s26, s16;
	v18 =	vor.u32 s4, v2;
	v15 =	vor.u32 s6, v2;
	v17 =	vld [tilespmem:s11+$0xC000];
	[tilespmem:v21+s21+$0x0] =	vst.idx.msk $0xffff, v22  }
.LBB2_9:
0x1c1: {  	s0 =	sadd.s32 $0x4, s0  }
0x1c2: {  	v21 =	vor.u32 s6, v3;
	v22 =	vor.u32 s5, v2;
	v23 =	vld [tilespmem:s17+$0xC000];
	v11 =	vadd.f32 v11, v4;
	[tilespmem:v9+s21+$0x0] =	vst.idx.msk $0xffff, v20;
	v9 =	vmovc v8;
	s6 =	smov.u32 s8;
	s8 =	smov.u32 s17;
	s14 =	sand.u32 $0x7C, s0  }
0x1c3: {  	v8 =	vor.u32 s5, v3;
	s15 =	sshll.u32 s0, $0x5;
	p1 =	slt.u32 s0, $0x1FC;
	v16 =	vadd.f32 v16, v5;
	v20 =	vld [tilespmem:s2+$0xC010];
	s17 =	sshll.u32 s0, $0x3  }
0x1c4: {  	s2 =	sand.u32 $0x3FFFF000, s15;
	s5 =	sor.u32 $0x1, s14;
	s15 =	sor.u32 $0x3, s14;
	v12 =	vadd.f32 v12, v4;
	v24 =	vld [tilespmem:s6+$0xC010];
	[tilespmem:v13+s21+$0x0] =	vst.idx.msk $0xffff, v11  }
0x1c5: {  	s16 =	sor.u32 $0x2, s14;
	s2 =	sor.u32 $0x800, s2;
	s6 =	sshll.u32 s15, $0x5;
	v13 =	vadd.f32 v17, v5;
	[tilespmem:v18+s21+$0x0] =	vst.idx.msk $0xffff, v16  }
.Ltmp5:
0x1c6: {  	s18 =	sshll.u32 s5, $0x5;
	v17 =	vadd.f32 v19, v5;
	v11 =	vld [tilespmem:s1+$0xC010];
	s1 =	sadd.s32 s6, s2;
	[tilespmem:v7+s21+$0x0] =	vst.idx.msk $0xffff, v12;
	(pc) =	sbr.rel @p1 .LBB2_9-.Ltmp5, $4  }
0x1c7: {  	s19 =	sand.u32 $0xFFFFFC00, s17;
	s17 =	sshll.u32 s16, $0x5;
	s6 =	sshll.u32 s14, $0x5;
	v7 =	vmov v10;
	v16 =	vld [tilespmem:s1+$0xC000];
	[tilespmem:v14+s21+$0x0] =	vst.idx.msk $0xffff, v13;
	v14 =	vadd.f32 v23, v5  }
0x1c8: {  	s18 =	sadd.s32 s18, s2;
	v13 =	vor.u32 s4, v3;
	s4 =	sor.u32 s15, s19;
	v12 =	vld [tilespmem:s11+$0xC010];
	s11 =	sadd.s32 s6, s2;
	[tilespmem:v15+s21+$0x0] =	vst.idx.msk $0xffff, v17;
	v23 =	vadd.f32 v20, v4  }
0x1c9: {  	s14 =	sor.u32 s14, s19;
	s17 =	sadd.s32 s17, s2;
	s6 =	sor.u32 s5, s19;
	v18 =	vor.u32 s4, v2;
	v17 =	vld [tilespmem:s11+$0xC000];
	[tilespmem:v22+s21+$0x0] =	vst.idx.msk $0xffff, v14;
	v20 =	vadd.f32 v24, v4  }
0x1ca: {  	v10 =	vor.u32 s14, v3;
	s5 =	sor.u32 s16, s19;
	s2 =	smov.u32 s12;
	s12 =	smov.u32 s18;
	v14 =	vor.u32 s14, v2;
	v15 =	vor.u32 s6, v2;
	v19 =	vld [tilespmem:s18+$0xC000];
	[tilespmem:v6+s21+$0x0] =	vst.idx.msk $0xffff, v23;
	v6 =	vmovc v21  }
0x1cb: {  	_ =	sdelay $0x1  }
0x1cc: {  	v21 =	vld [tilespmem:s17+$0xC000]  }
0x1cd: {  	v16 =	vadd.f32 v16, v5  }
0x1ce: {  	v22 =	vor.u32 s5, v2;
	[tilespmem:v9+s21+$0x0] =	vst.idx.msk $0xffff, v20;
	v54 =	vld [tilespmem:s2+$0xC010];
	v17 =	vadd.f32 v17, v5  }
0x1cf: {  	v55 =	vld [tilespmem:s8+$0xC010];
	v11 =	vadd.f32 v11, v4;
	[tilespmem:v18+s21+$0x0] =	vst.idx.msk $0xffff, v16  }
0x1d0: {  	v56 =	vadd.f32 v19, v5;
	v18 =	vld [tilespmem:s1+$0xC010];
	[tilespmem:v14+s21+$0x0] =	vst.idx.msk $0xffff, v17  }
0x1d1: {  	[tilespmem:v13+s21+$0x0] =	vst.idx.msk $0xffff, v11;
	v5 =	vadd.f32 v21, v5;
	v14 =	vld [tilespmem:s11+$0xC010]  }
0x1d2: {  	v57 =	vor.u32 s4, v3;
	v12 =	vadd.f32 v12, v4;
	[tilespmem:v15+s21+$0x0] =	vst.idx.msk $0xffff, v56  }
0x1d3: {  	v9 =	vadd.f32 v54, v4;
	[tilespmem:v22+s21+$0x0] =	vst.idx.msk $0xffff, v5;
	v5 =	vld [tilespmem:s12+$0xC010]  }
0x1d4: {  	[tilespmem:v7+s21+$0x0] =	vst.idx.msk $0xffff, v12;
	v60 =	vadd.f32 v55, v4;
	v58 =	vld [tilespmem:s17+$0xC010]  }
0x1d5: {  	v59 =	vor.u32 s6, v3;
	[tilespmem:v6+s21+$0x0] =	vst.idx.msk $0xffff, v9;
	v62 =	vadd.f32 v18, v4  }
0x1d6: {  	v61 =	vor.u32 s5, v3;
	[tilespmem:v8+s21+$0x0] =	vst.idx.msk $0xffff, v60;
	v63 =	vadd.f32 v14, v4  }
0x1d7: {  	[tilespmem:v57+s21+$0x0] =	vst.idx.msk $0xffff, v62  }
0x1d8: {  	v5 =	vadd.f32 v5, v4;
	[tilespmem:v10+s21+$0x0] =	vst.idx.msk $0xffff, v63  }
0x1d9: {  	s0 =	sshll.u32 s28, $0x7;
	v4 =	vadd.f32 v58, v4;
	s18 =	rddreg [dreg:$0x16]  }
0x1da: {  	s0 =	sand.u32 $0x3E00, s0;
	[tilespmem:v59+s21+$0x0] =	vst.idx.msk $0xffff, v5;
	s1 =	sshll.u32 s18, $0x10  }
0x1db: {  	[tilespmem:v61+s21+$0x0] =	vst.idx.msk $0xffff, v4;
	s0 =	sor.u32 s0, s1  }
0x1dc: {  	s19 =	simm.s32 $0x14800;
	s23 =	rddreg [dreg:$0xd];
	s1 =	sadd.s32 s31, s0  }
0x1dd: {  	[hbm4b:s1+s3] =	stream.linear.scatter [tilespmem:s19], [sflag:$0xA], $0x1000, $0x38;
	[tilespmem:$0x19480] =	vst v63  }
0x1de: {  	s26 =	simm.s32 $0x15800;
	s1 =	sadd.s32 s0, s23  }
0x1df: {  	[hbm4b:s1+s3] =	stream.linear.scatter [tilespmem:s26], [sflag:$0xA], $0x1000, $0x38;
	[tilespmem:$0x19480] =	vst v63  }
.Ltmp6:
0x1e0: {  	s28 =	rddreg [dreg:$0xe];
	(pc) =	sbr.rel @p0 .LBB2_12-.Ltmp6, $4  }
0x1e1: {  	s29 =	simm.s32 $0x16800;
	s30 =	rddreg [dreg:$0xf];
	s1 =	sadd.s32 s0, s28  }
0x1e2: {  	[hbm4b:s1+s3] =	stream.linear.scatter [tilespmem:s29], [sflag:$0xA], $0x1000, $0x38;
	[tilespmem:$0x19480] =	vst v63  }
0x1e3: {  	s31 =	simm.s32 $0x17800;
	s0 =	sadd.s32 s0, s30;
	s26 =	simm.s32 $0x600  }
0x1e4: {  	[hbm4b:s0+s3] =	stream.linear.scatter [tilespmem:s31], [sflag:$0xA], $0x1000, $0x38;
	[tilespmem:$0x19480] =	vst v63  }
0x1e5: {  	s0 =	rddreg [dreg:$0x13]  }
.Ltmp7:
0x1e6: {  	s0 =	sadd.s32 s13, s0;
	(pc) =	sbr.rel .LBB2_2-.Ltmp7, $4  }
0x1e7: {  	s0 =	sshll.u32 s0, $0x4  }
0x1e8: {  	s1 =	rddreg [dreg:$0x3];
	s0 =	sand.u32 $0xFFFFFC0, s0  }
0x1e9: {  	s20 =	sadd.s32 $0x1, s20;
	s0 =	sadd.s32 s1, s0  }
0x1ea: {  	[tilespmem:s26], [sflag:$0x4] =	stream.linear.gather [hbm4b:s0+s3], $0x200, $0x38;
	[tilespmem:$0x19480] =	vst v63  }
.LBB2_13:
0x1eb: {  	_ =	sfence.sel $0x180000  }
0x1ec: {  	[bflag:$0x0] =	sbarrier.arrive $0xFFFF  }
0x1ed: {  	_ =	strace $0x90000047  }
0x1ee: {  	s0 =	stileid.u32;
	[bflag:$0x2] =	sbarrier.arrive $0xFFFF  }
0x1ef: {  	p0 =	sne.s32 s0, $0x0;
	s0 =	rddreg [dreg:$0x2]  }
0x1f0: {  	s0 =	sadd.s32 @!p0 $0x100000, s0  }
0x1f1: {  	[sflag:s0] =	ssyncadd.tile.s32 @!p0 $0x1;
	_ =	shalt  }
.Lfunc_end2:
_tile_overlayer_lowered:
.L_overlay_start_2:
0x1f2: {  	(tag) =	ssettag $0x2  }
0x1f3: {  	s0 =	rddreg [dreg:$0x0];
	s2 =	stileid.u32  }
0x1f4: {  	s1 =	rddreg [dreg:$0x1];
	p0 =	sne.s32 s2, $0x0  }
0x1f5: {  	s3 =	rddreg [dreg:$0x2];
	[bflag:$0x3] =	sbarrier.arrive $0xFFFF;
	s2 =	simm.s32 @!p0 $0x1C0B  }
0x1f6: {  	[timem:s3], [sflag:s2] =	dma.local @!p0 [hbm:s0], s1  }
0x1f7: {  	s0 =	simm.s32 @!p0 $0xB  }
0x1f8: {  	_ =	swait.ge @!p0 [sflag:s0], s1  }
0x1f9: {  	s1 =	ssub.s32 @!p0 $0x0, s1;
	[sflag:s0] =	ssyncset.done @!p0 $0x0  }
0x1fa: {  	[sflag:s0] =	ssyncadd.s32 @!p0 s1  }
0x1fb: {  	[bflag:$0x3] =	sbarrier.arrive $0xFFFF  }
0x1fc: {  	_ =	shalt  }

</sc_bundles>
